<compile_context>
chip_gen: v7x
topology: tpu7x:2x2x1
jax: 0.10.2.dev20260603
libtpu: 0.0.44.dev20260713+nightly
codegen_flags: <defaults>
</compile_context>

<pallas_src>
import functools

import jax
import jax.numpy as jnp
from jax import lax
from jax.experimental import pallas as pl
from jax.experimental.pallas import tpu as pltpu
from jax.experimental.pallas import tpu_sc as plsc

N = 8192
D_IN = 512
D_HID = 2048
D_MODEL = 2048
TILE = 512
NT = N // TILE + 1
M = NT * TILE

_R = 64
_C = 128



def _rank_body(t_ref, rank_ref, c0p_ref):
    t = t_ref[...]
    is0 = (t == 0).astype(jnp.float32)
    k = lax.broadcasted_iota(jnp.int32, (_C, _C), 0)
    j = lax.broadcasted_iota(jnp.int32, (_C, _C), 1)
    upper = (k <= j).astype(jnp.float32)
    cum_lane = lax.dot_general(is0, upper, (((1,), (0,)), ((), ())),
                               preferred_element_type=jnp.float32)
    row_tot = cum_lane[:, _C - 1:_C]
    i2 = lax.broadcasted_iota(jnp.int32, (_R, _R), 0)
    j2 = lax.broadcasted_iota(jnp.int32, (_R, _R), 1)
    lower = (j2 < i2).astype(jnp.float32)
    row_off = lax.dot_general(lower, row_tot, (((1,), (0,)), ((), ())),
                              preferred_element_type=jnp.float32)
    cum0 = (cum_lane + row_off).astype(jnp.int32)
    c0 = jnp.sum(is0).astype(jnp.int32)
    c0p = ((c0 + TILE - 1) // TILE) * TILE
    gi = (lax.broadcasted_iota(jnp.int32, (_R, _C), 0) * _C
          + lax.broadcasted_iota(jnp.int32, (_R, _C), 1))
    rank_ref[...] = jnp.where(t == 0, cum0 - 1, c0p + gi - cum0)
    c0p_ref[0, 0] = c0p


def _compute_rank(types2d):
    return pl.pallas_call(
        _rank_body,
        out_shape=(jax.ShapeDtypeStruct((_R, _C), jnp.int32),
                   jax.ShapeDtypeStruct((1, 1), jnp.int32)),
        out_specs=(pl.BlockSpec(memory_space=pltpu.VMEM),
                   pl.BlockSpec(memory_space=pltpu.SMEM)),
    )(types2d)



_NC = 2
_NS = 16
_NW = _NC * _NS
_RPW = N // _NW
_SCAT_CHUNK = 64
_GATH_CHUNK = 16

@functools.lru_cache(maxsize=None)
def _make_sc_scatter():
    mesh = plsc.VectorSubcoreMesh(core_axis_name="c", subcore_axis_name="s")

    @functools.partial(
        pl.kernel, mesh=mesh,
        out_type=jax.ShapeDtypeStruct((M, D_IN), jnp.float32),
        scratch_types=[
            pltpu.VMEM((_SCAT_CHUNK,), jnp.int32),
            pltpu.VMEM((_SCAT_CHUNK,), jnp.int32),
            pltpu.VMEM((_SCAT_CHUNK, D_IN), jnp.float32),
            pltpu.VMEM((_SCAT_CHUNK, D_IN), jnp.float32),
            pltpu.SemaphoreType.DMA,
            pltpu.SemaphoreType.DMA,
            pltpu.SemaphoreType.DMA,
            pltpu.SemaphoreType.DMA,
            pltpu.SemaphoreType.DMA,
            pltpu.SemaphoreType.DMA,
        ],
    )
    def _sc_scatter(x_hbm, rank_hbm, xs_hbm, idx0, idx1, rows0, rows1,
                    si0, si1, sx0, sx1, ss0, ss1):
        wid = lax.axis_index("s") * _NC + lax.axis_index("c")
        base = wid * _RPW
        nch = _RPW // _SCAT_CHUNK
        idx = (idx0, idx1)
        rows = (rows0, rows1)
        semi = (si0, si1)
        semx = (sx0, sx1)
        sems = (ss0, ss1)

        def load(c, b):
            off = base + c * _SCAT_CHUNK
            return (
                pltpu.async_copy(rank_hbm.at[pl.ds(off, _SCAT_CHUNK)],
                                 idx[b], semi[b]),
                pltpu.async_copy(x_hbm.at[pl.ds(off, _SCAT_CHUNK)],
                                 rows[b], semx[b]),
            )

        ld = [load(0, 0), load(1, 1)]
        sd = [None, None]
        for c in range(nch):
            b = c & 1
            nb = b ^ 1
            ld[b][0].wait()
            ld[b][1].wait()
            sd[b] = pltpu.async_copy(rows[b], xs_hbm.at[idx[b]], sems[b])
            if c >= 1 and c + 1 < nch:
                sd[nb].wait()
                sd[nb] = None
                ld[nb] = load(c + 1, nb)
        for d in sd:
            if d is not None:
                d.wait()

    return _sc_scatter


@functools.lru_cache(maxsize=None)
def _make_sc_gather():
    mesh = plsc.VectorSubcoreMesh(core_axis_name="c", subcore_axis_name="s")
    nch = _RPW // _GATH_CHUNK

    @functools.partial(
        pl.kernel, mesh=mesh,
        out_type=jax.ShapeDtypeStruct((N, D_MODEL), jnp.float32),
        scratch_types=[
            pltpu.VMEM((_RPW,), jnp.int32),
            pltpu.VMEM((_GATH_CHUNK, D_MODEL), jnp.float32),
            pltpu.VMEM((_GATH_CHUNK, D_MODEL), jnp.float32),
            pltpu.VMEM((_GATH_CHUNK, D_MODEL), jnp.float32),
            pltpu.SemaphoreType.DMA,
            pltpu.SemaphoreType.DMA,
            pltpu.SemaphoreType.DMA,
            pltpu.SemaphoreType.DMA,
            pltpu.SemaphoreType.DMA,
            pltpu.SemaphoreType.DMA,
        ],
    )
    def _sc_gather(enc_hbm, rank_hbm, out_hbm, idx_all, rows0, rows1, rows2,
                   sg0, sg1, sg2, so0, so1, so2):
        wid = lax.axis_index("s") * _NC + lax.axis_index("c")
        base = wid * _RPW
        rows = (rows0, rows1, rows2)
        semg = (sg0, sg1, sg2)
        semo = (so0, so1, so2)
        pltpu.sync_copy(rank_hbm.at[pl.ds(base, _RPW)], idx_all)

        def gath(c, b):
            return pltpu.async_copy(
                enc_hbm.at[idx_all.at[pl.ds(c * _GATH_CHUNK, _GATH_CHUNK)]],
                rows[b], semg[b])

        def wrb(c, b):
            return pltpu.async_copy(
                rows[b],
                out_hbm.at[pl.ds(base + c * _GATH_CHUNK, _GATH_CHUNK)],
                semo[b])

        gd = [gath(j, j) for j in range(3)]
        wd = [None, None, None]
        for c in range(nch):
            b = c % 3
            gd[b].wait()
            wd[b] = wrb(c, b)
            if c + 3 < nch:
                wd[b].wait()
                wd[b] = None
                gd[b] = gath(c + 3, b)
        for d in wd:
            if d is not None:
                d.wait()

    return _sc_gather




def _mlp_body(eid_ref, xs_ref, w0_ref, b0_ref, w1_ref, b1_ref, out_ref):
    del eid_ref
    xt = xs_ref[...].astype(jnp.bfloat16)
    h = jnp.maximum(
        lax.dot_general(xt, w0_ref[0], (((1,), (0,)), ((), ())),
                        preferred_element_type=jnp.float32) + b0_ref[0], 0.0)
    out_ref[...] = lax.dot_general(
        h.astype(jnp.bfloat16), w1_ref[0], (((1,), (0,)), ((), ())),
        preferred_element_type=jnp.float32) + b1_ref[0]


def _run_mlp(expert_ids, xs, w0s, b0s, w1s, b1s):
    grid_spec = pltpu.PrefetchScalarGridSpec(
        num_scalar_prefetch=1,
        grid=(NT,),
        in_specs=[
            pl.BlockSpec((TILE, D_IN), lambda i, eid: (i, 0)),
            pl.BlockSpec((1, D_IN, D_HID), lambda i, eid: (eid[i], 0, 0)),
            pl.BlockSpec((1, 1, D_HID), lambda i, eid: (eid[i], 0, 0)),
            pl.BlockSpec((1, D_HID, D_MODEL), lambda i, eid: (eid[i], 0, 0)),
            pl.BlockSpec((1, 1, D_MODEL), lambda i, eid: (eid[i], 0, 0)),
        ],
        out_specs=pl.BlockSpec((TILE, D_MODEL), lambda i, eid: (i, 0)),
    )
    return pl.pallas_call(
        _mlp_body,
        grid_spec=grid_spec,
        out_shape=jax.ShapeDtypeStruct((M, D_MODEL), jnp.float32),
        compiler_params=pltpu.CompilerParams(
            dimension_semantics=("parallel",)),
    )(expert_ids, xs, w0s, b0s, w1s, b1s)




def kernel(x, types, W0_0, b0_0, W1_0, b1_0, W0_1, b0_1, W1_1, b1_1):
    types2d = types.astype(jnp.int32).reshape(_R, _C)
    rank2d, c0p = _compute_rank(types2d)
    rank = rank2d.reshape(N)
    expert_ids = (jnp.arange(NT, dtype=jnp.int32) * TILE >= c0p[0, 0]
                  ).astype(jnp.int32)
    w0s = jnp.stack([W0_0, W0_1]).astype(jnp.bfloat16)
    b0s = jnp.stack([b0_0, b0_1]).reshape(2, 1, D_HID)
    w1s = jnp.stack([W1_0, W1_1]).astype(jnp.bfloat16)
    b1s = jnp.stack([b1_0, b1_1]).reshape(2, 1, D_MODEL)
    xs = _make_sc_scatter()(x, rank)
    enc = _run_mlp(expert_ids, xs, w0s, b0s, w1s, b1s)
    return _make_sc_gather()(enc, rank)

# --- scband reference (transcript-rebuilt; emitter-appended) ---
"""Pipeline reference for scband-trajectory-encoder-44744969290515 (READ-ONLY COPY).

The authoritative reference and input builder live on the scoring server;
editing this copy changes nothing except your own understanding.
"""

import jax, jax.numpy as jnp
import numpy as np

N = 8192
D_IN = 512
D_HID = 2048
D_MODEL = 2048
NTYPES = 2


def setup_inputs(seed: int = 0) -> dict:
    key = jax.random.key(seed)
    ks = jax.random.split(key, 2 + 4 * NTYPES)
    x = jax.random.normal(ks[0], (N, D_IN), dtype=jnp.float32)
    types = jax.random.randint(ks[1], (N,), 0, NTYPES, dtype=jnp.int64 if jax.config.jax_enable_x64 else jnp.int32)
    inp = {"x": x, "types": types}
    s0 = 1.0 / np.sqrt(D_IN)
    s1 = 1.0 / np.sqrt(D_HID)
    for e in range(NTYPES):
        base = 2 + 4 * e
        inp[f"W0_{e}"] = jax.random.uniform(ks[base + 0], (D_IN, D_HID), minval=-s0, maxval=s0, dtype=jnp.float32)
        inp[f"b0_{e}"] = jax.random.uniform(ks[base + 1], (D_HID,), minval=-s0, maxval=s0, dtype=jnp.float32)
        inp[f"W1_{e}"] = jax.random.uniform(ks[base + 2], (D_HID, D_MODEL), minval=-s1, maxval=s1, dtype=jnp.float32)
        inp[f"b1_{e}"] = jax.random.uniform(ks[base + 3], (D_MODEL,), minval=-s1, maxval=s1, dtype=jnp.float32)
    return inp


def reference(x, types, W0_0, b0_0, W1_0, b1_0, W0_1, b0_1, W1_1, b1_1):
    # Faithful translation of TrajectoryEncoder.forward:
    # route tokens by type id to per-type encoder MLPs, concat, then
    # invert the permutation so outputs line up with the input order.
    n = x.shape[0]
    expert_params = [(W0_0, b0_0, W1_0, b1_0), (W0_1, b0_1, W1_1, b1_1)]
    encodings = []
    perms = []
    for tid, (W0, b0, W1, b1) in enumerate(expert_params):
        idx = jnp.where(types == tid, size=n, fill_value=n)[0]
        type_batch = x[idx]
        h = jnp.maximum(type_batch @ W0 + b0, 0.0)
        enc = h @ W1 + b1
        encodings.append(enc)
        perms.append(idx)
    permutation = jnp.concatenate(perms)
    trajectory_encoding = jnp.concatenate(encodings, axis=0)
    trajectory_encoding = trajectory_encoding[jnp.argsort(permutation)[:n], :]
    return trajectory_encoding

if __name__ == "__main__":
    import jax
    _d = setup_inputs()
    print(jax.jit(kernel)(*tuple(_d.values())))

</pallas_src>

<mosaic_0001>
#map = affine_map<(d0, d1) -> (0, 0)>
#map1 = affine_map<(d0, d1) -> (0)>
module attributes {stable_mosaic.version = 14 : i64} {
  func.func @_sc_gather(%arg0: i32, %arg1: i32, %arg2: memref<8704x2048xf32, #tpu.memory_space<hbm>>, %arg3: memref<8192xi32, #tpu.memory_space<hbm>>, %arg4: memref<8192x2048xf32, #tpu.memory_space<hbm>>, %arg5: memref<256xi32, #tpu.memory_space<vmem>>, %arg6: memref<16x2048xf32, #tpu.memory_space<vmem>>, %arg7: memref<16x2048xf32, #tpu.memory_space<vmem>>, %arg8: memref<16x2048xf32, #tpu.memory_space<vmem>>, %arg9: memref<!tpu.dma_semaphore, #tpu.memory_space<semaphore_mem>>, %arg10: memref<!tpu.dma_semaphore, #tpu.memory_space<semaphore_mem>>, %arg11: memref<!tpu.dma_semaphore, #tpu.memory_space<semaphore_mem>>, %arg12: memref<!tpu.dma_semaphore, #tpu.memory_space<semaphore_mem>>, %arg13: memref<!tpu.dma_semaphore, #tpu.memory_space<semaphore_mem>>, %arg14: memref<!tpu.dma_semaphore, #tpu.memory_space<semaphore_mem>>) attributes {dimension_semantics = [#tpu.dimension_semantics<core_parallel>, #tpu.dimension_semantics<subcore_parallel>], iteration_bounds = array<i64: 2, 16>, scalar_prefetch = 0 : i64, scratch_operands = 10 : i64, tpu.core_type = #tpu.core_type<sc_vector_subcore>, window_params = [{transform_indices = #map}, {transform_indices = #map1}, {transform_indices = #map}]} {
    %mul3A = arith.constant 2 : i32
    %mul3A_0 = arith.muli %arg1, %mul3A : i32
    %add3A = arith.addi %mul3A_0, %arg0 : i32
    %mul3A_1 = arith.constant 256 : i32
    %mul3A_2 = arith.muli %add3A, %mul3A_1 : i32
    "tpu.region"() ({
      %run_scoped3A = tpu.sem_alloc : memref<!tpu.dma_semaphore, #tpu.memory_space<semaphore_mem>>
      %dma_start3A_321 = tpu.memref_slice %arg3[%mul3A_2] : memref<8192xi32, #tpu.memory_space<hbm>> -> memref<256xi32, #tpu.memory_space<hbm>>
      %dma_start3A_322 = tpu.memref_slice %arg3[%mul3A_2] : memref<8192xi32, #tpu.memory_space<hbm>> -> memref<256xi32, #tpu.memory_space<hbm>>
      tpu.enqueue_dma source(%dma_start3A_322 : memref<256xi32, #tpu.memory_space<hbm>>) target(%arg5 : memref<256xi32, #tpu.memory_space<vmem>>) target_semaphore(%run_scoped3A : memref<!tpu.dma_semaphore, #tpu.memory_space<semaphore_mem>>)
      %dma_wait3A_323 = tpu.memref_slice %arg3[%mul3A_2] : memref<8192xi32, #tpu.memory_space<hbm>> -> memref<256xi32, #tpu.memory_space<hbm>>
      %dma_wait3A_324 = tpu.memref_slice %arg3[%mul3A_2] : memref<8192xi32, #tpu.memory_space<hbm>> -> memref<256xi32, #tpu.memory_space<hbm>>
      tpu.wait_dma2 semaphore(%run_scoped3A : memref<!tpu.dma_semaphore, #tpu.memory_space<semaphore_mem>>) src(%dma_wait3A_324 : memref<256xi32, #tpu.memory_space<hbm>>) dst(%arg5 : memref<256xi32, #tpu.memory_space<vmem>>)
      tpu.yield
    }) : () -> ()
    %dma_start3A = arith.constant 0 : i32
    %dma_start3A_3 = tpu.memref_slice %arg5[%dma_start3A] : memref<256xi32, #tpu.memory_space<vmem>> -> memref<16xi32, #tpu.memory_space<vmem>>
    %dma_start3A_4 = arith.constant 0 : i32
    %dma_start3A_5 = arith.constant 0 : i32
    %dma_start3A_6 = tpu.memref_slice %arg2[%dma_start3A_4, %dma_start3A_5] : memref<8704x2048xf32, #tpu.memory_space<hbm>> -> memref<8704x2048xf32, #tpu.memory_space<hbm>>
    tpu.enqueue_indirect_dma source(%dma_start3A_6 : memref<8704x2048xf32, #tpu.memory_space<hbm>>) target(%arg6 : memref<16x2048xf32, #tpu.memory_space<vmem>>) offsets(%dma_start3A_3 : memref<16xi32, #tpu.memory_space<vmem>>) semaphore(%arg9 : memref<!tpu.dma_semaphore, #tpu.memory_space<semaphore_mem>>)
    %dma_start3A_7 = arith.constant 16 : i32
    %dma_start3A_8 = tpu.memref_slice %arg5[%dma_start3A_7] : memref<256xi32, #tpu.memory_space<vmem>> -> memref<16xi32, #tpu.memory_space<vmem>>
    %dma_start3A_9 = arith.constant 0 : i32
    %dma_start3A_10 = arith.constant 0 : i32
    %dma_start3A_11 = tpu.memref_slice %arg2[%dma_start3A_9, %dma_start3A_10] : memref<8704x2048xf32, #tpu.memory_space<hbm>> -> memref<8704x2048xf32, #tpu.memory_space<hbm>>
    tpu.enqueue_indirect_dma source(%dma_start3A_11 : memref<8704x2048xf32, #tpu.memory_space<hbm>>) target(%arg7 : memref<16x2048xf32, #tpu.memory_space<vmem>>) offsets(%dma_start3A_8 : memref<16xi32, #tpu.memory_space<vmem>>) semaphore(%arg10 : memref<!tpu.dma_semaphore, #tpu.memory_space<semaphore_mem>>)
    %dma_start3A_12 = arith.constant 32 : i32
    %dma_start3A_13 = tpu.memref_slice %arg5[%dma_start3A_12] : memref<256xi32, #tpu.memory_space<vmem>> -> memref<16xi32, #tpu.memory_space<vmem>>
    %dma_start3A_14 = arith.constant 0 : i32
    %dma_start3A_15 = arith.constant 0 : i32
    %dma_start3A_16 = tpu.memref_slice %arg2[%dma_start3A_14, %dma_start3A_15] : memref<8704x2048xf32, #tpu.memory_space<hbm>> -> memref<8704x2048xf32, #tpu.memory_space<hbm>>
    tpu.enqueue_indirect_dma source(%dma_start3A_16 : memref<8704x2048xf32, #tpu.memory_space<hbm>>) target(%arg8 : memref<16x2048xf32, #tpu.memory_space<vmem>>) offsets(%dma_start3A_13 : memref<16xi32, #tpu.memory_space<vmem>>) semaphore(%arg11 : memref<!tpu.dma_semaphore, #tpu.memory_space<semaphore_mem>>)
    %dma_wait3A = arith.constant 0 : i32
    %dma_wait3A_17 = tpu.memref_slice %arg5[%dma_wait3A] : memref<256xi32, #tpu.memory_space<vmem>> -> memref<16xi32, #tpu.memory_space<vmem>>
    %dma_wait3A_18 = arith.constant 0 : i32
    %dma_wait3A_19 = arith.constant 0 : i32
    %dma_wait3A_20 = tpu.memref_slice %arg2[%dma_wait3A_18, %dma_wait3A_19] : memref<8704x2048xf32, #tpu.memory_space<hbm>> -> memref<8704x2048xf32, #tpu.memory_space<hbm>>
    tpu.wait_indirect_dma semaphore(%arg9 : memref<!tpu.dma_semaphore, #tpu.memory_space<semaphore_mem>>) src(%dma_wait3A_20 : memref<8704x2048xf32, #tpu.memory_space<hbm>>) dst(%arg6 : memref<16x2048xf32, #tpu.memory_space<vmem>>)
    %add3A_21 = arith.constant 0 : i32
    %add3A_22 = arith.addi %mul3A_2, %add3A_21 : i32
    %dma_start3A_23 = arith.constant 0 : i32
    %dma_start3A_24 = tpu.memref_slice %arg4[%add3A_22, %dma_start3A_23] : memref<8192x2048xf32, #tpu.memory_space<hbm>> -> memref<16x2048xf32, #tpu.memory_space<hbm>>
    %dma_start3A_25 = arith.constant 0 : i32
    %dma_start3A_26 = tpu.memref_slice %arg4[%add3A_22, %dma_start3A_25] : memref<8192x2048xf32, #tpu.memory_space<hbm>> -> memref<16x2048xf32, #tpu.memory_space<hbm>>
    tpu.enqueue_dma source(%arg6 : memref<16x2048xf32, #tpu.memory_space<vmem>>) target(%dma_start3A_26 : memref<16x2048xf32, #tpu.memory_space<hbm>>) target_semaphore(%arg12 : memref<!tpu.dma_semaphore, #tpu.memory_space<semaphore_mem>>)
    %dma_wait3A_27 = arith.constant 0 : i32
    %dma_wait3A_28 = tpu.memref_slice %arg4[%add3A_22, %dma_wait3A_27] : memref<8192x2048xf32, #tpu.memory_space<hbm>> -> memref<16x2048xf32, #tpu.memory_space<hbm>>
    %dma_wait3A_29 = arith.constant 0 : i32
    %dma_wait3A_30 = tpu.memref_slice %arg4[%add3A_22, %dma_wait3A_29] : memref<8192x2048xf32, #tpu.memory_space<hbm>> -> memref<16x2048xf32, #tpu.memory_space<hbm>>
    tpu.wait_dma2 semaphore(%arg12 : memref<!tpu.dma_semaphore, #tpu.memory_space<semaphore_mem>>) src(%arg6 : memref<16x2048xf32, #tpu.memory_space<vmem>>) dst(%dma_wait3A_30 : memref<16x2048xf32, #tpu.memory_space<hbm>>)
    %dma_start3A_31 = arith.constant 48 : i32
    %dma_start3A_32 = tpu.memref_slice %arg5[%dma_start3A_31] : memref<256xi32, #tpu.memory_space<vmem>> -> memref<16xi32, #tpu.memory_space<vmem>>
    %dma_start3A_33 = arith.constant 0 : i32
    %dma_start3A_34 = arith.constant 0 : i32
    %dma_start3A_35 = tpu.memref_slice %arg2[%dma_start3A_33, %dma_start3A_34] : memref<8704x2048xf32, #tpu.memory_space<hbm>> -> memref<8704x2048xf32, #tpu.memory_space<hbm>>
    tpu.enqueue_indirect_dma source(%dma_start3A_35 : memref<8704x2048xf32, #tpu.memory_space<hbm>>) target(%arg6 : memref<16x2048xf32, #tpu.memory_space<vmem>>) offsets(%dma_start3A_32 : memref<16xi32, #tpu.memory_space<vmem>>) semaphore(%arg9 : memref<!tpu.dma_semaphore, #tpu.memory_space<semaphore_mem>>)
    %dma_wait3A_36 = arith.constant 16 : i32
    %dma_wait3A_37 = tpu.memref_slice %arg5[%dma_wait3A_36] : memref<256xi32, #tpu.memory_space<vmem>> -> memref<16xi32, #tpu.memory_space<vmem>>
    %dma_wait3A_38 = arith.constant 0 : i32
    %dma_wait3A_39 = arith.constant 0 : i32
    %dma_wait3A_40 = tpu.memref_slice %arg2[%dma_wait3A_38, %dma_wait3A_39] : memref<8704x2048xf32, #tpu.memory_space<hbm>> -> memref<8704x2048xf32, #tpu.memory_space<hbm>>
    tpu.wait_indirect_dma semaphore(%arg10 : memref<!tpu.dma_semaphore, #tpu.memory_space<semaphore_mem>>) src(%dma_wait3A_40 : memref<8704x2048xf32, #tpu.memory_space<hbm>>) dst(%arg7 : memref<16x2048xf32, #tpu.memory_space<vmem>>)
    %add3A_41 = arith.constant 16 : i32
    %add3A_42 = arith.addi %mul3A_2, %add3A_41 : i32
    %dma_start3A_43 = arith.constant 0 : i32
    %dma_start3A_44 = tpu.memref_slice %arg4[%add3A_42, %dma_start3A_43] : memref<8192x2048xf32, #tpu.memory_space<hbm>> -> memref<16x2048xf32, #tpu.memory_space<hbm>>
    %dma_start3A_45 = arith.constant 0 : i32
    %dma_start3A_46 = tpu.memref_slice %arg4[%add3A_42, %dma_start3A_45] : memref<8192x2048xf32, #tpu.memory_space<hbm>> -> memref<16x2048xf32, #tpu.memory_space<hbm>>
    tpu.enqueue_dma source(%arg7 : memref<16x2048xf32, #tpu.memory_space<vmem>>) target(%dma_start3A_46 : memref<16x2048xf32, #tpu.memory_space<hbm>>) target_semaphore(%arg13 : memref<!tpu.dma_semaphore, #tpu.memory_space<semaphore_mem>>)
    %dma_wait3A_47 = arith.constant 0 : i32
    %dma_wait3A_48 = tpu.memref_slice %arg4[%add3A_42, %dma_wait3A_47] : memref<8192x2048xf32, #tpu.memory_space<hbm>> -> memref<16x2048xf32, #tpu.memory_space<hbm>>
    %dma_wait3A_49 = arith.constant 0 : i32
    %dma_wait3A_50 = tpu.memref_slice %arg4[%add3A_42, %dma_wait3A_49] : memref<8192x2048xf32, #tpu.memory_space<hbm>> -> memref<16x2048xf32, #tpu.memory_space<hbm>>
    tpu.wait_dma2 semaphore(%arg13 : memref<!tpu.dma_semaphore, #tpu.memory_space<semaphore_mem>>) src(%arg7 : memref<16x2048xf32, #tpu.memory_space<vmem>>) dst(%dma_wait3A_50 : memref<16x2048xf32, #tpu.memory_space<hbm>>)
    %dma_start3A_51 = arith.constant 64 : i32
    %dma_start3A_52 = tpu.memref_slice %arg5[%dma_start3A_51] : memref<256xi32, #tpu.memory_space<vmem>> -> memref<16xi32, #tpu.memory_space<vmem>>
    %dma_start3A_53 = arith.constant 0 : i32
    %dma_start3A_54 = arith.constant 0 : i32
    %dma_start3A_55 = tpu.memref_slice %arg2[%dma_start3A_53, %dma_start3A_54] : memref<8704x2048xf32, #tpu.memory_space<hbm>> -> memref<8704x2048xf32, #tpu.memory_space<hbm>>
    tpu.enqueue_indirect_dma source(%dma_start3A_55 : memref<8704x2048xf32, #tpu.memory_space<hbm>>) target(%arg7 : memref<16x2048xf32, #tpu.memory_space<vmem>>) offsets(%dma_start3A_52 : memref<16xi32, #tpu.memory_space<vmem>>) semaphore(%arg10 : memref<!tpu.dma_semaphore, #tpu.memory_space<semaphore_mem>>)
    %dma_wait3A_56 = arith.constant 32 : i32
    %dma_wait3A_57 = tpu.memref_slice %arg5[%dma_wait3A_56] : memref<256xi32, #tpu.memory_space<vmem>> -> memref<16xi32, #tpu.memory_space<vmem>>
    %dma_wait3A_58 = arith.constant 0 : i32
    %dma_wait3A_59 = arith.constant 0 : i32
    %dma_wait3A_60 = tpu.memref_slice %arg2[%dma_wait3A_58, %dma_wait3A_59] : memref<8704x2048xf32, #tpu.memory_space<hbm>> -> memref<8704x2048xf32, #tpu.memory_space<hbm>>
    tpu.wait_indirect_dma semaphore(%arg11 : memref<!tpu.dma_semaphore, #tpu.memory_space<semaphore_mem>>) src(%dma_wait3A_60 : memref<8704x2048xf32, #tpu.memory_space<hbm>>) dst(%arg8 : memref<16x2048xf32, #tpu.memory_space<vmem>>)
    %add3A_61 = arith.constant 32 : i32
    %add3A_62 = arith.addi %mul3A_2, %add3A_61 : i32
    %dma_start3A_63 = arith.constant 0 : i32
    %dma_start3A_64 = tpu.memref_slice %arg4[%add3A_62, %dma_start3A_63] : memref<8192x2048xf32, #tpu.memory_space<hbm>> -> memref<16x2048xf32, #tpu.memory_space<hbm>>
    %dma_start3A_65 = arith.constant 0 : i32
    %dma_start3A_66 = tpu.memref_slice %arg4[%add3A_62, %dma_start3A_65] : memref<8192x2048xf32, #tpu.memory_space<hbm>> -> memref<16x2048xf32, #tpu.memory_space<hbm>>
    tpu.enqueue_dma source(%arg8 : memref<16x2048xf32, #tpu.memory_space<vmem>>) target(%dma_start3A_66 : memref<16x2048xf32, #tpu.memory_space<hbm>>) target_semaphore(%arg14 : memref<!tpu.dma_semaphore, #tpu.memory_space<semaphore_mem>>)
    %dma_wait3A_67 = arith.constant 0 : i32
    %dma_wait3A_68 = tpu.memref_slice %arg4[%add3A_62, %dma_wait3A_67] : memref<8192x2048xf32, #tpu.memory_space<hbm>> -> memref<16x2048xf32, #tpu.memory_space<hbm>>
    %dma_wait3A_69 = arith.constant 0 : i32
    %dma_wait3A_70 = tpu.memref_slice %arg4[%add3A_62, %dma_wait3A_69] : memref<8192x2048xf32, #tpu.memory_space<hbm>> -> memref<16x2048xf32, #tpu.memory_space<hbm>>
    tpu.wait_dma2 semaphore(%arg14 : memref<!tpu.dma_semaphore, #tpu.memory_space<semaphore_mem>>) src(%arg8 : memref<16x2048xf32, #tpu.memory_space<vmem>>) dst(%dma_wait3A_70 : memref<16x2048xf32, #tpu.memory_space<hbm>>)
    %dma_start3A_71 = arith.constant 80 : i32
    %dma_start3A_72 = tpu.memref_slice %arg5[%dma_start3A_71] : memref<256xi32, #tpu.memory_space<vmem>> -> memref<16xi32, #tpu.memory_space<vmem>>
    %dma_start3A_73 = arith.constant 0 : i32
    %dma_start3A_74 = arith.constant 0 : i32
    %dma_start3A_75 = tpu.memref_slice %arg2[%dma_start3A_73, %dma_start3A_74] : memref<8704x2048xf32, #tpu.memory_space<hbm>> -> memref<8704x2048xf32, #tpu.memory_space<hbm>>
    tpu.enqueue_indirect_dma source(%dma_start3A_75 : memref<8704x2048xf32, #tpu.memory_space<hbm>>) target(%arg8 : memref<16x2048xf32, #tpu.memory_space<vmem>>) offsets(%dma_start3A_72 : memref<16xi32, #tpu.memory_space<vmem>>) semaphore(%arg11 : memref<!tpu.dma_semaphore, #tpu.memory_space<semaphore_mem>>)
    %dma_wait3A_76 = arith.constant 48 : i32
    %dma_wait3A_77 = tpu.memref_slice %arg5[%dma_wait3A_76] : memref<256xi32, #tpu.memory_space<vmem>> -> memref<16xi32, #tpu.memory_space<vmem>>
    %dma_wait3A_78 = arith.constant 0 : i32
    %dma_wait3A_79 = arith.constant 0 : i32
    %dma_wait3A_80 = tpu.memref_slice %arg2[%dma_wait3A_78, %dma_wait3A_79] : memref<8704x2048xf32, #tpu.memory_space<hbm>> -> memref<8704x2048xf32, #tpu.memory_space<hbm>>
    tpu.wait_indirect_dma semaphore(%arg9 : memref<!tpu.dma_semaphore, #tpu.memory_space<semaphore_mem>>) src(%dma_wait3A_80 : memref<8704x2048xf32, #tpu.memory_space<hbm>>) dst(%arg6 : memref<16x2048xf32, #tpu.memory_space<vmem>>)
    %add3A_81 = arith.constant 48 : i32
    %add3A_82 = arith.addi %mul3A_2, %add3A_81 : i32
    %dma_start3A_83 = arith.constant 0 : i32
    %dma_start3A_84 = tpu.memref_slice %arg4[%add3A_82, %dma_start3A_83] : memref<8192x2048xf32, #tpu.memory_space<hbm>> -> memref<16x2048xf32, #tpu.memory_space<hbm>>
    %dma_start3A_85 = arith.constant 0 : i32
    %dma_start3A_86 = tpu.memref_slice %arg4[%add3A_82, %dma_start3A_85] : memref<8192x2048xf32, #tpu.memory_space<hbm>> -> memref<16x2048xf32, #tpu.memory_space<hbm>>
    tpu.enqueue_dma source(%arg6 : memref<16x2048xf32, #tpu.memory_space<vmem>>) target(%dma_start3A_86 : memref<16x2048xf32, #tpu.memory_space<hbm>>) target_semaphore(%arg12 : memref<!tpu.dma_semaphore, #tpu.memory_space<semaphore_mem>>)
    %dma_wait3A_87 = arith.constant 0 : i32
    %dma_wait3A_88 = tpu.memref_slice %arg4[%add3A_82, %dma_wait3A_87] : memref<8192x2048xf32, #tpu.memory_space<hbm>> -> memref<16x2048xf32, #tpu.memory_space<hbm>>
    %dma_wait3A_89 = arith.constant 0 : i32
    %dma_wait3A_90 = tpu.memref_slice %arg4[%add3A_82, %dma_wait3A_89] : memref<8192x2048xf32, #tpu.memory_space<hbm>> -> memref<16x2048xf32, #tpu.memory_space<hbm>>
    tpu.wait_dma2 semaphore(%arg12 : memref<!tpu.dma_semaphore, #tpu.memory_space<semaphore_mem>>) src(%arg6 : memref<16x2048xf32, #tpu.memory_space<vmem>>) dst(%dma_wait3A_90 : memref<16x2048xf32, #tpu.memory_space<hbm>>)
    %dma_start3A_91 = arith.constant 96 : i32
    %dma_start3A_92 = tpu.memref_slice %arg5[%dma_start3A_91] : memref<256xi32, #tpu.memory_space<vmem>> -> memref<16xi32, #tpu.memory_space<vmem>>
    %dma_start3A_93 = arith.constant 0 : i32
    %dma_start3A_94 = arith.constant 0 : i32
    %dma_start3A_95 = tpu.memref_slice %arg2[%dma_start3A_93, %dma_start3A_94] : memref<8704x2048xf32, #tpu.memory_space<hbm>> -> memref<8704x2048xf32, #tpu.memory_space<hbm>>
    tpu.enqueue_indirect_dma source(%dma_start3A_95 : memref<8704x2048xf32, #tpu.memory_space<hbm>>) target(%arg6 : memref<16x2048xf32, #tpu.memory_space<vmem>>) offsets(%dma_start3A_92 : memref<16xi32, #tpu.memory_space<vmem>>) semaphore(%arg9 : memref<!tpu.dma_semaphore, #tpu.memory_space<semaphore_mem>>)
    %dma_wait3A_96 = arith.constant 64 : i32
    %dma_wait3A_97 = tpu.memref_slice %arg5[%dma_wait3A_96] : memref<256xi32, #tpu.memory_space<vmem>> -> memref<16xi32, #tpu.memory_space<vmem>>
    %dma_wait3A_98 = arith.constant 0 : i32
    %dma_wait3A_99 = arith.constant 0 : i32
    %dma_wait3A_100 = tpu.memref_slice %arg2[%dma_wait3A_98, %dma_wait3A_99] : memref<8704x2048xf32, #tpu.memory_space<hbm>> -> memref<8704x2048xf32, #tpu.memory_space<hbm>>
    tpu.wait_indirect_dma semaphore(%arg10 : memref<!tpu.dma_semaphore, #tpu.memory_space<semaphore_mem>>) src(%dma_wait3A_100 : memref<8704x2048xf32, #tpu.memory_space<hbm>>) dst(%arg7 : memref<16x2048xf32, #tpu.memory_space<vmem>>)
    %add3A_101 = arith.constant 64 : i32
    %add3A_102 = arith.addi %mul3A_2, %add3A_101 : i32
    %dma_start3A_103 = arith.constant 0 : i32
    %dma_start3A_104 = tpu.memref_slice %arg4[%add3A_102, %dma_start3A_103] : memref<8192x2048xf32, #tpu.memory_space<hbm>> -> memref<16x2048xf32, #tpu.memory_space<hbm>>
    %dma_start3A_105 = arith.constant 0 : i32
    %dma_start3A_106 = tpu.memref_slice %arg4[%add3A_102, %dma_start3A_105] : memref<8192x2048xf32, #tpu.memory_space<hbm>> -> memref<16x2048xf32, #tpu.memory_space<hbm>>
    tpu.enqueue_dma source(%arg7 : memref<16x2048xf32, #tpu.memory_space<vmem>>) target(%dma_start3A_106 : memref<16x2048xf32, #tpu.memory_space<hbm>>) target_semaphore(%arg13 : memref<!tpu.dma_semaphore, #tpu.memory_space<semaphore_mem>>)
    %dma_wait3A_107 = arith.constant 0 : i32
    %dma_wait3A_108 = tpu.memref_slice %arg4[%add3A_102, %dma_wait3A_107] : memref<8192x2048xf32, #tpu.memory_space<hbm>> -> memref<16x2048xf32, #tpu.memory_space<hbm>>
    %dma_wait3A_109 = arith.constant 0 : i32
    %dma_wait3A_110 = tpu.memref_slice %arg4[%add3A_102, %dma_wait3A_109] : memref<8192x2048xf32, #tpu.memory_space<hbm>> -> memref<16x2048xf32, #tpu.memory_space<hbm>>
    tpu.wait_dma2 semaphore(%arg13 : memref<!tpu.dma_semaphore, #tpu.memory_space<semaphore_mem>>) src(%arg7 : memref<16x2048xf32, #tpu.memory_space<vmem>>) dst(%dma_wait3A_110 : memref<16x2048xf32, #tpu.memory_space<hbm>>)
    %dma_start3A_111 = arith.constant 112 : i32
    %dma_start3A_112 = tpu.memref_slice %arg5[%dma_start3A_111] : memref<256xi32, #tpu.memory_space<vmem>> -> memref<16xi32, #tpu.memory_space<vmem>>
    %dma_start3A_113 = arith.constant 0 : i32
    %dma_start3A_114 = arith.constant 0 : i32
    %dma_start3A_115 = tpu.memref_slice %arg2[%dma_start3A_113, %dma_start3A_114] : memref<8704x2048xf32, #tpu.memory_space<hbm>> -> memref<8704x2048xf32, #tpu.memory_space<hbm>>
    tpu.enqueue_indirect_dma source(%dma_start3A_115 : memref<8704x2048xf32, #tpu.memory_space<hbm>>) target(%arg7 : memref<16x2048xf32, #tpu.memory_space<vmem>>) offsets(%dma_start3A_112 : memref<16xi32, #tpu.memory_space<vmem>>) semaphore(%arg10 : memref<!tpu.dma_semaphore, #tpu.memory_space<semaphore_mem>>)
    %dma_wait3A_116 = arith.constant 80 : i32
    %dma_wait3A_117 = tpu.memref_slice %arg5[%dma_wait3A_116] : memref<256xi32, #tpu.memory_space<vmem>> -> memref<16xi32, #tpu.memory_space<vmem>>
    %dma_wait3A_118 = arith.constant 0 : i32
    %dma_wait3A_119 = arith.constant 0 : i32
    %dma_wait3A_120 = tpu.memref_slice %arg2[%dma_wait3A_118, %dma_wait3A_119] : memref<8704x2048xf32, #tpu.memory_space<hbm>> -> memref<8704x2048xf32, #tpu.memory_space<hbm>>
    tpu.wait_indirect_dma semaphore(%arg11 : memref<!tpu.dma_semaphore, #tpu.memory_space<semaphore_mem>>) src(%dma_wait3A_120 : memref<8704x2048xf32, #tpu.memory_space<hbm>>) dst(%arg8 : memref<16x2048xf32, #tpu.memory_space<vmem>>)
    %add3A_121 = arith.constant 80 : i32
    %add3A_122 = arith.addi %mul3A_2, %add3A_121 : i32
    %dma_start3A_123 = arith.constant 0 : i32
    %dma_start3A_124 = tpu.memref_slice %arg4[%add3A_122, %dma_start3A_123] : memref<8192x2048xf32, #tpu.memory_space<hbm>> -> memref<16x2048xf32, #tpu.memory_space<hbm>>
    %dma_start3A_125 = arith.constant 0 : i32
    %dma_start3A_126 = tpu.memref_slice %arg4[%add3A_122, %dma_start3A_125] : memref<8192x2048xf32, #tpu.memory_space<hbm>> -> memref<16x2048xf32, #tpu.memory_space<hbm>>
    tpu.enqueue_dma source(%arg8 : memref<16x2048xf32, #tpu.memory_space<vmem>>) target(%dma_start3A_126 : memref<16x2048xf32, #tpu.memory_space<hbm>>) target_semaphore(%arg14 : memref<!tpu.dma_semaphore, #tpu.memory_space<semaphore_mem>>)
    %dma_wait3A_127 = arith.constant 0 : i32
    %dma_wait3A_128 = tpu.memref_slice %arg4[%add3A_122, %dma_wait3A_127] : memref<8192x2048xf32, #tpu.memory_space<hbm>> -> memref<16x2048xf32, #tpu.memory_space<hbm>>
    %dma_wait3A_129 = arith.constant 0 : i32
    %dma_wait3A_130 = tpu.memref_slice %arg4[%add3A_122, %dma_wait3A_129] : memref<8192x2048xf32, #tpu.memory_space<hbm>> -> memref<16x2048xf32, #tpu.memory_space<hbm>>
    tpu.wait_dma2 semaphore(%arg14 : memref<!tpu.dma_semaphore, #tpu.memory_space<semaphore_mem>>) src(%arg8 : memref<16x2048xf32, #tpu.memory_space<vmem>>) dst(%dma_wait3A_130 : memref<16x2048xf32, #tpu.memory_space<hbm>>)
    %dma_start3A_131 = arith.constant 128 : i32
    %dma_start3A_132 = tpu.memref_slice %arg5[%dma_start3A_131] : memref<256xi32, #tpu.memory_space<vmem>> -> memref<16xi32, #tpu.memory_space<vmem>>
    %dma_start3A_133 = arith.constant 0 : i32
    %dma_start3A_134 = arith.constant 0 : i32
    %dma_start3A_135 = tpu.memref_slice %arg2[%dma_start3A_133, %dma_start3A_134] : memref<8704x2048xf32, #tpu.memory_space<hbm>> -> memref<8704x2048xf32, #tpu.memory_space<hbm>>
    tpu.enqueue_indirect_dma source(%dma_start3A_135 : memref<8704x2048xf32, #tpu.memory_space<hbm>>) target(%arg8 : memref<16x2048xf32, #tpu.memory_space<vmem>>) offsets(%dma_start3A_132 : memref<16xi32, #tpu.memory_space<vmem>>) semaphore(%arg11 : memref<!tpu.dma_semaphore, #tpu.memory_space<semaphore_mem>>)
    %dma_wait3A_136 = arith.constant 96 : i32
    %dma_wait3A_137 = tpu.memref_slice %arg5[%dma_wait3A_136] : memref<256xi32, #tpu.memory_space<vmem>> -> memref<16xi32, #tpu.memory_space<vmem>>
    %dma_wait3A_138 = arith.constant 0 : i32
    %dma_wait3A_139 = arith.constant 0 : i32
    %dma_wait3A_140 = tpu.memref_slice %arg2[%dma_wait3A_138, %dma_wait3A_139] : memref<8704x2048xf32, #tpu.memory_space<hbm>> -> memref<8704x2048xf32, #tpu.memory_space<hbm>>
    tpu.wait_indirect_dma semaphore(%arg9 : memref<!tpu.dma_semaphore, #tpu.memory_space<semaphore_mem>>) src(%dma_wait3A_140 : memref<8704x2048xf32, #tpu.memory_space<hbm>>) dst(%arg6 : memref<16x2048xf32, #tpu.memory_space<vmem>>)
    %add3A_141 = arith.constant 96 : i32
    %add3A_142 = arith.addi %mul3A_2, %add3A_141 : i32
    %dma_start3A_143 = arith.constant 0 : i32
    %dma_start3A_144 = tpu.memref_slice %arg4[%add3A_142, %dma_start3A_143] : memref<8192x2048xf32, #tpu.memory_space<hbm>> -> memref<16x2048xf32, #tpu.memory_space<hbm>>
    %dma_start3A_145 = arith.constant 0 : i32
    %dma_start3A_146 = tpu.memref_slice %arg4[%add3A_142, %dma_start3A_145] : memref<8192x2048xf32, #tpu.memory_space<hbm>> -> memref<16x2048xf32, #tpu.memory_space<hbm>>
    tpu.enqueue_dma source(%arg6 : memref<16x2048xf32, #tpu.memory_space<vmem>>) target(%dma_start3A_146 : memref<16x2048xf32, #tpu.memory_space<hbm>>) target_semaphore(%arg12 : memref<!tpu.dma_semaphore, #tpu.memory_space<semaphore_mem>>)
    %dma_wait3A_147 = arith.constant 0 : i32
    %dma_wait3A_148 = tpu.memref_slice %arg4[%add3A_142, %dma_wait3A_147] : memref<8192x2048xf32, #tpu.memory_space<hbm>> -> memref<16x2048xf32, #tpu.memory_space<hbm>>
    %dma_wait3A_149 = arith.constant 0 : i32
    %dma_wait3A_150 = tpu.memref_slice %arg4[%add3A_142, %dma_wait3A_149] : memref<8192x2048xf32, #tpu.memory_space<hbm>> -> memref<16x2048xf32, #tpu.memory_space<hbm>>
    tpu.wait_dma2 semaphore(%arg12 : memref<!tpu.dma_semaphore, #tpu.memory_space<semaphore_mem>>) src(%arg6 : memref<16x2048xf32, #tpu.memory_space<vmem>>) dst(%dma_wait3A_150 : memref<16x2048xf32, #tpu.memory_space<hbm>>)
    %dma_start3A_151 = arith.constant 144 : i32
    %dma_start3A_152 = tpu.memref_slice %arg5[%dma_start3A_151] : memref<256xi32, #tpu.memory_space<vmem>> -> memref<16xi32, #tpu.memory_space<vmem>>
    %dma_start3A_153 = arith.constant 0 : i32
    %dma_start3A_154 = arith.constant 0 : i32
    %dma_start3A_155 = tpu.memref_slice %arg2[%dma_start3A_153, %dma_start3A_154] : memref<8704x2048xf32, #tpu.memory_space<hbm>> -> memref<8704x2048xf32, #tpu.memory_space<hbm>>
    tpu.enqueue_indirect_dma source(%dma_start3A_155 : memref<8704x2048xf32, #tpu.memory_space<hbm>>) target(%arg6 : memref<16x2048xf32, #tpu.memory_space<vmem>>) offsets(%dma_start3A_152 : memref<16xi32, #tpu.memory_space<vmem>>) semaphore(%arg9 : memref<!tpu.dma_semaphore, #tpu.memory_space<semaphore_mem>>)
    %dma_wait3A_156 = arith.constant 112 : i32
    %dma_wait3A_157 = tpu.memref_slice %arg5[%dma_wait3A_156] : memref<256xi32, #tpu.memory_space<vmem>> -> memref<16xi32, #tpu.memory_space<vmem>>
    %dma_wait3A_158 = arith.constant 0 : i32
    %dma_wait3A_159 = arith.constant 0 : i32
    %dma_wait3A_160 = tpu.memref_slice %arg2[%dma_wait3A_158, %dma_wait3A_159] : memref<8704x2048xf32, #tpu.memory_space<hbm>> -> memref<8704x2048xf32, #tpu.memory_space<hbm>>
    tpu.wait_indirect_dma semaphore(%arg10 : memref<!tpu.dma_semaphore, #tpu.memory_space<semaphore_mem>>) src(%dma_wait3A_160 : memref<8704x2048xf32, #tpu.memory_space<hbm>>) dst(%arg7 : memref<16x2048xf32, #tpu.memory_space<vmem>>)
    %add3A_161 = arith.constant 112 : i32
    %add3A_162 = arith.addi %mul3A_2, %add3A_161 : i32
    %dma_start3A_163 = arith.constant 0 : i32
    %dma_start3A_164 = tpu.memref_slice %arg4[%add3A_162, %dma_start3A_163] : memref<8192x2048xf32, #tpu.memory_space<hbm>> -> memref<16x2048xf32, #tpu.memory_space<hbm>>
    %dma_start3A_165 = arith.constant 0 : i32
    %dma_start3A_166 = tpu.memref_slice %arg4[%add3A_162, %dma_start3A_165] : memref<8192x2048xf32, #tpu.memory_space<hbm>> -> memref<16x2048xf32, #tpu.memory_space<hbm>>
    tpu.enqueue_dma source(%arg7 : memref<16x2048xf32, #tpu.memory_space<vmem>>) target(%dma_start3A_166 : memref<16x2048xf32, #tpu.memory_space<hbm>>) target_semaphore(%arg13 : memref<!tpu.dma_semaphore, #tpu.memory_space<semaphore_mem>>)
    %dma_wait3A_167 = arith.constant 0 : i32
    %dma_wait3A_168 = tpu.memref_slice %arg4[%add3A_162, %dma_wait3A_167] : memref<8192x2048xf32, #tpu.memory_space<hbm>> -> memref<16x2048xf32, #tpu.memory_space<hbm>>
    %dma_wait3A_169 = arith.constant 0 : i32
    %dma_wait3A_170 = tpu.memref_slice %arg4[%add3A_162, %dma_wait3A_169] : memref<8192x2048xf32, #tpu.memory_space<hbm>> -> memref<16x2048xf32, #tpu.memory_space<hbm>>
    tpu.wait_dma2 semaphore(%arg13 : memref<!tpu.dma_semaphore, #tpu.memory_space<semaphore_mem>>) src(%arg7 : memref<16x2048xf32, #tpu.memory_space<vmem>>) dst(%dma_wait3A_170 : memref<16x2048xf32, #tpu.memory_space<hbm>>)
    %dma_start3A_171 = arith.constant 160 : i32
    %dma_start3A_172 = tpu.memref_slice %arg5[%dma_start3A_171] : memref<256xi32, #tpu.memory_space<vmem>> -> memref<16xi32, #tpu.memory_space<vmem>>
    %dma_start3A_173 = arith.constant 0 : i32
    %dma_start3A_174 = arith.constant 0 : i32
    %dma_start3A_175 = tpu.memref_slice %arg2[%dma_start3A_173, %dma_start3A_174] : memref<8704x2048xf32, #tpu.memory_space<hbm>> -> memref<8704x2048xf32, #tpu.memory_space<hbm>>
    tpu.enqueue_indirect_dma source(%dma_start3A_175 : memref<8704x2048xf32, #tpu.memory_space<hbm>>) target(%arg7 : memref<16x2048xf32, #tpu.memory_space<vmem>>) offsets(%dma_start3A_172 : memref<16xi32, #tpu.memory_space<vmem>>) semaphore(%arg10 : memref<!tpu.dma_semaphore, #tpu.memory_space<semaphore_mem>>)
    %dma_wait3A_176 = arith.constant 128 : i32
    %dma_wait3A_177 = tpu.memref_slice %arg5[%dma_wait3A_176] : memref<256xi32, #tpu.memory_space<vmem>> -> memref<16xi32, #tpu.memory_space<vmem>>
    %dma_wait3A_178 = arith.constant 0 : i32
    %dma_wait3A_179 = arith.constant 0 : i32
    %dma_wait3A_180 = tpu.memref_slice %arg2[%dma_wait3A_178, %dma_wait3A_179] : memref<8704x2048xf32, #tpu.memory_space<hbm>> -> memref<8704x2048xf32, #tpu.memory_space<hbm>>
    tpu.wait_indirect_dma semaphore(%arg11 : memref<!tpu.dma_semaphore, #tpu.memory_space<semaphore_mem>>) src(%dma_wait3A_180 : memref<8704x2048xf32, #tpu.memory_space<hbm>>) dst(%arg8 : memref<16x2048xf32, #tpu.memory_space<vmem>>)
    %add3A_181 = arith.constant 128 : i32
    %add3A_182 = arith.addi %mul3A_2, %add3A_181 : i32
    %dma_start3A_183 = arith.constant 0 : i32
    %dma_start3A_184 = tpu.memref_slice %arg4[%add3A_182, %dma_start3A_183] : memref<8192x2048xf32, #tpu.memory_space<hbm>> -> memref<16x2048xf32, #tpu.memory_space<hbm>>
    %dma_start3A_185 = arith.constant 0 : i32
    %dma_start3A_186 = tpu.memref_slice %arg4[%add3A_182, %dma_start3A_185] : memref<8192x2048xf32, #tpu.memory_space<hbm>> -> memref<16x2048xf32, #tpu.memory_space<hbm>>
    tpu.enqueue_dma source(%arg8 : memref<16x2048xf32, #tpu.memory_space<vmem>>) target(%dma_start3A_186 : memref<16x2048xf32, #tpu.memory_space<hbm>>) target_semaphore(%arg14 : memref<!tpu.dma_semaphore, #tpu.memory_space<semaphore_mem>>)
    %dma_wait3A_187 = arith.constant 0 : i32
    %dma_wait3A_188 = tpu.memref_slice %arg4[%add3A_182, %dma_wait3A_187] : memref<8192x2048xf32, #tpu.memory_space<hbm>> -> memref<16x2048xf32, #tpu.memory_space<hbm>>
    %dma_wait3A_189 = arith.constant 0 : i32
    %dma_wait3A_190 = tpu.memref_slice %arg4[%add3A_182, %dma_wait3A_189] : memref<8192x2048xf32, #tpu.memory_space<hbm>> -> memref<16x2048xf32, #tpu.memory_space<hbm>>
    tpu.wait_dma2 semaphore(%arg14 : memref<!tpu.dma_semaphore, #tpu.memory_space<semaphore_mem>>) src(%arg8 : memref<16x2048xf32, #tpu.memory_space<vmem>>) dst(%dma_wait3A_190 : memref<16x2048xf32, #tpu.memory_space<hbm>>)
    %dma_start3A_191 = arith.constant 176 : i32
    %dma_start3A_192 = tpu.memref_slice %arg5[%dma_start3A_191] : memref<256xi32, #tpu.memory_space<vmem>> -> memref<16xi32, #tpu.memory_space<vmem>>
    %dma_start3A_193 = arith.constant 0 : i32
    %dma_start3A_194 = arith.constant 0 : i32
    %dma_start3A_195 = tpu.memref_slice %arg2[%dma_start3A_193, %dma_start3A_194] : memref<8704x2048xf32, #tpu.memory_space<hbm>> -> memref<8704x2048xf32, #tpu.memory_space<hbm>>
    tpu.enqueue_indirect_dma source(%dma_start3A_195 : memref<8704x2048xf32, #tpu.memory_space<hbm>>) target(%arg8 : memref<16x2048xf32, #tpu.memory_space<vmem>>) offsets(%dma_start3A_192 : memref<16xi32, #tpu.memory_space<vmem>>) semaphore(%arg11 : memref<!tpu.dma_semaphore, #tpu.memory_space<semaphore_mem>>)
    %dma_wait3A_196 = arith.constant 144 : i32
    %dma_wait3A_197 = tpu.memref_slice %arg5[%dma_wait3A_196] : memref<256xi32, #tpu.memory_space<vmem>> -> memref<16xi32, #tpu.memory_space<vmem>>
    %dma_wait3A_198 = arith.constant 0 : i32
    %dma_wait3A_199 = arith.constant 0 : i32
    %dma_wait3A_200 = tpu.memref_slice %arg2[%dma_wait3A_198, %dma_wait3A_199] : memref<8704x2048xf32, #tpu.memory_space<hbm>> -> memref<8704x2048xf32, #tpu.memory_space<hbm>>
    tpu.wait_indirect_dma semaphore(%arg9 : memref<!tpu.dma_semaphore, #tpu.memory_space<semaphore_mem>>) src(%dma_wait3A_200 : memref<8704x2048xf32, #tpu.memory_space<hbm>>) dst(%arg6 : memref<16x2048xf32, #tpu.memory_space<vmem>>)
    %add3A_201 = arith.constant 144 : i32
    %add3A_202 = arith.addi %mul3A_2, %add3A_201 : i32
    %dma_start3A_203 = arith.constant 0 : i32
    %dma_start3A_204 = tpu.memref_slice %arg4[%add3A_202, %dma_start3A_203] : memref<8192x2048xf32, #tpu.memory_space<hbm>> -> memref<16x2048xf32, #tpu.memory_space<hbm>>
    %dma_start3A_205 = arith.constant 0 : i32
    %dma_start3A_206 = tpu.memref_slice %arg4[%add3A_202, %dma_start3A_205] : memref<8192x2048xf32, #tpu.memory_space<hbm>> -> memref<16x2048xf32, #tpu.memory_space<hbm>>
    tpu.enqueue_dma source(%arg6 : memref<16x2048xf32, #tpu.memory_space<vmem>>) target(%dma_start3A_206 : memref<16x2048xf32, #tpu.memory_space<hbm>>) target_semaphore(%arg12 : memref<!tpu.dma_semaphore, #tpu.memory_space<semaphore_mem>>)
    %dma_wait3A_207 = arith.constant 0 : i32
    %dma_wait3A_208 = tpu.memref_slice %arg4[%add3A_202, %dma_wait3A_207] : memref<8192x2048xf32, #tpu.memory_space<hbm>> -> memref<16x2048xf32, #tpu.memory_space<hbm>>
    %dma_wait3A_209 = arith.constant 0 : i32
    %dma_wait3A_210 = tpu.memref_slice %arg4[%add3A_202, %dma_wait3A_209] : memref<8192x2048xf32, #tpu.memory_space<hbm>> -> memref<16x2048xf32, #tpu.memory_space<hbm>>
    tpu.wait_dma2 semaphore(%arg12 : memref<!tpu.dma_semaphore, #tpu.memory_space<semaphore_mem>>) src(%arg6 : memref<16x2048xf32, #tpu.memory_space<vmem>>) dst(%dma_wait3A_210 : memref<16x2048xf32, #tpu.memory_space<hbm>>)
    %dma_start3A_211 = arith.constant 192 : i32
    %dma_start3A_212 = tpu.memref_slice %arg5[%dma_start3A_211] : memref<256xi32, #tpu.memory_space<vmem>> -> memref<16xi32, #tpu.memory_space<vmem>>
    %dma_start3A_213 = arith.constant 0 : i32
    %dma_start3A_214 = arith.constant 0 : i32
    %dma_start3A_215 = tpu.memref_slice %arg2[%dma_start3A_213, %dma_start3A_214] : memref<8704x2048xf32, #tpu.memory_space<hbm>> -> memref<8704x2048xf32, #tpu.memory_space<hbm>>
    tpu.enqueue_indirect_dma source(%dma_start3A_215 : memref<8704x2048xf32, #tpu.memory_space<hbm>>) target(%arg6 : memref<16x2048xf32, #tpu.memory_space<vmem>>) offsets(%dma_start3A_212 : memref<16xi32, #tpu.memory_space<vmem>>) semaphore(%arg9 : memref<!tpu.dma_semaphore, #tpu.memory_space<semaphore_mem>>)
    %dma_wait3A_216 = arith.constant 160 : i32
    %dma_wait3A_217 = tpu.memref_slice %arg5[%dma_wait3A_216] : memref<256xi32, #tpu.memory_space<vmem>> -> memref<16xi32, #tpu.memory_space<vmem>>
    %dma_wait3A_218 = arith.constant 0 : i32
    %dma_wait3A_219 = arith.constant 0 : i32
    %dma_wait3A_220 = tpu.memref_slice %arg2[%dma_wait3A_218, %dma_wait3A_219] : memref<8704x2048xf32, #tpu.memory_space<hbm>> -> memref<8704x2048xf32, #tpu.memory_space<hbm>>
    tpu.wait_indirect_dma semaphore(%arg10 : memref<!tpu.dma_semaphore, #tpu.memory_space<semaphore_mem>>) src(%dma_wait3A_220 : memref<8704x2048xf32, #tpu.memory_space<hbm>>) dst(%arg7 : memref<16x2048xf32, #tpu.memory_space<vmem>>)
    %add3A_221 = arith.constant 160 : i32
    %add3A_222 = arith.addi %mul3A_2, %add3A_221 : i32
    %dma_start3A_223 = arith.constant 0 : i32
    %dma_start3A_224 = tpu.memref_slice %arg4[%add3A_222, %dma_start3A_223] : memref<8192x2048xf32, #tpu.memory_space<hbm>> -> memref<16x2048xf32, #tpu.memory_space<hbm>>
    %dma_start3A_225 = arith.constant 0 : i32
    %dma_start3A_226 = tpu.memref_slice %arg4[%add3A_222, %dma_start3A_225] : memref<8192x2048xf32, #tpu.memory_space<hbm>> -> memref<16x2048xf32, #tpu.memory_space<hbm>>
    tpu.enqueue_dma source(%arg7 : memref<16x2048xf32, #tpu.memory_space<vmem>>) target(%dma_start3A_226 : memref<16x2048xf32, #tpu.memory_space<hbm>>) target_semaphore(%arg13 : memref<!tpu.dma_semaphore, #tpu.memory_space<semaphore_mem>>)
    %dma_wait3A_227 = arith.constant 0 : i32
    %dma_wait3A_228 = tpu.memref_slice %arg4[%add3A_222, %dma_wait3A_227] : memref<8192x2048xf32, #tpu.memory_space<hbm>> -> memref<16x2048xf32, #tpu.memory_space<hbm>>
    %dma_wait3A_229 = arith.constant 0 : i32
    %dma_wait3A_230 = tpu.memref_slice %arg4[%add3A_222, %dma_wait3A_229] : memref<8192x2048xf32, #tpu.memory_space<hbm>> -> memref<16x2048xf32, #tpu.memory_space<hbm>>
    tpu.wait_dma2 semaphore(%arg13 : memref<!tpu.dma_semaphore, #tpu.memory_space<semaphore_mem>>) src(%arg7 : memref<16x2048xf32, #tpu.memory_space<vmem>>) dst(%dma_wait3A_230 : memref<16x2048xf32, #tpu.memory_space<hbm>>)
    %dma_start3A_231 = arith.constant 208 : i32
    %dma_start3A_232 = tpu.memref_slice %arg5[%dma_start3A_231] : memref<256xi32, #tpu.memory_space<vmem>> -> memref<16xi32, #tpu.memory_space<vmem>>
    %dma_start3A_233 = arith.constant 0 : i32
    %dma_start3A_234 = arith.constant 0 : i32
    %dma_start3A_235 = tpu.memref_slice %arg2[%dma_start3A_233, %dma_start3A_234] : memref<8704x2048xf32, #tpu.memory_space<hbm>> -> memref<8704x2048xf32, #tpu.memory_space<hbm>>
    tpu.enqueue_indirect_dma source(%dma_start3A_235 : memref<8704x2048xf32, #tpu.memory_space<hbm>>) target(%arg7 : memref<16x2048xf32, #tpu.memory_space<vmem>>) offsets(%dma_start3A_232 : memref<16xi32, #tpu.memory_space<vmem>>) semaphore(%arg10 : memref<!tpu.dma_semaphore, #tpu.memory_space<semaphore_mem>>)
    %dma_wait3A_236 = arith.constant 176 : i32
    %dma_wait3A_237 = tpu.memref_slice %arg5[%dma_wait3A_236] : memref<256xi32, #tpu.memory_space<vmem>> -> memref<16xi32, #tpu.memory_space<vmem>>
    %dma_wait3A_238 = arith.constant 0 : i32
    %dma_wait3A_239 = arith.constant 0 : i32
    %dma_wait3A_240 = tpu.memref_slice %arg2[%dma_wait3A_238, %dma_wait3A_239] : memref<8704x2048xf32, #tpu.memory_space<hbm>> -> memref<8704x2048xf32, #tpu.memory_space<hbm>>
    tpu.wait_indirect_dma semaphore(%arg11 : memref<!tpu.dma_semaphore, #tpu.memory_space<semaphore_mem>>) src(%dma_wait3A_240 : memref<8704x2048xf32, #tpu.memory_space<hbm>>) dst(%arg8 : memref<16x2048xf32, #tpu.memory_space<vmem>>)
    %add3A_241 = arith.constant 176 : i32
    %add3A_242 = arith.addi %mul3A_2, %add3A_241 : i32
    %dma_start3A_243 = arith.constant 0 : i32
    %dma_start3A_244 = tpu.memref_slice %arg4[%add3A_242, %dma_start3A_243] : memref<8192x2048xf32, #tpu.memory_space<hbm>> -> memref<16x2048xf32, #tpu.memory_space<hbm>>
    %dma_start3A_245 = arith.constant 0 : i32
    %dma_start3A_246 = tpu.memref_slice %arg4[%add3A_242, %dma_start3A_245] : memref<8192x2048xf32, #tpu.memory_space<hbm>> -> memref<16x2048xf32, #tpu.memory_space<hbm>>
    tpu.enqueue_dma source(%arg8 : memref<16x2048xf32, #tpu.memory_space<vmem>>) target(%dma_start3A_246 : memref<16x2048xf32, #tpu.memory_space<hbm>>) target_semaphore(%arg14 : memref<!tpu.dma_semaphore, #tpu.memory_space<semaphore_mem>>)
    %dma_wait3A_247 = arith.constant 0 : i32
    %dma_wait3A_248 = tpu.memref_slice %arg4[%add3A_242, %dma_wait3A_247] : memref<8192x2048xf32, #tpu.memory_space<hbm>> -> memref<16x2048xf32, #tpu.memory_space<hbm>>
    %dma_wait3A_249 = arith.constant 0 : i32
    %dma_wait3A_250 = tpu.memref_slice %arg4[%add3A_242, %dma_wait3A_249] : memref<8192x2048xf32, #tpu.memory_space<hbm>> -> memref<16x2048xf32, #tpu.memory_space<hbm>>
    tpu.wait_dma2 semaphore(%arg14 : memref<!tpu.dma_semaphore, #tpu.memory_space<semaphore_mem>>) src(%arg8 : memref<16x2048xf32, #tpu.memory_space<vmem>>) dst(%dma_wait3A_250 : memref<16x2048xf32, #tpu.memory_space<hbm>>)
    %dma_start3A_251 = arith.constant 224 : i32
    %dma_start3A_252 = tpu.memref_slice %arg5[%dma_start3A_251] : memref<256xi32, #tpu.memory_space<vmem>> -> memref<16xi32, #tpu.memory_space<vmem>>
    %dma_start3A_253 = arith.constant 0 : i32
    %dma_start3A_254 = arith.constant 0 : i32
    %dma_start3A_255 = tpu.memref_slice %arg2[%dma_start3A_253, %dma_start3A_254] : memref<8704x2048xf32, #tpu.memory_space<hbm>> -> memref<8704x2048xf32, #tpu.memory_space<hbm>>
    tpu.enqueue_indirect_dma source(%dma_start3A_255 : memref<8704x2048xf32, #tpu.memory_space<hbm>>) target(%arg8 : memref<16x2048xf32, #tpu.memory_space<vmem>>) offsets(%dma_start3A_252 : memref<16xi32, #tpu.memory_space<vmem>>) semaphore(%arg11 : memref<!tpu.dma_semaphore, #tpu.memory_space<semaphore_mem>>)
    %dma_wait3A_256 = arith.constant 192 : i32
    %dma_wait3A_257 = tpu.memref_slice %arg5[%dma_wait3A_256] : memref<256xi32, #tpu.memory_space<vmem>> -> memref<16xi32, #tpu.memory_space<vmem>>
    %dma_wait3A_258 = arith.constant 0 : i32
    %dma_wait3A_259 = arith.constant 0 : i32
    %dma_wait3A_260 = tpu.memref_slice %arg2[%dma_wait3A_258, %dma_wait3A_259] : memref<8704x2048xf32, #tpu.memory_space<hbm>> -> memref<8704x2048xf32, #tpu.memory_space<hbm>>
    tpu.wait_indirect_dma semaphore(%arg9 : memref<!tpu.dma_semaphore, #tpu.memory_space<semaphore_mem>>) src(%dma_wait3A_260 : memref<8704x2048xf32, #tpu.memory_space<hbm>>) dst(%arg6 : memref<16x2048xf32, #tpu.memory_space<vmem>>)
    %add3A_261 = arith.constant 192 : i32
    %add3A_262 = arith.addi %mul3A_2, %add3A_261 : i32
    %dma_start3A_263 = arith.constant 0 : i32
    %dma_start3A_264 = tpu.memref_slice %arg4[%add3A_262, %dma_start3A_263] : memref<8192x2048xf32, #tpu.memory_space<hbm>> -> memref<16x2048xf32, #tpu.memory_space<hbm>>
    %dma_start3A_265 = arith.constant 0 : i32
    %dma_start3A_266 = tpu.memref_slice %arg4[%add3A_262, %dma_start3A_265] : memref<8192x2048xf32, #tpu.memory_space<hbm>> -> memref<16x2048xf32, #tpu.memory_space<hbm>>
    tpu.enqueue_dma source(%arg6 : memref<16x2048xf32, #tpu.memory_space<vmem>>) target(%dma_start3A_266 : memref<16x2048xf32, #tpu.memory_space<hbm>>) target_semaphore(%arg12 : memref<!tpu.dma_semaphore, #tpu.memory_space<semaphore_mem>>)
    %dma_wait3A_267 = arith.constant 0 : i32
    %dma_wait3A_268 = tpu.memref_slice %arg4[%add3A_262, %dma_wait3A_267] : memref<8192x2048xf32, #tpu.memory_space<hbm>> -> memref<16x2048xf32, #tpu.memory_space<hbm>>
    %dma_wait3A_269 = arith.constant 0 : i32
    %dma_wait3A_270 = tpu.memref_slice %arg4[%add3A_262, %dma_wait3A_269] : memref<8192x2048xf32, #tpu.memory_space<hbm>> -> memref<16x2048xf32, #tpu.memory_space<hbm>>
    tpu.wait_dma2 semaphore(%arg12 : memref<!tpu.dma_semaphore, #tpu.memory_space<semaphore_mem>>) src(%arg6 : memref<16x2048xf32, #tpu.memory_space<vmem>>) dst(%dma_wait3A_270 : memref<16x2048xf32, #tpu.memory_space<hbm>>)
    %dma_start3A_271 = arith.constant 240 : i32
    %dma_start3A_272 = tpu.memref_slice %arg5[%dma_start3A_271] : memref<256xi32, #tpu.memory_space<vmem>> -> memref<16xi32, #tpu.memory_space<vmem>>
    %dma_start3A_273 = arith.constant 0 : i32
    %dma_start3A_274 = arith.constant 0 : i32
    %dma_start3A_275 = tpu.memref_slice %arg2[%dma_start3A_273, %dma_start3A_274] : memref<8704x2048xf32, #tpu.memory_space<hbm>> -> memref<8704x2048xf32, #tpu.memory_space<hbm>>
    tpu.enqueue_indirect_dma source(%dma_start3A_275 : memref<8704x2048xf32, #tpu.memory_space<hbm>>) target(%arg6 : memref<16x2048xf32, #tpu.memory_space<vmem>>) offsets(%dma_start3A_272 : memref<16xi32, #tpu.memory_space<vmem>>) semaphore(%arg9 : memref<!tpu.dma_semaphore, #tpu.memory_space<semaphore_mem>>)
    %dma_wait3A_276 = arith.constant 208 : i32
    %dma_wait3A_277 = tpu.memref_slice %arg5[%dma_wait3A_276] : memref<256xi32, #tpu.memory_space<vmem>> -> memref<16xi32, #tpu.memory_space<vmem>>
    %dma_wait3A_278 = arith.constant 0 : i32
    %dma_wait3A_279 = arith.constant 0 : i32
    %dma_wait3A_280 = tpu.memref_slice %arg2[%dma_wait3A_278, %dma_wait3A_279] : memref<8704x2048xf32, #tpu.memory_space<hbm>> -> memref<8704x2048xf32, #tpu.memory_space<hbm>>
    tpu.wait_indirect_dma semaphore(%arg10 : memref<!tpu.dma_semaphore, #tpu.memory_space<semaphore_mem>>) src(%dma_wait3A_280 : memref<8704x2048xf32, #tpu.memory_space<hbm>>) dst(%arg7 : memref<16x2048xf32, #tpu.memory_space<vmem>>)
    %add3A_281 = arith.constant 208 : i32
    %add3A_282 = arith.addi %mul3A_2, %add3A_281 : i32
    %dma_start3A_283 = arith.constant 0 : i32
    %dma_start3A_284 = tpu.memref_slice %arg4[%add3A_282, %dma_start3A_283] : memref<8192x2048xf32, #tpu.memory_space<hbm>> -> memref<16x2048xf32, #tpu.memory_space<hbm>>
    %dma_start3A_285 = arith.constant 0 : i32
    %dma_start3A_286 = tpu.memref_slice %arg4[%add3A_282, %dma_start3A_285] : memref<8192x2048xf32, #tpu.memory_space<hbm>> -> memref<16x2048xf32, #tpu.memory_space<hbm>>
    tpu.enqueue_dma source(%arg7 : memref<16x2048xf32, #tpu.memory_space<vmem>>) target(%dma_start3A_286 : memref<16x2048xf32, #tpu.memory_space<hbm>>) target_semaphore(%arg13 : memref<!tpu.dma_semaphore, #tpu.memory_space<semaphore_mem>>)
    %dma_wait3A_287 = arith.constant 224 : i32
    %dma_wait3A_288 = tpu.memref_slice %arg5[%dma_wait3A_287] : memref<256xi32, #tpu.memory_space<vmem>> -> memref<16xi32, #tpu.memory_space<vmem>>
    %dma_wait3A_289 = arith.constant 0 : i32
    %dma_wait3A_290 = arith.constant 0 : i32
    %dma_wait3A_291 = tpu.memref_slice %arg2[%dma_wait3A_289, %dma_wait3A_290] : memref<8704x2048xf32, #tpu.memory_space<hbm>> -> memref<8704x2048xf32, #tpu.memory_space<hbm>>
    tpu.wait_indirect_dma semaphore(%arg11 : memref<!tpu.dma_semaphore, #tpu.memory_space<semaphore_mem>>) src(%dma_wait3A_291 : memref<8704x2048xf32, #tpu.memory_space<hbm>>) dst(%arg8 : memref<16x2048xf32, #tpu.memory_space<vmem>>)
    %add3A_292 = arith.constant 224 : i32
    %add3A_293 = arith.addi %mul3A_2, %add3A_292 : i32
    %dma_start3A_294 = arith.constant 0 : i32
    %dma_start3A_295 = tpu.memref_slice %arg4[%add3A_293, %dma_start3A_294] : memref<8192x2048xf32, #tpu.memory_space<hbm>> -> memref<16x2048xf32, #tpu.memory_space<hbm>>
    %dma_start3A_296 = arith.constant 0 : i32
    %dma_start3A_297 = tpu.memref_slice %arg4[%add3A_293, %dma_start3A_296] : memref<8192x2048xf32, #tpu.memory_space<hbm>> -> memref<16x2048xf32, #tpu.memory_space<hbm>>
    tpu.enqueue_dma source(%arg8 : memref<16x2048xf32, #tpu.memory_space<vmem>>) target(%dma_start3A_297 : memref<16x2048xf32, #tpu.memory_space<hbm>>) target_semaphore(%arg14 : memref<!tpu.dma_semaphore, #tpu.memory_space<semaphore_mem>>)
    %dma_wait3A_298 = arith.constant 240 : i32
    %dma_wait3A_299 = tpu.memref_slice %arg5[%dma_wait3A_298] : memref<256xi32, #tpu.memory_space<vmem>> -> memref<16xi32, #tpu.memory_space<vmem>>
    %dma_wait3A_300 = arith.constant 0 : i32
    %dma_wait3A_301 = arith.constant 0 : i32
    %dma_wait3A_302 = tpu.memref_slice %arg2[%dma_wait3A_300, %dma_wait3A_301] : memref<8704x2048xf32, #tpu.memory_space<hbm>> -> memref<8704x2048xf32, #tpu.memory_space<hbm>>
    tpu.wait_indirect_dma semaphore(%arg9 : memref<!tpu.dma_semaphore, #tpu.memory_space<semaphore_mem>>) src(%dma_wait3A_302 : memref<8704x2048xf32, #tpu.memory_space<hbm>>) dst(%arg6 : memref<16x2048xf32, #tpu.memory_space<vmem>>)
    %add3A_303 = arith.constant 240 : i32
    %add3A_304 = arith.addi %mul3A_2, %add3A_303 : i32
    %dma_start3A_305 = arith.constant 0 : i32
    %dma_start3A_306 = tpu.memref_slice %arg4[%add3A_304, %dma_start3A_305] : memref<8192x2048xf32, #tpu.memory_space<hbm>> -> memref<16x2048xf32, #tpu.memory_space<hbm>>
    %dma_start3A_307 = arith.constant 0 : i32
    %dma_start3A_308 = tpu.memref_slice %arg4[%add3A_304, %dma_start3A_307] : memref<8192x2048xf32, #tpu.memory_space<hbm>> -> memref<16x2048xf32, #tpu.memory_space<hbm>>
    tpu.enqueue_dma source(%arg6 : memref<16x2048xf32, #tpu.memory_space<vmem>>) target(%dma_start3A_308 : memref<16x2048xf32, #tpu.memory_space<hbm>>) target_semaphore(%arg12 : memref<!tpu.dma_semaphore, #tpu.memory_space<semaphore_mem>>)
    %dma_wait3A_309 = arith.constant 0 : i32
    %dma_wait3A_310 = tpu.memref_slice %arg4[%add3A_304, %dma_wait3A_309] : memref<8192x2048xf32, #tpu.memory_space<hbm>> -> memref<16x2048xf32, #tpu.memory_space<hbm>>
    %dma_wait3A_311 = arith.constant 0 : i32
    %dma_wait3A_312 = tpu.memref_slice %arg4[%add3A_304, %dma_wait3A_311] : memref<8192x2048xf32, #tpu.memory_space<hbm>> -> memref<16x2048xf32, #tpu.memory_space<hbm>>
    tpu.wait_dma2 semaphore(%arg12 : memref<!tpu.dma_semaphore, #tpu.memory_space<semaphore_mem>>) src(%arg6 : memref<16x2048xf32, #tpu.memory_space<vmem>>) dst(%dma_wait3A_312 : memref<16x2048xf32, #tpu.memory_space<hbm>>)
    %dma_wait3A_313 = arith.constant 0 : i32
    %dma_wait3A_314 = tpu.memref_slice %arg4[%add3A_282, %dma_wait3A_313] : memref<8192x2048xf32, #tpu.memory_space<hbm>> -> memref<16x2048xf32, #tpu.memory_space<hbm>>
    %dma_wait3A_315 = arith.constant 0 : i32
    %dma_wait3A_316 = tpu.memref_slice %arg4[%add3A_282, %dma_wait3A_315] : memref<8192x2048xf32, #tpu.memory_space<hbm>> -> memref<16x2048xf32, #tpu.memory_space<hbm>>
    tpu.wait_dma2 semaphore(%arg13 : memref<!tpu.dma_semaphore, #tpu.memory_space<semaphore_mem>>) src(%arg7 : memref<16x2048xf32, #tpu.memory_space<vmem>>) dst(%dma_wait3A_316 : memref<16x2048xf32, #tpu.memory_space<hbm>>)
    %dma_wait3A_317 = arith.constant 0 : i32
    %dma_wait3A_318 = tpu.memref_slice %arg4[%add3A_293, %dma_wait3A_317] : memref<8192x2048xf32, #tpu.memory_space<hbm>> -> memref<16x2048xf32, #tpu.memory_space<hbm>>
    %dma_wait3A_319 = arith.constant 0 : i32
    %dma_wait3A_320 = tpu.memref_slice %arg4[%add3A_293, %dma_wait3A_319] : memref<8192x2048xf32, #tpu.memory_space<hbm>> -> memref<16x2048xf32, #tpu.memory_space<hbm>>
    tpu.wait_dma2 semaphore(%arg14 : memref<!tpu.dma_semaphore, #tpu.memory_space<semaphore_mem>>) src(%arg8 : memref<16x2048xf32, #tpu.memory_space<vmem>>) dst(%dma_wait3A_320 : memref<16x2048xf32, #tpu.memory_space<hbm>>)
    return
  }
}

#map = affine_map<(d0, d1) -> (0, 0)>
#map1 = affine_map<(d0, d1) -> (0)>
module attributes {stable_mosaic.version = 14 : i64} {
  func.func @_sc_scatter(%arg0: i32, %arg1: i32, %arg2: memref<8192x512xf32, #tpu.memory_space<hbm>>, %arg3: memref<8192xi32, #tpu.memory_space<hbm>>, %arg4: memref<8704x512xf32, #tpu.memory_space<hbm>>, %arg5: memref<64xi32, #tpu.memory_space<vmem>>, %arg6: memref<64xi32, #tpu.memory_space<vmem>>, %arg7: memref<64x512xf32, #tpu.memory_space<vmem>>, %arg8: memref<64x512xf32, #tpu.memory_space<vmem>>, %arg9: memref<!tpu.dma_semaphore, #tpu.memory_space<semaphore_mem>>, %arg10: memref<!tpu.dma_semaphore, #tpu.memory_space<semaphore_mem>>, %arg11: memref<!tpu.dma_semaphore, #tpu.memory_space<semaphore_mem>>, %arg12: memref<!tpu.dma_semaphore, #tpu.memory_space<semaphore_mem>>, %arg13: memref<!tpu.dma_semaphore, #tpu.memory_space<semaphore_mem>>, %arg14: memref<!tpu.dma_semaphore, #tpu.memory_space<semaphore_mem>>) attributes {dimension_semantics = [#tpu.dimension_semantics<core_parallel>, #tpu.dimension_semantics<subcore_parallel>], iteration_bounds = array<i64: 2, 16>, scalar_prefetch = 0 : i64, scratch_operands = 10 : i64, tpu.core_type = #tpu.core_type<sc_vector_subcore>, window_params = [{transform_indices = #map}, {transform_indices = #map1}, {transform_indices = #map}]} {
    %mul3A = arith.constant 2 : i32
    %mul3A_0 = arith.muli %arg1, %mul3A : i32
    %add3A = arith.addi %mul3A_0, %arg0 : i32
    %mul3A_1 = arith.constant 256 : i32
    %mul3A_2 = arith.muli %add3A, %mul3A_1 : i32
    %add3A_3 = arith.constant 0 : i32
    %add3A_4 = arith.addi %mul3A_2, %add3A_3 : i32
    %dma_start3A = tpu.memref_slice %arg3[%add3A_4] : memref<8192xi32, #tpu.memory_space<hbm>> -> memref<64xi32, #tpu.memory_space<hbm>>
    %dma_start3A_5 = tpu.memref_slice %arg3[%add3A_4] : memref<8192xi32, #tpu.memory_space<hbm>> -> memref<64xi32, #tpu.memory_space<hbm>>
    tpu.enqueue_dma source(%dma_start3A_5 : memref<64xi32, #tpu.memory_space<hbm>>) target(%arg5 : memref<64xi32, #tpu.memory_space<vmem>>) target_semaphore(%arg9 : memref<!tpu.dma_semaphore, #tpu.memory_space<semaphore_mem>>)
    %dma_start3A_6 = arith.constant 0 : i32
    %dma_start3A_7 = tpu.memref_slice %arg2[%add3A_4, %dma_start3A_6] : memref<8192x512xf32, #tpu.memory_space<hbm>> -> memref<64x512xf32, #tpu.memory_space<hbm>>
    %dma_start3A_8 = arith.constant 0 : i32
    %dma_start3A_9 = tpu.memref_slice %arg2[%add3A_4, %dma_start3A_8] : memref<8192x512xf32, #tpu.memory_space<hbm>> -> memref<64x512xf32, #tpu.memory_space<hbm>>
    tpu.enqueue_dma source(%dma_start3A_9 : memref<64x512xf32, #tpu.memory_space<hbm>>) target(%arg7 : memref<64x512xf32, #tpu.memory_space<vmem>>) target_semaphore(%arg11 : memref<!tpu.dma_semaphore, #tpu.memory_space<semaphore_mem>>)
    %add3A_10 = arith.constant 64 : i32
    %add3A_11 = arith.addi %mul3A_2, %add3A_10 : i32
    %dma_start3A_12 = tpu.memref_slice %arg3[%add3A_11] : memref<8192xi32, #tpu.memory_space<hbm>> -> memref<64xi32, #tpu.memory_space<hbm>>
    %dma_start3A_13 = tpu.memref_slice %arg3[%add3A_11] : memref<8192xi32, #tpu.memory_space<hbm>> -> memref<64xi32, #tpu.memory_space<hbm>>
    tpu.enqueue_dma source(%dma_start3A_13 : memref<64xi32, #tpu.memory_space<hbm>>) target(%arg6 : memref<64xi32, #tpu.memory_space<vmem>>) target_semaphore(%arg10 : memref<!tpu.dma_semaphore, #tpu.memory_space<semaphore_mem>>)
    %dma_start3A_14 = arith.constant 0 : i32
    %dma_start3A_15 = tpu.memref_slice %arg2[%add3A_11, %dma_start3A_14] : memref<8192x512xf32, #tpu.memory_space<hbm>> -> memref<64x512xf32, #tpu.memory_space<hbm>>
    %dma_start3A_16 = arith.constant 0 : i32
    %dma_start3A_17 = tpu.memref_slice %arg2[%add3A_11, %dma_start3A_16] : memref<8192x512xf32, #tpu.memory_space<hbm>> -> memref<64x512xf32, #tpu.memory_space<hbm>>
    tpu.enqueue_dma source(%dma_start3A_17 : memref<64x512xf32, #tpu.memory_space<hbm>>) target(%arg8 : memref<64x512xf32, #tpu.memory_space<vmem>>) target_semaphore(%arg12 : memref<!tpu.dma_semaphore, #tpu.memory_space<semaphore_mem>>)
    %dma_wait3A = tpu.memref_slice %arg3[%add3A_4] : memref<8192xi32, #tpu.memory_space<hbm>> -> memref<64xi32, #tpu.memory_space<hbm>>
    %dma_wait3A_18 = tpu.memref_slice %arg3[%add3A_4] : memref<8192xi32, #tpu.memory_space<hbm>> -> memref<64xi32, #tpu.memory_space<hbm>>
    tpu.wait_dma2 semaphore(%arg9 : memref<!tpu.dma_semaphore, #tpu.memory_space<semaphore_mem>>) src(%dma_wait3A_18 : memref<64xi32, #tpu.memory_space<hbm>>) dst(%arg5 : memref<64xi32, #tpu.memory_space<vmem>>)
    %dma_wait3A_19 = arith.constant 0 : i32
    %dma_wait3A_20 = tpu.memref_slice %arg2[%add3A_4, %dma_wait3A_19] : memref<8192x512xf32, #tpu.memory_space<hbm>> -> memref<64x512xf32, #tpu.memory_space<hbm>>
    %dma_wait3A_21 = arith.constant 0 : i32
    %dma_wait3A_22 = tpu.memref_slice %arg2[%add3A_4, %dma_wait3A_21] : memref<8192x512xf32, #tpu.memory_space<hbm>> -> memref<64x512xf32, #tpu.memory_space<hbm>>
    tpu.wait_dma2 semaphore(%arg11 : memref<!tpu.dma_semaphore, #tpu.memory_space<semaphore_mem>>) src(%dma_wait3A_22 : memref<64x512xf32, #tpu.memory_space<hbm>>) dst(%arg7 : memref<64x512xf32, #tpu.memory_space<vmem>>)
    %dma_start3A_23 = arith.constant 0 : i32
    %dma_start3A_24 = arith.constant 0 : i32
    %dma_start3A_25 = tpu.memref_slice %arg4[%dma_start3A_23, %dma_start3A_24] : memref<8704x512xf32, #tpu.memory_space<hbm>> -> memref<8704x512xf32, #tpu.memory_space<hbm>>
    tpu.enqueue_indirect_dma source(%arg7 : memref<64x512xf32, #tpu.memory_space<vmem>>) target(%dma_start3A_25 : memref<8704x512xf32, #tpu.memory_space<hbm>>) offsets(%arg5 : memref<64xi32, #tpu.memory_space<vmem>>) semaphore(%arg13 : memref<!tpu.dma_semaphore, #tpu.memory_space<semaphore_mem>>)
    %dma_wait3A_26 = tpu.memref_slice %arg3[%add3A_11] : memref<8192xi32, #tpu.memory_space<hbm>> -> memref<64xi32, #tpu.memory_space<hbm>>
    %dma_wait3A_27 = tpu.memref_slice %arg3[%add3A_11] : memref<8192xi32, #tpu.memory_space<hbm>> -> memref<64xi32, #tpu.memory_space<hbm>>
    tpu.wait_dma2 semaphore(%arg10 : memref<!tpu.dma_semaphore, #tpu.memory_space<semaphore_mem>>) src(%dma_wait3A_27 : memref<64xi32, #tpu.memory_space<hbm>>) dst(%arg6 : memref<64xi32, #tpu.memory_space<vmem>>)
    %dma_wait3A_28 = arith.constant 0 : i32
    %dma_wait3A_29 = tpu.memref_slice %arg2[%add3A_11, %dma_wait3A_28] : memref<8192x512xf32, #tpu.memory_space<hbm>> -> memref<64x512xf32, #tpu.memory_space<hbm>>
    %dma_wait3A_30 = arith.constant 0 : i32
    %dma_wait3A_31 = tpu.memref_slice %arg2[%add3A_11, %dma_wait3A_30] : memref<8192x512xf32, #tpu.memory_space<hbm>> -> memref<64x512xf32, #tpu.memory_space<hbm>>
    tpu.wait_dma2 semaphore(%arg12 : memref<!tpu.dma_semaphore, #tpu.memory_space<semaphore_mem>>) src(%dma_wait3A_31 : memref<64x512xf32, #tpu.memory_space<hbm>>) dst(%arg8 : memref<64x512xf32, #tpu.memory_space<vmem>>)
    %dma_start3A_32 = arith.constant 0 : i32
    %dma_start3A_33 = arith.constant 0 : i32
    %dma_start3A_34 = tpu.memref_slice %arg4[%dma_start3A_32, %dma_start3A_33] : memref<8704x512xf32, #tpu.memory_space<hbm>> -> memref<8704x512xf32, #tpu.memory_space<hbm>>
    tpu.enqueue_indirect_dma source(%arg8 : memref<64x512xf32, #tpu.memory_space<vmem>>) target(%dma_start3A_34 : memref<8704x512xf32, #tpu.memory_space<hbm>>) offsets(%arg6 : memref<64xi32, #tpu.memory_space<vmem>>) semaphore(%arg14 : memref<!tpu.dma_semaphore, #tpu.memory_space<semaphore_mem>>)
    %dma_wait3A_35 = arith.constant 0 : i32
    %dma_wait3A_36 = arith.constant 0 : i32
    %dma_wait3A_37 = tpu.memref_slice %arg4[%dma_wait3A_35, %dma_wait3A_36] : memref<8704x512xf32, #tpu.memory_space<hbm>> -> memref<8704x512xf32, #tpu.memory_space<hbm>>
    tpu.wait_indirect_dma semaphore(%arg13 : memref<!tpu.dma_semaphore, #tpu.memory_space<semaphore_mem>>) src(%arg7 : memref<64x512xf32, #tpu.memory_space<vmem>>) dst(%dma_wait3A_37 : memref<8704x512xf32, #tpu.memory_space<hbm>>)
    %add3A_38 = arith.constant 128 : i32
    %add3A_39 = arith.addi %mul3A_2, %add3A_38 : i32
    %dma_start3A_40 = tpu.memref_slice %arg3[%add3A_39] : memref<8192xi32, #tpu.memory_space<hbm>> -> memref<64xi32, #tpu.memory_space<hbm>>
    %dma_start3A_41 = tpu.memref_slice %arg3[%add3A_39] : memref<8192xi32, #tpu.memory_space<hbm>> -> memref<64xi32, #tpu.memory_space<hbm>>
    tpu.enqueue_dma source(%dma_start3A_41 : memref<64xi32, #tpu.memory_space<hbm>>) target(%arg5 : memref<64xi32, #tpu.memory_space<vmem>>) target_semaphore(%arg9 : memref<!tpu.dma_semaphore, #tpu.memory_space<semaphore_mem>>)
    %dma_start3A_42 = arith.constant 0 : i32
    %dma_start3A_43 = tpu.memref_slice %arg2[%add3A_39, %dma_start3A_42] : memref<8192x512xf32, #tpu.memory_space<hbm>> -> memref<64x512xf32, #tpu.memory_space<hbm>>
    %dma_start3A_44 = arith.constant 0 : i32
    %dma_start3A_45 = tpu.memref_slice %arg2[%add3A_39, %dma_start3A_44] : memref<8192x512xf32, #tpu.memory_space<hbm>> -> memref<64x512xf32, #tpu.memory_space<hbm>>
    tpu.enqueue_dma source(%dma_start3A_45 : memref<64x512xf32, #tpu.memory_space<hbm>>) target(%arg7 : memref<64x512xf32, #tpu.memory_space<vmem>>) target_semaphore(%arg11 : memref<!tpu.dma_semaphore, #tpu.memory_space<semaphore_mem>>)
    %dma_wait3A_46 = tpu.memref_slice %arg3[%add3A_39] : memref<8192xi32, #tpu.memory_space<hbm>> -> memref<64xi32, #tpu.memory_space<hbm>>
    %dma_wait3A_47 = tpu.memref_slice %arg3[%add3A_39] : memref<8192xi32, #tpu.memory_space<hbm>> -> memref<64xi32, #tpu.memory_space<hbm>>
    tpu.wait_dma2 semaphore(%arg9 : memref<!tpu.dma_semaphore, #tpu.memory_space<semaphore_mem>>) src(%dma_wait3A_47 : memref<64xi32, #tpu.memory_space<hbm>>) dst(%arg5 : memref<64xi32, #tpu.memory_space<vmem>>)
    %dma_wait3A_48 = arith.constant 0 : i32
    %dma_wait3A_49 = tpu.memref_slice %arg2[%add3A_39, %dma_wait3A_48] : memref<8192x512xf32, #tpu.memory_space<hbm>> -> memref<64x512xf32, #tpu.memory_space<hbm>>
    %dma_wait3A_50 = arith.constant 0 : i32
    %dma_wait3A_51 = tpu.memref_slice %arg2[%add3A_39, %dma_wait3A_50] : memref<8192x512xf32, #tpu.memory_space<hbm>> -> memref<64x512xf32, #tpu.memory_space<hbm>>
    tpu.wait_dma2 semaphore(%arg11 : memref<!tpu.dma_semaphore, #tpu.memory_space<semaphore_mem>>) src(%dma_wait3A_51 : memref<64x512xf32, #tpu.memory_space<hbm>>) dst(%arg7 : memref<64x512xf32, #tpu.memory_space<vmem>>)
    %dma_start3A_52 = arith.constant 0 : i32
    %dma_start3A_53 = arith.constant 0 : i32
    %dma_start3A_54 = tpu.memref_slice %arg4[%dma_start3A_52, %dma_start3A_53] : memref<8704x512xf32, #tpu.memory_space<hbm>> -> memref<8704x512xf32, #tpu.memory_space<hbm>>
    tpu.enqueue_indirect_dma source(%arg7 : memref<64x512xf32, #tpu.memory_space<vmem>>) target(%dma_start3A_54 : memref<8704x512xf32, #tpu.memory_space<hbm>>) offsets(%arg5 : memref<64xi32, #tpu.memory_space<vmem>>) semaphore(%arg13 : memref<!tpu.dma_semaphore, #tpu.memory_space<semaphore_mem>>)
    %dma_wait3A_55 = arith.constant 0 : i32
    %dma_wait3A_56 = arith.constant 0 : i32
    %dma_wait3A_57 = tpu.memref_slice %arg4[%dma_wait3A_55, %dma_wait3A_56] : memref<8704x512xf32, #tpu.memory_space<hbm>> -> memref<8704x512xf32, #tpu.memory_space<hbm>>
    tpu.wait_indirect_dma semaphore(%arg14 : memref<!tpu.dma_semaphore, #tpu.memory_space<semaphore_mem>>) src(%arg8 : memref<64x512xf32, #tpu.memory_space<vmem>>) dst(%dma_wait3A_57 : memref<8704x512xf32, #tpu.memory_space<hbm>>)
    %add3A_58 = arith.constant 192 : i32
    %add3A_59 = arith.addi %mul3A_2, %add3A_58 : i32
    %dma_start3A_60 = tpu.memref_slice %arg3[%add3A_59] : memref<8192xi32, #tpu.memory_space<hbm>> -> memref<64xi32, #tpu.memory_space<hbm>>
    %dma_start3A_61 = tpu.memref_slice %arg3[%add3A_59] : memref<8192xi32, #tpu.memory_space<hbm>> -> memref<64xi32, #tpu.memory_space<hbm>>
    tpu.enqueue_dma source(%dma_start3A_61 : memref<64xi32, #tpu.memory_space<hbm>>) target(%arg6 : memref<64xi32, #tpu.memory_space<vmem>>) target_semaphore(%arg10 : memref<!tpu.dma_semaphore, #tpu.memory_space<semaphore_mem>>)
    %dma_start3A_62 = arith.constant 0 : i32
    %dma_start3A_63 = tpu.memref_slice %arg2[%add3A_59, %dma_start3A_62] : memref<8192x512xf32, #tpu.memory_space<hbm>> -> memref<64x512xf32, #tpu.memory_space<hbm>>
    %dma_start3A_64 = arith.constant 0 : i32
    %dma_start3A_65 = tpu.memref_slice %arg2[%add3A_59, %dma_start3A_64] : memref<8192x512xf32, #tpu.memory_space<hbm>> -> memref<64x512xf32, #tpu.memory_space<hbm>>
    tpu.enqueue_dma source(%dma_start3A_65 : memref<64x512xf32, #tpu.memory_space<hbm>>) target(%arg8 : memref<64x512xf32, #tpu.memory_space<vmem>>) target_semaphore(%arg12 : memref<!tpu.dma_semaphore, #tpu.memory_space<semaphore_mem>>)
    %dma_wait3A_66 = tpu.memref_slice %arg3[%add3A_59] : memref<8192xi32, #tpu.memory_space<hbm>> -> memref<64xi32, #tpu.memory_space<hbm>>
    %dma_wait3A_67 = tpu.memref_slice %arg3[%add3A_59] : memref<8192xi32, #tpu.memory_space<hbm>> -> memref<64xi32, #tpu.memory_space<hbm>>
    tpu.wait_dma2 semaphore(%arg10 : memref<!tpu.dma_semaphore, #tpu.memory_space<semaphore_mem>>) src(%dma_wait3A_67 : memref<64xi32, #tpu.memory_space<hbm>>) dst(%arg6 : memref<64xi32, #tpu.memory_space<vmem>>)
    %dma_wait3A_68 = arith.constant 0 : i32
    %dma_wait3A_69 = tpu.memref_slice %arg2[%add3A_59, %dma_wait3A_68] : memref<8192x512xf32, #tpu.memory_space<hbm>> -> memref<64x512xf32, #tpu.memory_space<hbm>>
    %dma_wait3A_70 = arith.constant 0 : i32
    %dma_wait3A_71 = tpu.memref_slice %arg2[%add3A_59, %dma_wait3A_70] : memref<8192x512xf32, #tpu.memory_space<hbm>> -> memref<64x512xf32, #tpu.memory_space<hbm>>
    tpu.wait_dma2 semaphore(%arg12 : memref<!tpu.dma_semaphore, #tpu.memory_space<semaphore_mem>>) src(%dma_wait3A_71 : memref<64x512xf32, #tpu.memory_space<hbm>>) dst(%arg8 : memref<64x512xf32, #tpu.memory_space<vmem>>)
    %dma_start3A_72 = arith.constant 0 : i32
    %dma_start3A_73 = arith.constant 0 : i32
    %dma_start3A_74 = tpu.memref_slice %arg4[%dma_start3A_72, %dma_start3A_73] : memref<8704x512xf32, #tpu.memory_space<hbm>> -> memref<8704x512xf32, #tpu.memory_space<hbm>>
    tpu.enqueue_indirect_dma source(%arg8 : memref<64x512xf32, #tpu.memory_space<vmem>>) target(%dma_start3A_74 : memref<8704x512xf32, #tpu.memory_space<hbm>>) offsets(%arg6 : memref<64xi32, #tpu.memory_space<vmem>>) semaphore(%arg14 : memref<!tpu.dma_semaphore, #tpu.memory_space<semaphore_mem>>)
    %dma_wait3A_75 = arith.constant 0 : i32
    %dma_wait3A_76 = arith.constant 0 : i32
    %dma_wait3A_77 = tpu.memref_slice %arg4[%dma_wait3A_75, %dma_wait3A_76] : memref<8704x512xf32, #tpu.memory_space<hbm>> -> memref<8704x512xf32, #tpu.memory_space<hbm>>
    tpu.wait_indirect_dma semaphore(%arg13 : memref<!tpu.dma_semaphore, #tpu.memory_space<semaphore_mem>>) src(%arg7 : memref<64x512xf32, #tpu.memory_space<vmem>>) dst(%dma_wait3A_77 : memref<8704x512xf32, #tpu.memory_space<hbm>>)
    %dma_wait3A_78 = arith.constant 0 : i32
    %dma_wait3A_79 = arith.constant 0 : i32
    %dma_wait3A_80 = tpu.memref_slice %arg4[%dma_wait3A_78, %dma_wait3A_79] : memref<8704x512xf32, #tpu.memory_space<hbm>> -> memref<8704x512xf32, #tpu.memory_space<hbm>>
    tpu.wait_indirect_dma semaphore(%arg14 : memref<!tpu.dma_semaphore, #tpu.memory_space<semaphore_mem>>) src(%arg8 : memref<64x512xf32, #tpu.memory_space<vmem>>) dst(%dma_wait3A_80 : memref<8704x512xf32, #tpu.memory_space<hbm>>)
    return
  }
}

module attributes {stable_mosaic.version = 14 : i64} {
  func.func @_rank_body(%arg0: memref<64x128xi32, #tpu.memory_space<vmem>>, %arg1: memref<64x128xi32, #tpu.memory_space<vmem>>, %arg2: memref<1x1xi32, #tpu.memory_space<smem>>) attributes {dimension_semantics = [], scalar_prefetch = 0 : i64, scratch_operands = 0 : i64, tpu.core_type = #tpu.core_type<tc>} {
    %get3A = arith.constant 0 : index
    %get3A_0 = arith.constant 0 : index
    %get3A_1 = vector.load %arg0[%get3A, %get3A_0] : memref<64x128xi32, #tpu.memory_space<vmem>>, vector<64x128xi32>
    %eq3A = arith.constant 0 : i32
    %eq3A_2 = vector.broadcast %eq3A : i32 to vector<64x128xi32>
    %eq3A_3 = arith.cmpi eq, %get3A_1, %eq3A_2 : vector<64x128xi32>
    %convert_element_type3A = arith.extui %eq3A_3 : vector<64x128xi1> to vector<64x128xi32>
    %convert_element_type3A_4 = arith.sitofp %convert_element_type3A : vector<64x128xi32> to vector<64x128xf32>
    %iota3A = tpu.iota {dimensions = array<i32: 0>} : vector<128x128xi32>
    %iota3A_5 = tpu.iota {dimensions = array<i32: 1>} : vector<128x128xi32>
    %le3A = arith.cmpi sle, %iota3A, %iota3A_5 : vector<128x128xi32>
    %convert_element_type3A_6 = arith.extui %le3A : vector<128x128xi1> to vector<128x128xi32>
    %convert_element_type3A_7 = arith.sitofp %convert_element_type3A_6 : vector<128x128xi32> to vector<128x128xf32>
    %dot_general3A = arith.constant dense<0.000000e+00> : vector<64x128xf32>
    %dot_general3A_8 = tpu.matmul %convert_element_type3A_4, %convert_element_type3A_7, %dot_general3A {dimension_numbers = #tpu.dot_dimension_numbers<[1], [0], [0], [1], [0, 0, 1, 1], [], []>, transpose_lhs_hint = false} : vector<64x128xf32>, vector<128x128xf32>, vector<64x128xf32> -> vector<64x128xf32>
    %slice3A = vector.extract_strided_slice %dot_general3A_8 {offsets = [0, 127], sizes = [64, 1], strides = [1, 1]} : vector<64x128xf32> to vector<64x1xf32>
    %iota3A_9 = tpu.iota {dimensions = array<i32: 0>} : vector<64x64xi32>
    %iota3A_10 = tpu.iota {dimensions = array<i32: 1>} : vector<64x64xi32>
    %lt3A = arith.cmpi slt, %iota3A_10, %iota3A_9 : vector<64x64xi32>
    %convert_element_type3A_11 = arith.extui %lt3A : vector<64x64xi1> to vector<64x64xi32>
    %convert_element_type3A_12 = arith.sitofp %convert_element_type3A_11 : vector<64x64xi32> to vector<64x64xf32>
    %dot_general3A_13 = arith.constant dense<0.000000e+00> : vector<64x1xf32>
    %dot_general3A_14 = tpu.matmul %convert_element_type3A_12, %slice3A, %dot_general3A_13 {dimension_numbers = #tpu.dot_dimension_numbers<[1], [0], [0], [1], [0, 0, 1, 1], [], []>, transpose_lhs_hint = false} : vector<64x64xf32>, vector<64x1xf32>, vector<64x1xf32> -> vector<64x1xf32>
    %add3A = vector.broadcast %dot_general3A_14 : vector<64x1xf32> to vector<64x128xf32>
    %add3A_15 = arith.addf %dot_general3A_8, %add3A : vector<64x128xf32>
    %convert_element_type3A_16 = arith.fptosi %add3A_15 : vector<64x128xf32> to vector<64x128xi32>
    %reduce_sum3A = vector.shape_cast %convert_element_type3A_4 : vector<64x128xf32> to vector<1x64x128xf32>
    %reduce_sum3A_17 = arith.constant dense<0.000000e+00> : vector<1xf32>
    %reduce_sum3A_18 = vector.multi_reduction <add>, %reduce_sum3A, %reduce_sum3A_17 [1, 2] : vector<1x64x128xf32> to vector<1xf32>
    %reduce_sum3A_19 = vector.shape_cast %reduce_sum3A_18 : vector<1xf32> to vector<1x1x1xf32>
    %reduce_sum3A_20 = vector.extract %reduce_sum3A_19[0, 0, 0] : f32 from vector<1x1x1xf32>
    %convert_element_type3A_21 = arith.fptosi %reduce_sum3A_20 : f32 to i32
    %add3A_22 = arith.constant 512 : i32
    %add3A_23 = arith.addi %convert_element_type3A_21, %add3A_22 : i32
    %sub3A = arith.constant 1 : i32
    %sub3A_24 = arith.subi %add3A_23, %sub3A : i32
    %jit3A = arith.constant 512 : i32
    %div3A = arith.divsi %sub3A_24, %jit3A : i32
    %sign3A = arith.constant 0 : i32
    %sign3A_25 = arith.cmpi sgt, %sub3A_24, %sign3A : i32
    %sign3A_26 = arith.extui %sign3A_25 : i1 to i32
    %sign3A_27 = arith.constant 0 : i32
    %sign3A_28 = arith.cmpi slt, %sub3A_24, %sign3A_27 : i32
    %sign3A_29 = arith.extui %sign3A_28 : i1 to i32
    %sign3A_30 = arith.subi %sign3A_26, %sign3A_29 : i32
    %sign3A_31 = arith.constant 0 : i32
    %sign3A_32 = arith.cmpi sgt, %jit3A, %sign3A_31 : i32
    %sign3A_33 = arith.extui %sign3A_32 : i1 to i32
    %sign3A_34 = arith.constant 0 : i32
    %sign3A_35 = arith.cmpi slt, %jit3A, %sign3A_34 : i32
    %sign3A_36 = arith.extui %sign3A_35 : i1 to i32
    %sign3A_37 = arith.subi %sign3A_33, %sign3A_36 : i32
    %ne3A = arith.cmpi ne, %sign3A_30, %sign3A_37 : i32
    %rem3A = arith.remsi %sub3A_24, %jit3A : i32
    %ne3A_38 = arith.constant 0 : i32
    %ne3A_39 = arith.cmpi ne, %rem3A, %ne3A_38 : i32
    %and3A = arith.andi %ne3A, %ne3A_39 : i1
    %sub3A_40 = arith.constant 1 : i32
    %sub3A_41 = arith.subi %div3A, %sub3A_40 : i32
    %select_n3A = arith.select %and3A, %sub3A_41, %div3A : i32
    %mul3A = arith.constant 512 : i32
    %mul3A_42 = arith.muli %select_n3A, %mul3A : i32
    %iota3A_43 = tpu.iota {dimensions = array<i32: 0>} : vector<64x128xi32>
    %mul3A_44 = arith.constant 128 : i32
    %mul3A_45 = vector.broadcast %mul3A_44 : i32 to vector<64x128xi32>
    %mul3A_46 = arith.muli %iota3A_43, %mul3A_45 : vector<64x128xi32>
    %iota3A_47 = tpu.iota {dimensions = array<i32: 1>} : vector<64x128xi32>
    %add3A_48 = arith.addi %mul3A_46, %iota3A_47 : vector<64x128xi32>
    %eq3A_49 = arith.constant 0 : i32
    %eq3A_50 = vector.broadcast %eq3A_49 : i32 to vector<64x128xi32>
    %eq3A_51 = arith.cmpi eq, %get3A_1, %eq3A_50 : vector<64x128xi32>
    %sub3A_52 = arith.constant 1 : i32
    %sub3A_53 = vector.broadcast %sub3A_52 : i32 to vector<64x128xi32>
    %sub3A_54 = arith.subi %convert_element_type3A_16, %sub3A_53 : vector<64x128xi32>
    %add3A_55 = vector.broadcast %mul3A_42 : i32 to vector<64x128xi32>
    %add3A_56 = arith.addi %add3A_55, %add3A_48 : vector<64x128xi32>
    %sub3A_57 = arith.subi %add3A_56, %convert_element_type3A_16 : vector<64x128xi32>
    %select_n3A_58 = arith.select %eq3A_51, %sub3A_54, %sub3A_57 : vector<64x128xi1>, vector<64x128xi32>
    %swap3A = arith.constant 0 : index
    %swap3A_59 = arith.constant 0 : index
    %swap3A_60 = vector.load %arg1[%swap3A, %swap3A_59] : memref<64x128xi32, #tpu.memory_space<vmem>>, vector<64x128xi32>
    tpu.vector_store %arg1[%swap3A, %swap3A_59], %select_n3A_58 {strides = array<i32>} : memref<64x128xi32, #tpu.memory_space<vmem>>, vector<64x128xi32>,
    %swap3A_61 = arith.constant 0 : index
    %swap3A_62 = arith.constant 0 : index
    %swap3A_63 = memref.load %arg2[%swap3A_61, %swap3A_62] : memref<1x1xi32, #tpu.memory_space<smem>>
    memref.store %mul3A_42, %arg2[%swap3A_61, %swap3A_62] : memref<1x1xi32, #tpu.memory_space<smem>>
    return
  }
}

module attributes {stable_mosaic.version = 14 : i64} {
  func.func @_mlp_body(%arg0: i32, %arg1: memref<17xi32, #tpu.memory_space<smem>>, %arg2: memref<512x512xf32, #tpu.memory_space<vmem>>, %arg3: memref<1x512x2048xbf16, #tpu.memory_space<vmem>>, %arg4: memref<1x1x2048xf32, #tpu.memory_space<vmem>>, %arg5: memref<1x2048x2048xbf16, #tpu.memory_space<vmem>>, %arg6: memref<1x1x2048xf32, #tpu.memory_space<vmem>>, %arg7: memref<512x2048xf32, #tpu.memory_space<vmem>>) attributes {dimension_semantics = [#tpu.dimension_semantics<parallel>], iteration_bounds = array<i64: 17>, scalar_prefetch = 1 : i64, scratch_operands = 0 : i64, tpu.core_type = #tpu.core_type<tc>, window_params = [{transform_indices = @transform_0, window_bounds = array<i64: 512, 512>}, {transform_indices = @transform_1, window_bounds = array<i64: 1, 512, 2048>}, {transform_indices = @transform_2, window_bounds = array<i64: 1, 1, 2048>}, {transform_indices = @transform_3, window_bounds = array<i64: 1, 2048, 2048>}, {transform_indices = @transform_4, window_bounds = array<i64: 1, 1, 2048>}, {transform_indices = @transform_5, window_bounds = array<i64: 512, 2048>}]} {
    %get3A = arith.constant 0 : index
    %get3A_0 = arith.constant 0 : index
    %get3A_1 = vector.load %arg2[%get3A, %get3A_0] : memref<512x512xf32, #tpu.memory_space<vmem>>, vector<512x512xf32>
    %convert_element_type3A = arith.truncf %get3A_1 : vector<512x512xf32> to vector<512x512xbf16>
    %get3A_2 = arith.constant 0 : index
    %get3A_3 = arith.constant 0 : index
    %get3A_4 = arith.constant 0 : index
    %get3A_5 = vector.load %arg3[%get3A_2, %get3A_3, %get3A_4] : memref<1x512x2048xbf16, #tpu.memory_space<vmem>>, vector<1x512x2048xbf16>
    %get3A_6 = vector.shape_cast %get3A_5 : vector<1x512x2048xbf16> to vector<512x2048xbf16>
    %dot_general3A = arith.constant dense<0.000000e+00> : vector<512x2048xf32>
    %dot_general3A_7 = tpu.matmul %convert_element_type3A, %get3A_6, %dot_general3A {dimension_numbers = #tpu.dot_dimension_numbers<[1], [0], [0], [1], [0, 0, 1, 1], [], []>, transpose_lhs_hint = false} : vector<512x512xbf16>, vector<512x2048xbf16>, vector<512x2048xf32> -> vector<512x2048xf32>
    %get3A_8 = arith.constant 0 : index
    %get3A_9 = arith.constant 0 : index
    %get3A_10 = arith.constant 0 : index
    %get3A_11 = vector.load %arg4[%get3A_8, %get3A_9, %get3A_10] : memref<1x1x2048xf32, #tpu.memory_space<vmem>>, vector<1x1x2048xf32>
    %get3A_12 = vector.shape_cast %get3A_11 : vector<1x1x2048xf32> to vector<1x2048xf32>
    %add3A = vector.broadcast %get3A_12 : vector<1x2048xf32> to vector<512x2048xf32>
    %add3A_13 = arith.addf %dot_general3A_7, %add3A : vector<512x2048xf32>
    %max3A = arith.constant 0.000000e+00 : f32
    %max3A_14 = vector.broadcast %max3A : f32 to vector<512x2048xf32>
    %max3A_15 = arith.maximumf %add3A_13, %max3A_14 : vector<512x2048xf32>
    %convert_element_type3A_16 = arith.truncf %max3A_15 : vector<512x2048xf32> to vector<512x2048xbf16>
    %get3A_17 = arith.constant 0 : index
    %get3A_18 = arith.constant 0 : index
    %get3A_19 = arith.constant 0 : index
    %get3A_20 = vector.load %arg5[%get3A_17, %get3A_18, %get3A_19] : memref<1x2048x2048xbf16, #tpu.memory_space<vmem>>, vector<1x2048x2048xbf16>
    %get3A_21 = vector.shape_cast %get3A_20 : vector<1x2048x2048xbf16> to vector<2048x2048xbf16>
    %dot_general3A_22 = arith.constant dense<0.000000e+00> : vector<512x2048xf32>
    %dot_general3A_23 = tpu.matmul %convert_element_type3A_16, %get3A_21, %dot_general3A_22 {dimension_numbers = #tpu.dot_dimension_numbers<[1], [0], [0], [1], [0, 0, 1, 1], [], []>, transpose_lhs_hint = false} : vector<512x2048xbf16>, vector<2048x2048xbf16>, vector<512x2048xf32> -> vector<512x2048xf32>
    %get3A_24 = arith.constant 0 : index
    %get3A_25 = arith.constant 0 : index
    %get3A_26 = arith.constant 0 : index
    %get3A_27 = vector.load %arg6[%get3A_24, %get3A_25, %get3A_26] : memref<1x1x2048xf32, #tpu.memory_space<vmem>>, vector<1x1x2048xf32>
    %get3A_28 = vector.shape_cast %get3A_27 : vector<1x1x2048xf32> to vector<1x2048xf32>
    %add3A_29 = vector.broadcast %get3A_28 : vector<1x2048xf32> to vector<512x2048xf32>
    %add3A_30 = arith.addf %dot_general3A_23, %add3A_29 : vector<512x2048xf32>
    %swap3A = arith.constant 0 : index
    %swap3A_31 = arith.constant 0 : index
    %swap3A_32 = vector.load %arg7[%swap3A, %swap3A_31] : memref<512x2048xf32, #tpu.memory_space<vmem>>, vector<512x2048xf32>
    tpu.vector_store %arg7[%swap3A, %swap3A_31], %add3A_30 {strides = array<i32>} : memref<512x2048xf32, #tpu.memory_space<vmem>>, vector<512x2048xf32>,
    return
  }
  func.func @transform_0(%arg0: i32, %arg1: memref<17xi32, #tpu.memory_space<smem>>) -> (i32, i32) {
    %c0_i32 = arith.constant 0 : i32
    %c0_i32_0 = arith.constant 0 : i32
    return %arg0, %c0_i32 : i32, i32
  }
  func.func @transform_1(%arg0: i32, %arg1: memref<17xi32, #tpu.memory_space<smem>>) -> (i32, i32, i32) {
    %get3A = arith.index_cast %arg0 : i32 to index
    %get3A_0 = memref.load %arg1[%get3A] : memref<17xi32, #tpu.memory_space<smem>>
    %c0_i32 = arith.constant 0 : i32
    %c0_i32_1 = arith.constant 0 : i32
    %c0_i32_2 = arith.constant 0 : i32
    return %get3A_0, %c0_i32, %c0_i32_1 : i32, i32, i32
  }
  func.func @transform_2(%arg0: i32, %arg1: memref<17xi32, #tpu.memory_space<smem>>) -> (i32, i32, i32) {
    %get3A = arith.index_cast %arg0 : i32 to index
    %get3A_0 = memref.load %arg1[%get3A] : memref<17xi32, #tpu.memory_space<smem>>
    %c0_i32 = arith.constant 0 : i32
    %c0_i32_1 = arith.constant 0 : i32
    %c0_i32_2 = arith.constant 0 : i32
    return %get3A_0, %c0_i32, %c0_i32_1 : i32, i32, i32
  }
  func.func @transform_3(%arg0: i32, %arg1: memref<17xi32, #tpu.memory_space<smem>>) -> (i32, i32, i32) {
    %get3A = arith.index_cast %arg0 : i32 to index
    %get3A_0 = memref.load %arg1[%get3A] : memref<17xi32, #tpu.memory_space<smem>>
    %c0_i32 = arith.constant 0 : i32
    %c0_i32_1 = arith.constant 0 : i32
    %c0_i32_2 = arith.constant 0 : i32
    return %get3A_0, %c0_i32, %c0_i32_1 : i32, i32, i32
  }
  func.func @transform_4(%arg0: i32, %arg1: memref<17xi32, #tpu.memory_space<smem>>) -> (i32, i32, i32) {
    %get3A = arith.index_cast %arg0 : i32 to index
    %get3A_0 = memref.load %arg1[%get3A] : memref<17xi32, #tpu.memory_space<smem>>
    %c0_i32 = arith.constant 0 : i32
    %c0_i32_1 = arith.constant 0 : i32
    %c0_i32_2 = arith.constant 0 : i32
    return %get3A_0, %c0_i32, %c0_i32_1 : i32, i32, i32
  }
  func.func @transform_5(%arg0: i32, %arg1: memref<17xi32, #tpu.memory_space<smem>>) -> (i32, i32) {
    %c0_i32 = arith.constant 0 : i32
    %c0_i32_0 = arith.constant 0 : i32
    return %arg0, %c0_i32 : i32, i32
  }
}

</mosaic_0001>

<sc_bundles>
// kernel: kernel.6.cloned.1.call-start
scs
__scs_entry_jumppad:
0x0: {  	(pc) =	sbr.rel $0x88, $3  }
0x1: {  	(tag) =	ssettag $0x0;
	lr =	simm.s32 $0x1  }
0x2: {  	[smem:$0x3F97] =	sst lr;
	_ =	strace $0xD0000000  }
0x3: {  	_ = 	snop  }
0x4: {  	_ = 	snop  }
0x5: {  	_ = 	snop  }
0x6: {  	_ = 	snop  }
0x7: {  	_ = 	snop  }
__scs_overlays_trampoline_lowered:
0x8: {  	[smem:$0x3FA6] =	sst s0  }
0x9: {  	[smem:$0x3FA7] =	sst s1  }
0xa: {  	[smem:$0x3FA8] =	sst s2  }
0xb: {  	[smem:$0x3FA9] =	sst s3  }
0xc: {  	[smem:$0x3FAA] =	sst s4  }
0xd: {  	[smem:$0x3FAB] =	sst s5  }
0xe: {  	[smem:$0x3FAC] =	sst s6  }
0xf: {  	[smem:$0x3FAD] =	sst s7  }
0x10: {  	[smem:$0x3FAE] =	sst s8  }
0x11: {  	[smem:$0x3FAF] =	sst s9;
	s0 =	simm.s32 @!p0 $0x0  }
0x12: {  	s1 =	sld [smem:$0x3F95];
	s0 =	simm.s32 @p0 $0x1  }
0x13: {  	[smem:$0x3FB0] =	sst s0;
	s0 =	simm.s32 @!p1 $0x0  }
0x14: {  	s2 =	sld [smem:$0x3F94];
	s0 =	simm.s32 @p1 $0x1  }
0x15: {  	[smem:$0x3FB1] =	sst s0;
	s0 =	simm.s32 @!p2 $0x0  }
0x16: {  	s3 =	sld [smem:$0x3FDB];
	s0 =	simm.s32 @p2 $0x1  }
0x17: {  	s4 =	simm.s32 $0x1BF5;
	[smem:$0x3FB3] =	sst s0  }
0x18: {  	s0 =	sld [smem:$0x3F96];
	_ =	swait.ge [sflag:s4], $0x0  }
0x19: {  	s7 =	sld [smem:$0x3F97]  }
0x1a: {  	s8 =	sadd.s32 $0xFFFFE003, lr  }
0x1b: {  	s9 =	sadd.s32 $0xFFFFFEF7, lr;
	s5 =	simm.s32 $0xFFFFFFFF;
	p2 =	slt.u32 s8, $0xFFFFF086  }
0x1c: {  	p1 =	slt.u32 s9, $0xF7A;
	s5 =	simm.s32 @!p2 $0x0  }
0x1d: {  	s5 =	simm.s32 @p1 $0x1;
	p0 =	seq.s32 s7, s2  }
0x1e: {  	s7 =	smul.u32 @!p0 $0xF7A, s2;
	p2 =	seq.s32 @!p0 s5, $0x0  }
0x1f: {  	s9 =	smul.u32 $0xF7A, s1;
	s8 =	simm.s32 @!p0 $0x1BF5;
	p2 =	por !p2, p0  }
0x20: {  	[sflag:s8] =	ssyncset.s32 @!p0 $0xFFFFF086;
	s6 =	sadd.s32 @!p0 s3, s7;
	s7 =	simm.s32 @!p0 $0x108  }
0x21: {  	s3 =	sadd.s32 s3, s9;
	s6 =	sadd.s32 @!p0 $0x88, s6;
	s7 =	simm.s32 @p2 $0x1082  }
0x22: {  	[simem:s7], [sflag:s8] =	dma.local @!p0 [hbm:s6], $0xF7A  }
0x23: {  	s9 =	sor.u32 $0xD0000000, s2;
	s6 =	simm.s32 $0x108;
	_ =	swait.ge @!p0 [sflag:s8], $0x0  }
0x24: {  	s3 =	sadd.s32 $0x88, s3;
	s6 =	simm.s32 @!p1 $0x1082;
	[sflag:s4] =	ssyncset.s32 $0xFFFFF086  }
0x25: {  	[simem:s6], [sflag:s4] =	dma.local [hbm:s3], $0xF7A  }
0x26: {  	[smem:$0x3F97] =	sst s1;
	(tag) =	ssettag s2;
	_ =	strace s9  }
0x27: {  	s1 =	sld [smem:$0x3FA7]  }
0x28: {  	s2 =	sld [smem:$0x3FA8]  }
0x29: {  	s4 =	sld [smem:$0x3FAA]  }
0x2a: {  	p0 =	seq.s32 s5, $0x0;
	s5 =	sld [smem:$0x3FAB]  }
0x2b: {  	s6 =	sld [smem:$0x3FAC]  }
0x2c: {  	s7 =	sld [smem:$0x3FAD]  }
0x2d: {  	s3 =	simm.s32 $0x108;
	s8 =	sld [smem:$0x3FAE]  }
0x2e: {  	s3 =	simm.s32 @!p0 $0x1082;
	s9 =	sld [smem:$0x3FAF]  }
0x2f: {  	lr =	sadd.s32 s0, s3;
	s0 =	sld [smem:$0x3FA6]  }
0x30: {  	s3 =	sld [smem:$0x3FA9]  }
0x31: {  	[smem:$0x3FB2] =	sst s10  }
0x32: {  	s10 =	sld [smem:$0x3FB0];
	_ =	sdelay $0x3  }
0x33: {  	p0 =	seq.s32 s10, $0x1;
	s10 =	sld [smem:$0x3FB2];
	_ =	sdelay $0x3  }
0x34: {  	[smem:$0x3FB2] =	sst s10  }
0x35: {  	s10 =	sld [smem:$0x3FB1];
	_ =	sdelay $0x3  }
0x36: {  	p1 =	seq.s32 s10, $0x1;
	s10 =	sld [smem:$0x3FB2];
	_ =	sdelay $0x3  }
0x37: {  	[smem:$0x3FB2] =	sst s10  }
0x38: {  	s10 =	sld [smem:$0x3FB3]  }
0x39: {  	_ = 	snop;
	(pc) =	sbr.ind lr, $3  }
0x3a: {  	_ = 	snop  }
0x3b: {  	_ = 	snop  }
0x3c: {  	p2 =	seq.s32 s10, $0x1;
	s10 =	sld [smem:$0x3FB2]  }
0x3d: {  	_ =	shalt  }
0x3e: {  	_ =	shalt  }
0x3f: {  	_ =	shalt  }
0x40: {  	_ =	shalt  }
0x41: {  	_ =	shalt  }
0x42: {  	_ =	shalt  }
0x43: {  	_ =	shalt  }
0x44: {  	_ =	shalt  }
0x45: {  	_ =	shalt  }
0x46: {  	_ =	shalt  }
0x47: {  	_ =	shalt  }
0x48: {  	_ =	shalt  }
0x49: {  	_ =	shalt  }
0x4a: {  	_ =	shalt  }
0x4b: {  	_ =	shalt  }
0x4c: {  	_ =	shalt  }
0x4d: {  	_ =	shalt  }
0x4e: {  	_ =	shalt  }
0x4f: {  	_ =	shalt  }
0x50: {  	_ =	shalt  }
0x51: {  	_ =	shalt  }
0x52: {  	_ =	shalt  }
0x53: {  	_ =	shalt  }
0x54: {  	_ =	shalt  }
0x55: {  	_ =	shalt  }
0x56: {  	_ =	shalt  }
0x57: {  	_ =	shalt  }
0x58: {  	_ =	shalt  }
0x59: {  	_ =	shalt  }
0x5a: {  	_ =	shalt  }
0x5b: {  	_ =	shalt  }
0x5c: {  	_ =	shalt  }
0x5d: {  	_ =	shalt  }
0x5e: {  	_ =	shalt  }
0x5f: {  	_ =	shalt  }
0x60: {  	_ =	shalt  }
0x61: {  	_ =	shalt  }
0x62: {  	_ =	shalt  }
0x63: {  	_ =	shalt  }
0x64: {  	_ =	shalt  }
0x65: {  	_ =	shalt  }
0x66: {  	_ =	shalt  }
0x67: {  	_ =	shalt  }
0x68: {  	_ =	shalt  }
0x69: {  	_ =	shalt  }
0x6a: {  	_ =	shalt  }
0x6b: {  	_ =	shalt  }
0x6c: {  	_ =	shalt  }
0x6d: {  	_ =	shalt  }
0x6e: {  	_ =	shalt  }
0x6f: {  	_ =	shalt  }
0x70: {  	_ =	shalt  }
0x71: {  	_ =	shalt  }
0x72: {  	_ =	shalt  }
0x73: {  	_ =	shalt  }
0x74: {  	_ =	shalt  }
0x75: {  	_ =	shalt  }
0x76: {  	_ =	shalt  }
0x77: {  	_ =	shalt  }
0x78: {  	_ =	shalt  }
0x79: {  	_ =	shalt  }
0x7a: {  	_ =	shalt  }
0x7b: {  	_ =	shalt  }
0x7c: {  	_ =	shalt  }
0x7d: {  	_ =	shalt  }
0x7e: {  	_ =	shalt  }
0x7f: {  	_ =	shalt  }
0x80: {  	_ =	shalt  }
0x81: {  	_ =	shalt  }
0x82: {  	_ =	shalt  }
0x83: {  	_ =	shalt  }
0x84: {  	_ =	shalt  }
0x85: {  	_ =	shalt  }
0x86: {  	_ =	shalt  }
0x87: {  	_ =	shalt  }
.Lfunc_end0:
.L_simem_size_0:
called_computation_lowered:
.L_overlay_start_0:
0x88: {  	s2 =	sld [smem:$0x3FD9]  }
0x89: {  	s3 =	sld [smem:$0x3FFE];
	_ =	sdelay $0x1  }
0x8a: {  	s1 =	srdreg.scid  }
0x8b: {  	s0 =	sand.u32 $0x1, s1  }
0x8c: {  	s17 =	sshll.u32 s0, $0xA;
	s2 =	sadd.s32 s3, s2  }
0x8d: {  	s2 =	sadd.s32 s2, s17  }
0x8e: {  	[smem:$0x3FBE] =	sst s2  }
0x8f: {  	_ = 	snop  }
0x90: {  	s2 =	sld [smem:$0x3FC9]  }
0x91: {  	s18 =	sld [smem:$0x3FD0];
	(tm) =	ssettm $0x1  }
0x92: {  	s4 =	sld [smem:$0x3FFB];
	_ =	sdelay $0x3  }
0x93: {  	_ =	strace s4  }
0x94: {  	s4 =	sld [smem:$0x3FFC];
	_ =	sdelay $0x3  }
0x95: {  	_ =	strace s4  }
0x96: {  	s4 =	sld [smem:$0x3FFD];
	_ =	sdelay $0x3  }
0x97: {  	_ =	strace s4  }
0x98: {  	_ =	strace $0x8FFFFFFF  }
0x99: {  	s19 =	sld [smem:$0x3FDB];
	_ =	sdelay $0x1  }
0x9a: {  	s5 =	simm.s32 $_scs_section_size  }
0x9b: {  	s6 =	simm.s32 $_size__tile_overlayer_lowered;
	s7 =	simm.s32 $_tile_overlayer_lowered  }
0x9c: {  	s22 =	simm.s32 $0x1BFF;
	s21 =	sshll.u32 s7, $0x1;
	s4 =	sadd.s32 s5, s19  }
0x9d: {  	s8 =	simm.s32 $0x0;
	s20 =	sshll.u32 s6, $0x1;
	s6 =	sadd.s32 s21, s4  }
0x9e: {  	[timem:s8], [sflag:s22] =	dma.local [hbm:s6], s20  }
0x9f: {  	_ =	swait.ge [sflag:s22], s20  }
0xa0: {  	s5 =	ssub.s32 $0x0, s20;
	[sflag:s22] =	ssyncset.done $0x0  }
0xa1: {  	[sflag:s22] =	ssyncadd.s32 s5;
	_ =	sdelay $0x1  }
0xa2: {  	s23 =	simm.s32 $0x1B8B  }
0xa3: {  	_ =	swait.ge [sflag:s23], $0x1  }
0xa4: {  	[sflag:s23] =	ssyncset.done $0x0  }
0xa5: {  	s25 =	simm.s32 $0x1B8E;
	s24 =	sld [smem:$0x3FFE];
	[sflag:s23] =	ssyncadd.s32 $0xFFFFFFFF  }
0xa6: {  	s26 =	simm.s32 $execute0_lowered;
	[smem:$0x3FD2] =	sst s25  }
0xa7: {  	s6 =	sshll.u32 s26, $0x1;
	_ =	strace $0x80000046;
	[dreg:$0x1] =	wrdreg $0xFFFFFFFF  }
0xa8: {  	s28 =	simm.s32 $_size_execute0_lowered;
	s4 =	sadd.s32 s4, s6;
	[dreg:$0x0] =	wrdreg $0x0  }
0xa9: {  	s6 =	sshll.u32 s28, $0x1;
	[dreg:$0x2] =	wrdreg s4  }
0xaa: {  	[dreg:$0x3] =	wrdreg s6  }
0xab: {  	[dreg:$0x4] =	wrdreg $0xC0  }
0xac: {  	_ =	task [dreg:s8], $0x5FFFF  }
0xad: {  	[dreg:$0x1] =	wrdreg $0xFFFFFFFF  }
0xae: {  	[dreg:$0x0] =	wrdreg $0x60  }
0xaf: {  	[dreg:$0x2] =	wrdreg s2  }
0xb0: {  	[dreg:$0x3] =	wrdreg s24  }
0xb1: {  	[dreg:$0x4] =	wrdreg s18  }
0xb2: {  	[dreg:$0x5] =	wrdreg $0x9  }
0xb3: {  	_ =	task.clear_ibuf [dreg:s8], $0x6FFFF;
	_ =	strace $0x90000046  }
0xb4: {  	s29 =	simm.s32 $0x9;
	_ =	strace $0x80000048  }
0xb5: {  	_ =	swait.ge [sflag:s29], $0x1  }
0xb6: {  	[sflag:s29] =	ssyncadd.s32 $0xFFFFFFFF  }
0xb7: {  	_ =	strace $0x90000048  }
0xb8: {  	_ =	sfence  }
0xb9: {  	s30 =	sld [smem:$0x0];
	_ =	sdelay $0x2  }
0xba: {  	s31 =	sshll.u32 s1, $0xD;
	s1 =	sshrl.u32 s1, $0x2  }
0xbb: {  	s3 =	sand.u32 $0x4000, s31;
	s1 =	sadd.s32 s1, s30  }
0xbc: {  	s0 =	sor.u32 s3, s0;
	s1 =	sshll.u32 s1, $0x11  }
0xbd: {  	s0 =	sor.u32 s1, s0  }
0xbe: {  	s0 =	sadd.s32 $0x8F2B, s0  }
0xbf: {  	[sflag:s0] =	ssyncadd.remote.s32 $0x1  }
0xc0: {  	_ =	sfence.sel $0xFFFF  }
0xc1: {  	[dreg:$0x0] =	wrdreg $0xFFFFFFFF;
	(pc) =	sbr.abs _section_cstart, $3  }
0xc2: {  	[dreg:$0x1] =	wrdreg $0xFFFFFFFF  }
0xc3: {  	_ =	task.clear_ibuf [dreg:s8], $0x2FFFF;
	_ =	strace $0x9FFFFFFF  }
0xc4: {  	(tm) =	ssettm $0x7FFFFFFF  }
0xc5: {  	_ =	shalt  }
tec
execute0_lowered:
.L_overlay_start_1:
0x0: {  	(tag) =	ssettag $0x1  }
0x1: {  	s0 =	rddreg [dreg:$0x0]  }
0x2: {  	s1 =	rddreg [dreg:$0x1]  }
0x3: {  	s2 =	rddreg [dreg:$0x2];
	s4 =	srdreg.scid;
	s3 =	simm.s32 $0x0  }
0x4: {  	s5 =	stileid.u32;
	s9 =	simm.s32 $0x8100;
	s10 =	simm.s32 $0x1  }
0x5: {  	s29 =	simm.s32 $0x1100;
	s30 =	simm.s32 $0x1900;
	s31 =	simm.s32 $0x2100  }
0x6: {  	s11 =	simm.s32 $0x4100;
	s12 =	simm.s32 $0x4900;
	s13 =	simm.s32 $0x5100  }
0x7: {  	s14 =	simm.s32 $0x5900;
	s15 =	simm.s32 $0x6100;
	s28 =	simm.s32 $0x2  }
0x8: {  	s4 =	sand.u32 $0x1, s4;
	[smem:$0x7FF] =	sst s3;
	s5 =	sshll.u32 s5, $0x9  }
0x9: {  	s1 =	sadd.s32 $0x2200, s1;
	s6 =	sshll.u32 s4, $0x8;
	s4 =	ssub.s32 $0x2, s4  }
0xa: {  	_ =	strace $0x80000047;
	s5 =	sor.u32 s6, s5;
	s22 =	sshrl.u32 s4, $0x1  }
0xb: {  	s6 =	sshrl.u32 s5, $0x3;
	s7 =	sshll.u32 s5, $0x6;
	s8 =	sor.u32 $0x40, s5  }
0xc: {  	s21 =	sor.u32 $0x80, s5;
	s5 =	sor.u32 $0xC0, s5;
	s26 =	ssub.s32 s4, s22  }
0xd: {  	s4 =	sadd.s32 $0x100, s2;
	s6 =	sadd.s32 s1, s6;
	s16 =	sadd.s32 s0, s7  }
0xe: {  	s17 =	sshrl.u32 s8, $0x3;
	s19 =	sshll.u32 s8, $0x6;
	s23 =	sshrl.u32 s21, $0x3  }
0xf: {  	s7 =	sshll.u32 s21, $0x6;
	s25 =	sshrl.u32 s5, $0x3;
	s5 =	sshll.u32 s5, $0x6  }
0x10: {  	s21 =	simm.s32 $0x6;
	s8 =	simm.s32 $0x100;
	[dreg:$0x4] =	wrdreg s6  }
0x11: {  	[dreg:$0x5] =	wrdreg s16;
	s18 =	sadd.s32 s1, s17;
	s20 =	sadd.s32 s0, s19  }
0x12: {  	s6 =	sadd.s32 s1, s23;
	s24 =	sadd.s32 s0, s7;
	[dreg:$0x6] =	wrdreg s18  }
0x13: {  	s1 =	sadd.s32 s1, s25;
	s0 =	sadd.s32 s0, s5;
	[dreg:$0x7] =	wrdreg s20  }
0x14: {  	s5 =	smax.u32 s26, $0x1;
	s26 =	simm.s32 $0x3;
	[dreg:$0x8] =	wrdreg s6  }
0x15: {  	s25 =	simm.s32 $0x900;
	s7 =	simm.s32 $0x3900;
	[dreg:$0x9] =	wrdreg s24  }
0x16: {  	v2 =	vlaneseq.u32;
	s16 =	simm.s32 $0x6900;
	s17 =	simm.s32 $0x7100;
	[dreg:$0xa] =	wrdreg s1  }
0x17: {  	vm0 =	vmmov $0xffff;
	v1 =	vshrl.u32 v2, $0x3;
	s19 =	simm.s32 $0x8900;
	[dreg:$0xb] =	wrdreg s0;
	s20 =	simm.s32 $0x5  }
0x18: {  	v0 =	vand.u32 $0x7, v2;
	v2 =	vor.u32 $0x8, v2;
	v1 =	vmul.u32 $0x8, v1;
	s6 =	simm.s32 $0x2900;
	s18 =	simm.s32 $0x7900;
	s24 =	simm.s32 $0x9900  }
.LBB2_1:
0x19: {  	s22 =	rddreg [dreg:$0x4]  }
0x1a: {  	[tilespmem:s3], [sflag:$0x1] =	stream.linear.gather [hbm4b:s22+s3], $0x40, $0x38;
	[tilespmem:$0x10100] =	vst v63  }
0x1b: {  	s23 =	rddreg [dreg:$0x5]  }
0x1c: {  	[tilespmem:s8], [sflag:$0x3] =	stream.linear.gather [hbm4b:s23+s3], $0x8000, $0x38;
	[tilespmem:$0x10100] =	vst v63  }
0x1d: {  	s0 =	simm.s32 $0x80;
	s22 =	rddreg [dreg:$0x6]  }
0x1e: {  	[tilespmem:s0], [sflag:$0x2] =	stream.linear.gather [hbm4b:s22+s3], $0x40, $0x38;
	[tilespmem:$0x10100] =	vst v63  }
0x1f: {  	s1 =	rddreg [dreg:$0x7]  }
0x20: {  	[tilespmem:s9], [sflag:$0x4] =	stream.linear.gather [hbm4b:s1+s3], $0x8000, $0x38;
	[tilespmem:$0x10100] =	vst v63  }
0x21: {  	_ =	swait.ge [sflag:s10], $0x40  }
0x22: {  	[sflag:s10] =	ssyncset.done $0x0  }
0x23: {  	[sflag:s10] =	ssyncadd.s32 $0xFFFFFFC0  }
0x24: {  	_ =	swait.ge [sflag:s26], $0x8000  }
0x25: {  	[sflag:s26] =	ssyncset.done $0x0  }
0x26: {  	[sflag:s26] =	ssyncadd.s32 $0xFFFF8000  }
0x27: {  	v3 =	vld [tilespmem:$0x0];
	_ =	sdelay $0x4  }
0x28: {  	v4 =	vshll.u32 v3, $0x2  }
0x29: {  	v3 =	vand.u32 $0x7, v3;
	v4 =	vand.u32 $0xFFFFFFE0, v4  }
0x2a: {  	v3 =	vor.u32 v3, v4  }
0x2b: {  	v4 =	vperm.xlane v3, v0;
	_ =	sdelay $0x1  }
0x2c: {  	v4 =	vadd.s32 v1, v4;
	_ =	sdelay $0x1  }
0x2d: {  	v3 =	vperm.xlane v3, v2;
	_ =	sdelay $0x1  }
0x2e: {  	v3 =	vadd.s32 v1, v3  }
0x2f: {  	[hbm4b:s2+s3] =	stream.indirect_vreg.scatter [tilespmem:s8], [sflag:$0x5], $0x80, v4, vm0, $0xb8;
	[tilespmem:$0x10100] =	vst v63  }
0x30: {  	_ = 	snop  }
0x31: {  	[hbm4b:s4+s3] =	stream.indirect_vreg.scatter [tilespmem:s25], [sflag:$0x5], $0x80, v4, vm0, $0xb8;
	[tilespmem:$0x10100] =	vst v63  }
0x32: {  	_ = 	snop  }
0x33: {  	[hbm4b:s2+s3] =	stream.indirect_vreg.scatter [tilespmem:s29], [sflag:$0x5], $0x80, v3, vm0, $0xb8;
	[tilespmem:$0x10100] =	vst v63  }
0x34: {  	_ = 	snop  }
0x35: {  	[hbm4b:s4+s3] =	stream.indirect_vreg.scatter [tilespmem:s30], [sflag:$0x5], $0x80, v3, vm0, $0xb8;
	[tilespmem:$0x10100] =	vst v63  }
0x36: {  	v3 =	vld [tilespmem:$0x10];
	_ =	sdelay $0x4  }
0x37: {  	v49 =	vshll.u32 v3, $0x2  }
0x38: {  	v3 =	vand.u32 $0x7, v3;
	v4 =	vand.u32 $0xFFFFFFE0, v49  }
0x39: {  	v3 =	vor.u32 v3, v4  }
0x3a: {  	v4 =	vperm.xlane v3, v0;
	_ =	sdelay $0x1  }
0x3b: {  	v4 =	vadd.s32 v1, v4;
	_ =	sdelay $0x1  }
0x3c: {  	v3 =	vperm.xlane v3, v2;
	_ =	sdelay $0x1  }
0x3d: {  	v3 =	vadd.s32 v1, v3  }
0x3e: {  	[hbm4b:s2+s3] =	stream.indirect_vreg.scatter [tilespmem:s31], [sflag:$0x5], $0x80, v4, vm0, $0xb8;
	[tilespmem:$0x10100] =	vst v63  }
0x3f: {  	_ = 	snop  }
0x40: {  	[hbm4b:s4+s3] =	stream.indirect_vreg.scatter [tilespmem:s6], [sflag:$0x5], $0x80, v4, vm0, $0xb8;
	[tilespmem:$0x10100] =	vst v63  }
0x41: {  	s1 =	simm.s32 $0x3100  }
0x42: {  	[hbm4b:s2+s3] =	stream.indirect_vreg.scatter [tilespmem:s1], [sflag:$0x5], $0x80, v3, vm0, $0xb8;
	[tilespmem:$0x10100] =	vst v63  }
0x43: {  	_ = 	snop  }
0x44: {  	[hbm4b:s4+s3] =	stream.indirect_vreg.scatter [tilespmem:s7], [sflag:$0x5], $0x80, v3, vm0, $0xb8;
	[tilespmem:$0x10100] =	vst v63  }
0x45: {  	v3 =	vld [tilespmem:$0x20];
	_ =	sdelay $0x4  }
0x46: {  	v50 =	vshll.u32 v3, $0x2  }
0x47: {  	v3 =	vand.u32 $0x7, v3;
	v4 =	vand.u32 $0xFFFFFFE0, v50  }
0x48: {  	v3 =	vor.u32 v3, v4  }
0x49: {  	v4 =	vperm.xlane v3, v0;
	_ =	sdelay $0x1  }
0x4a: {  	v4 =	vadd.s32 v1, v4;
	_ =	sdelay $0x1  }
0x4b: {  	v3 =	vperm.xlane v3, v2;
	_ =	sdelay $0x1  }
0x4c: {  	v3 =	vadd.s32 v1, v3  }
0x4d: {  	[hbm4b:s2+s3] =	stream.indirect_vreg.scatter [tilespmem:s11], [sflag:$0x5], $0x80, v4, vm0, $0xb8;
	[tilespmem:$0x10100] =	vst v63  }
0x4e: {  	_ = 	snop  }
0x4f: {  	[hbm4b:s4+s3] =	stream.indirect_vreg.scatter [tilespmem:s12], [sflag:$0x5], $0x80, v4, vm0, $0xb8;
	[tilespmem:$0x10100] =	vst v63  }
0x50: {  	_ = 	snop  }
0x51: {  	[hbm4b:s2+s3] =	stream.indirect_vreg.scatter [tilespmem:s13], [sflag:$0x5], $0x80, v3, vm0, $0xb8;
	[tilespmem:$0x10100] =	vst v63  }
0x52: {  	_ = 	snop  }
0x53: {  	[hbm4b:s4+s3] =	stream.indirect_vreg.scatter [tilespmem:s14], [sflag:$0x5], $0x80, v3, vm0, $0xb8;
	[tilespmem:$0x10100] =	vst v63  }
0x54: {  	v3 =	vld [tilespmem:$0x30];
	_ =	sdelay $0x4  }
0x55: {  	v51 =	vshll.u32 v3, $0x2  }
0x56: {  	v3 =	vand.u32 $0x7, v3;
	v4 =	vand.u32 $0xFFFFFFE0, v51  }
0x57: {  	v3 =	vor.u32 v3, v4  }
0x58: {  	v4 =	vperm.xlane v3, v0;
	_ =	sdelay $0x1  }
0x59: {  	v4 =	vadd.s32 v1, v4;
	_ =	sdelay $0x1  }
0x5a: {  	v3 =	vperm.xlane v3, v2;
	_ =	sdelay $0x1  }
0x5b: {  	v3 =	vadd.s32 v1, v3  }
0x5c: {  	[hbm4b:s2+s3] =	stream.indirect_vreg.scatter [tilespmem:s15], [sflag:$0x5], $0x80, v4, vm0, $0xb8;
	[tilespmem:$0x10100] =	vst v63  }
0x5d: {  	_ = 	snop  }
0x5e: {  	[hbm4b:s4+s3] =	stream.indirect_vreg.scatter [tilespmem:s16], [sflag:$0x5], $0x80, v4, vm0, $0xb8;
	[tilespmem:$0x10100] =	vst v63  }
0x5f: {  	_ = 	snop  }
0x60: {  	[hbm4b:s2+s3] =	stream.indirect_vreg.scatter [tilespmem:s17], [sflag:$0x5], $0x80, v3, vm0, $0xb8;
	[tilespmem:$0x10100] =	vst v63  }
0x61: {  	_ = 	snop  }
0x62: {  	[hbm4b:s4+s3] =	stream.indirect_vreg.scatter [tilespmem:s18], [sflag:$0x5], $0x80, v3, vm0, $0xb8;
	[tilespmem:$0x10100] =	vst v63  }
0x63: {  	_ =	swait.ge [sflag:s28], $0x40  }
0x64: {  	[sflag:s28] =	ssyncset.done $0x0  }
0x65: {  	s0 =	simm.s32 $0x4;
	[sflag:s28] =	ssyncadd.s32 $0xFFFFFFC0  }
0x66: {  	_ =	swait.ge [sflag:s0], $0x8000  }
0x67: {  	[sflag:s0] =	ssyncset.done $0x0  }
0x68: {  	[sflag:s0] =	ssyncadd.s32 $0xFFFF8000  }
0x69: {  	v3 =	vld [tilespmem:$0x80];
	_ =	sdelay $0x4  }
0x6a: {  	v52 =	vshll.u32 v3, $0x2  }
0x6b: {  	v3 =	vand.u32 $0x7, v3;
	v4 =	vand.u32 $0xFFFFFFE0, v52  }
0x6c: {  	v3 =	vor.u32 v3, v4  }
0x6d: {  	v4 =	vperm.xlane v3, v0;
	_ =	sdelay $0x1  }
0x6e: {  	v4 =	vadd.s32 v1, v4;
	_ =	sdelay $0x1  }
0x6f: {  	v3 =	vperm.xlane v3, v2;
	_ =	sdelay $0x1  }
0x70: {  	v3 =	vadd.s32 v1, v3  }
0x71: {  	[hbm4b:s2+s3] =	stream.indirect_vreg.scatter [tilespmem:s9], [sflag:$0x6], $0x80, v4, vm0, $0xb8;
	[tilespmem:$0x10100] =	vst v63  }
0x72: {  	_ = 	snop  }
0x73: {  	[hbm4b:s4+s3] =	stream.indirect_vreg.scatter [tilespmem:s19], [sflag:$0x6], $0x80, v4, vm0, $0xb8;
	[tilespmem:$0x10100] =	vst v63  }
0x74: {  	s23 =	simm.s32 $0x9100  }
0x75: {  	[hbm4b:s2+s3] =	stream.indirect_vreg.scatter [tilespmem:s23], [sflag:$0x6], $0x80, v3, vm0, $0xb8;
	[tilespmem:$0x10100] =	vst v63  }
0x76: {  	_ = 	snop  }
0x77: {  	[hbm4b:s4+s3] =	stream.indirect_vreg.scatter [tilespmem:s24], [sflag:$0x6], $0x80, v3, vm0, $0xb8;
	[tilespmem:$0x10100] =	vst v63  }
0x78: {  	v3 =	vld [tilespmem:$0x90];
	_ =	sdelay $0x4  }
0x79: {  	v53 =	vshll.u32 v3, $0x2  }
0x7a: {  	v3 =	vand.u32 $0x7, v3;
	v4 =	vand.u32 $0xFFFFFFE0, v53  }
0x7b: {  	v3 =	vor.u32 v3, v4  }
0x7c: {  	v4 =	vperm.xlane v3, v0;
	_ =	sdelay $0x1  }
0x7d: {  	v4 =	vadd.s32 v1, v4;
	_ =	sdelay $0x1  }
0x7e: {  	v3 =	vperm.xlane v3, v2;
	_ =	sdelay $0x1  }
0x7f: {  	s23 =	simm.s32 $0xA100;
	v3 =	vadd.s32 v1, v3  }
0x80: {  	[hbm4b:s2+s3] =	stream.indirect_vreg.scatter [tilespmem:s23], [sflag:$0x6], $0x80, v4, vm0, $0xb8;
	[tilespmem:$0x10100] =	vst v63  }
0x81: {  	s23 =	simm.s32 $0xA900  }
0x82: {  	[hbm4b:s4+s3] =	stream.indirect_vreg.scatter [tilespmem:s23], [sflag:$0x6], $0x80, v4, vm0, $0xb8;
	[tilespmem:$0x10100] =	vst v63  }
0x83: {  	s23 =	simm.s32 $0xB100  }
0x84: {  	[hbm4b:s2+s3] =	stream.indirect_vreg.scatter [tilespmem:s23], [sflag:$0x6], $0x80, v3, vm0, $0xb8;
	[tilespmem:$0x10100] =	vst v63  }
0x85: {  	s23 =	simm.s32 $0xB900  }
0x86: {  	[hbm4b:s4+s3] =	stream.indirect_vreg.scatter [tilespmem:s23], [sflag:$0x6], $0x80, v3, vm0, $0xb8;
	[tilespmem:$0x10100] =	vst v63  }
0x87: {  	v3 =	vld [tilespmem:$0xA0];
	_ =	sdelay $0x4  }
0x88: {  	v54 =	vshll.u32 v3, $0x2  }
0x89: {  	v3 =	vand.u32 $0x7, v3;
	v4 =	vand.u32 $0xFFFFFFE0, v54  }
0x8a: {  	v3 =	vor.u32 v3, v4  }
0x8b: {  	v4 =	vperm.xlane v3, v0;
	_ =	sdelay $0x1  }
0x8c: {  	v4 =	vadd.s32 v1, v4;
	_ =	sdelay $0x1  }
0x8d: {  	v3 =	vperm.xlane v3, v2;
	_ =	sdelay $0x1  }
0x8e: {  	s23 =	simm.s32 $0xC100;
	v3 =	vadd.s32 v1, v3  }
0x8f: {  	[hbm4b:s2+s3] =	stream.indirect_vreg.scatter [tilespmem:s23], [sflag:$0x6], $0x80, v4, vm0, $0xb8;
	[tilespmem:$0x10100] =	vst v63  }
0x90: {  	s23 =	simm.s32 $0xC900  }
0x91: {  	[hbm4b:s4+s3] =	stream.indirect_vreg.scatter [tilespmem:s23], [sflag:$0x6], $0x80, v4, vm0, $0xb8;
	[tilespmem:$0x10100] =	vst v63  }
0x92: {  	s23 =	simm.s32 $0xD100  }
0x93: {  	[hbm4b:s2+s3] =	stream.indirect_vreg.scatter [tilespmem:s23], [sflag:$0x6], $0x80, v3, vm0, $0xb8;
	[tilespmem:$0x10100] =	vst v63  }
0x94: {  	s23 =	simm.s32 $0xD900  }
0x95: {  	[hbm4b:s4+s3] =	stream.indirect_vreg.scatter [tilespmem:s23], [sflag:$0x6], $0x80, v3, vm0, $0xb8;
	[tilespmem:$0x10100] =	vst v63  }
0x96: {  	v3 =	vld [tilespmem:$0xB0];
	_ =	sdelay $0x4  }
0x97: {  	v55 =	vshll.u32 v3, $0x2  }
0x98: {  	v3 =	vand.u32 $0x7, v3;
	v4 =	vand.u32 $0xFFFFFFE0, v55  }
0x99: {  	v3 =	vor.u32 v3, v4  }
0x9a: {  	v4 =	vperm.xlane v3, v0;
	_ =	sdelay $0x1  }
0x9b: {  	v4 =	vadd.s32 v1, v4;
	_ =	sdelay $0x1  }
0x9c: {  	v3 =	vperm.xlane v3, v2;
	_ =	sdelay $0x1  }
0x9d: {  	s23 =	simm.s32 $0xE100;
	v3 =	vadd.s32 v1, v3  }
0x9e: {  	[hbm4b:s2+s3] =	stream.indirect_vreg.scatter [tilespmem:s23], [sflag:$0x6], $0x80, v4, vm0, $0xb8;
	[tilespmem:$0x10100] =	vst v63  }
0x9f: {  	s23 =	simm.s32 $0xE900  }
0xa0: {  	[hbm4b:s4+s3] =	stream.indirect_vreg.scatter [tilespmem:s23], [sflag:$0x6], $0x80, v4, vm0, $0xb8;
	[tilespmem:$0x10100] =	vst v63  }
0xa1: {  	s23 =	simm.s32 $0xF100  }
0xa2: {  	[hbm4b:s2+s3] =	stream.indirect_vreg.scatter [tilespmem:s23], [sflag:$0x6], $0x80, v3, vm0, $0xb8;
	[tilespmem:$0x10100] =	vst v63  }
0xa3: {  	s23 =	simm.s32 $0xF900  }
0xa4: {  	[hbm4b:s4+s3] =	stream.indirect_vreg.scatter [tilespmem:s23], [sflag:$0x6], $0x80, v3, vm0, $0xb8;
	[tilespmem:$0x10100] =	vst v63  }
0xa5: {  	_ =	swait.ge [sflag:s20], $0x8000  }
0xa6: {  	[sflag:s20] =	ssyncset.done $0x0  }
0xa7: {  	s22 =	rddreg [dreg:$0x8];
	[sflag:s20] =	ssyncadd.s32 $0xFFFF8000  }
0xa8: {  	[tilespmem:s3], [sflag:$0x1] =	stream.linear.gather [hbm4b:s22+s3], $0x40, $0x38;
	[tilespmem:$0x10100] =	vst v63  }
0xa9: {  	s23 =	rddreg [dreg:$0x9]  }
0xaa: {  	[tilespmem:s8], [sflag:$0x3] =	stream.linear.gather [hbm4b:s23+s3], $0x8000, $0x38;
	[tilespmem:$0x10100] =	vst v63  }
0xab: {  	_ =	swait.ge [sflag:s10], $0x40  }
0xac: {  	[sflag:s10] =	ssyncset.done $0x0  }
0xad: {  	[sflag:s10] =	ssyncadd.s32 $0xFFFFFFC0  }
0xae: {  	_ =	swait.ge [sflag:s26], $0x8000  }
0xaf: {  	[sflag:s26] =	ssyncset.done $0x0  }
0xb0: {  	[sflag:s26] =	ssyncadd.s32 $0xFFFF8000  }
0xb1: {  	v3 =	vld [tilespmem:$0x0];
	_ =	sdelay $0x4  }
0xb2: {  	v56 =	vshll.u32 v3, $0x2  }
0xb3: {  	v3 =	vand.u32 $0x7, v3;
	v4 =	vand.u32 $0xFFFFFFE0, v56  }
0xb4: {  	v3 =	vor.u32 v3, v4  }
0xb5: {  	v4 =	vperm.xlane v3, v0;
	_ =	sdelay $0x1  }
0xb6: {  	v4 =	vadd.s32 v1, v4;
	_ =	sdelay $0x1  }
0xb7: {  	v3 =	vperm.xlane v3, v2;
	_ =	sdelay $0x1  }
0xb8: {  	v3 =	vadd.s32 v1, v3  }
0xb9: {  	[hbm4b:s2+s3] =	stream.indirect_vreg.scatter [tilespmem:s8], [sflag:$0x5], $0x80, v4, vm0, $0xb8;
	[tilespmem:$0x10100] =	vst v63  }
0xba: {  	_ = 	snop  }
0xbb: {  	[hbm4b:s4+s3] =	stream.indirect_vreg.scatter [tilespmem:s25], [sflag:$0x5], $0x80, v4, vm0, $0xb8;
	[tilespmem:$0x10100] =	vst v63  }
0xbc: {  	_ = 	snop  }
0xbd: {  	[hbm4b:s2+s3] =	stream.indirect_vreg.scatter [tilespmem:s29], [sflag:$0x5], $0x80, v3, vm0, $0xb8;
	[tilespmem:$0x10100] =	vst v63  }
0xbe: {  	_ = 	snop  }
0xbf: {  	[hbm4b:s4+s3] =	stream.indirect_vreg.scatter [tilespmem:s30], [sflag:$0x5], $0x80, v3, vm0, $0xb8;
	[tilespmem:$0x10100] =	vst v63  }
0xc0: {  	v3 =	vld [tilespmem:$0x10];
	_ =	sdelay $0x4  }
0xc1: {  	v57 =	vshll.u32 v3, $0x2  }
0xc2: {  	v3 =	vand.u32 $0x7, v3;
	v4 =	vand.u32 $0xFFFFFFE0, v57  }
0xc3: {  	v3 =	vor.u32 v3, v4  }
0xc4: {  	v4 =	vperm.xlane v3, v0;
	_ =	sdelay $0x1  }
0xc5: {  	v4 =	vadd.s32 v1, v4;
	_ =	sdelay $0x1  }
0xc6: {  	v3 =	vperm.xlane v3, v2;
	_ =	sdelay $0x1  }
0xc7: {  	v3 =	vadd.s32 v1, v3  }
0xc8: {  	[hbm4b:s2+s3] =	stream.indirect_vreg.scatter [tilespmem:s31], [sflag:$0x5], $0x80, v4, vm0, $0xb8;
	[tilespmem:$0x10100] =	vst v63  }
0xc9: {  	_ = 	snop  }
0xca: {  	[hbm4b:s4+s3] =	stream.indirect_vreg.scatter [tilespmem:s6], [sflag:$0x5], $0x80, v4, vm0, $0xb8;
	[tilespmem:$0x10100] =	vst v63  }
0xcb: {  	_ = 	snop  }
0xcc: {  	[hbm4b:s2+s3] =	stream.indirect_vreg.scatter [tilespmem:s1], [sflag:$0x5], $0x80, v3, vm0, $0xb8;
	[tilespmem:$0x10100] =	vst v63  }
0xcd: {  	_ = 	snop  }
0xce: {  	[hbm4b:s4+s3] =	stream.indirect_vreg.scatter [tilespmem:s7], [sflag:$0x5], $0x80, v3, vm0, $0xb8;
	[tilespmem:$0x10100] =	vst v63  }
0xcf: {  	v3 =	vld [tilespmem:$0x20];
	_ =	sdelay $0x4  }
0xd0: {  	v58 =	vshll.u32 v3, $0x2  }
0xd1: {  	v3 =	vand.u32 $0x7, v3;
	v4 =	vand.u32 $0xFFFFFFE0, v58  }
0xd2: {  	v3 =	vor.u32 v3, v4  }
0xd3: {  	v4 =	vperm.xlane v3, v0;
	_ =	sdelay $0x1  }
0xd4: {  	v4 =	vadd.s32 v1, v4;
	_ =	sdelay $0x1  }
0xd5: {  	v3 =	vperm.xlane v3, v2;
	_ =	sdelay $0x1  }
0xd6: {  	v3 =	vadd.s32 v1, v3  }
0xd7: {  	[hbm4b:s2+s3] =	stream.indirect_vreg.scatter [tilespmem:s11], [sflag:$0x5], $0x80, v4, vm0, $0xb8;
	[tilespmem:$0x10100] =	vst v63  }
0xd8: {  	_ = 	snop  }
0xd9: {  	[hbm4b:s4+s3] =	stream.indirect_vreg.scatter [tilespmem:s12], [sflag:$0x5], $0x80, v4, vm0, $0xb8;
	[tilespmem:$0x10100] =	vst v63  }
0xda: {  	_ = 	snop  }
0xdb: {  	[hbm4b:s2+s3] =	stream.indirect_vreg.scatter [tilespmem:s13], [sflag:$0x5], $0x80, v3, vm0, $0xb8;
	[tilespmem:$0x10100] =	vst v63  }
0xdc: {  	_ = 	snop  }
0xdd: {  	[hbm4b:s4+s3] =	stream.indirect_vreg.scatter [tilespmem:s14], [sflag:$0x5], $0x80, v3, vm0, $0xb8;
	[tilespmem:$0x10100] =	vst v63  }
0xde: {  	v3 =	vld [tilespmem:$0x30];
	_ =	sdelay $0x4  }
0xdf: {  	v59 =	vshll.u32 v3, $0x2  }
0xe0: {  	v3 =	vand.u32 $0x7, v3;
	v4 =	vand.u32 $0xFFFFFFE0, v59  }
0xe1: {  	v3 =	vor.u32 v3, v4  }
0xe2: {  	v4 =	vperm.xlane v3, v0;
	_ =	sdelay $0x1  }
0xe3: {  	v4 =	vadd.s32 v1, v4;
	_ =	sdelay $0x1  }
0xe4: {  	v3 =	vperm.xlane v3, v2;
	_ =	sdelay $0x1  }
0xe5: {  	v3 =	vadd.s32 v1, v3  }
0xe6: {  	[hbm4b:s2+s3] =	stream.indirect_vreg.scatter [tilespmem:s15], [sflag:$0x5], $0x80, v4, vm0, $0xb8;
	[tilespmem:$0x10100] =	vst v63  }
0xe7: {  	_ = 	snop  }
0xe8: {  	[hbm4b:s4+s3] =	stream.indirect_vreg.scatter [tilespmem:s16], [sflag:$0x5], $0x80, v4, vm0, $0xb8;
	[tilespmem:$0x10100] =	vst v63  }
0xe9: {  	_ = 	snop  }
0xea: {  	[hbm4b:s2+s3] =	stream.indirect_vreg.scatter [tilespmem:s17], [sflag:$0x5], $0x80, v3, vm0, $0xb8;
	[tilespmem:$0x10100] =	vst v63  }
0xeb: {  	_ = 	snop  }
0xec: {  	[hbm4b:s4+s3] =	stream.indirect_vreg.scatter [tilespmem:s18], [sflag:$0x5], $0x80, v3, vm0, $0xb8;
	[tilespmem:$0x10100] =	vst v63  }
0xed: {  	_ =	swait.ge [sflag:s21], $0x8000  }
0xee: {  	[sflag:s21] =	ssyncset.done $0x0  }
0xef: {  	s1 =	simm.s32 $0x80;
	s22 =	rddreg [dreg:$0xa];
	[sflag:s21] =	ssyncadd.s32 $0xFFFF8000  }
0xf0: {  	[tilespmem:s1], [sflag:$0x2] =	stream.linear.gather [hbm4b:s22+s3], $0x40, $0x38;
	[tilespmem:$0x10100] =	vst v63  }
0xf1: {  	s23 =	rddreg [dreg:$0xb]  }
0xf2: {  	[tilespmem:s9], [sflag:$0x4] =	stream.linear.gather [hbm4b:s23+s3], $0x8000, $0x38;
	[tilespmem:$0x10100] =	vst v63  }
0xf3: {  	_ =	swait.ge [sflag:s28], $0x40  }
0xf4: {  	[sflag:s28] =	ssyncset.done $0x0  }
0xf5: {  	[sflag:s28] =	ssyncadd.s32 $0xFFFFFFC0  }
0xf6: {  	_ =	swait.ge [sflag:s0], $0x8000  }
0xf7: {  	[sflag:s0] =	ssyncset.done $0x0  }
0xf8: {  	[sflag:s0] =	ssyncadd.s32 $0xFFFF8000  }
0xf9: {  	v3 =	vld [tilespmem:$0x80];
	_ =	sdelay $0x4  }
0xfa: {  	v60 =	vshll.u32 v3, $0x2  }
0xfb: {  	v3 =	vand.u32 $0x7, v3;
	v4 =	vand.u32 $0xFFFFFFE0, v60  }
0xfc: {  	v3 =	vor.u32 v3, v4  }
0xfd: {  	v4 =	vperm.xlane v3, v0;
	_ =	sdelay $0x1  }
0xfe: {  	v4 =	vadd.s32 v1, v4;
	_ =	sdelay $0x1  }
0xff: {  	v3 =	vperm.xlane v3, v2;
	_ =	sdelay $0x1  }
0x100: {  	v3 =	vadd.s32 v1, v3  }
0x101: {  	[hbm4b:s2+s3] =	stream.indirect_vreg.scatter [tilespmem:s9], [sflag:$0x6], $0x80, v4, vm0, $0xb8;
	[tilespmem:$0x10100] =	vst v63  }
0x102: {  	_ = 	snop  }
0x103: {  	[hbm4b:s4+s3] =	stream.indirect_vreg.scatter [tilespmem:s19], [sflag:$0x6], $0x80, v4, vm0, $0xb8;
	[tilespmem:$0x10100] =	vst v63  }
0x104: {  	s23 =	simm.s32 $0x9100  }
0x105: {  	[hbm4b:s2+s3] =	stream.indirect_vreg.scatter [tilespmem:s23], [sflag:$0x6], $0x80, v3, vm0, $0xb8;
	[tilespmem:$0x10100] =	vst v63  }
0x106: {  	_ = 	snop  }
0x107: {  	[hbm4b:s4+s3] =	stream.indirect_vreg.scatter [tilespmem:s24], [sflag:$0x6], $0x80, v3, vm0, $0xb8;
	[tilespmem:$0x10100] =	vst v63  }
0x108: {  	v3 =	vld [tilespmem:$0x90];
	_ =	sdelay $0x4  }
0x109: {  	v61 =	vshll.u32 v3, $0x2  }
0x10a: {  	v3 =	vand.u32 $0x7, v3;
	v4 =	vand.u32 $0xFFFFFFE0, v61  }
0x10b: {  	v3 =	vor.u32 v3, v4  }
0x10c: {  	v4 =	vperm.xlane v3, v0;
	_ =	sdelay $0x1  }
0x10d: {  	v4 =	vadd.s32 v1, v4;
	_ =	sdelay $0x1  }
0x10e: {  	v3 =	vperm.xlane v3, v2;
	_ =	sdelay $0x1  }
0x10f: {  	s1 =	simm.s32 $0xA100;
	v3 =	vadd.s32 v1, v3  }
0x110: {  	[hbm4b:s2+s3] =	stream.indirect_vreg.scatter [tilespmem:s1], [sflag:$0x6], $0x80, v4, vm0, $0xb8;
	[tilespmem:$0x10100] =	vst v63  }
0x111: {  	s22 =	simm.s32 $0xA900  }
0x112: {  	[hbm4b:s4+s3] =	stream.indirect_vreg.scatter [tilespmem:s22], [sflag:$0x6], $0x80, v4, vm0, $0xb8;
	[tilespmem:$0x10100] =	vst v63  }
0x113: {  	s23 =	simm.s32 $0xB100  }
0x114: {  	[hbm4b:s2+s3] =	stream.indirect_vreg.scatter [tilespmem:s23], [sflag:$0x6], $0x80, v3, vm0, $0xb8;
	[tilespmem:$0x10100] =	vst v63  }
0x115: {  	s1 =	simm.s32 $0xB900  }
0x116: {  	[hbm4b:s4+s3] =	stream.indirect_vreg.scatter [tilespmem:s1], [sflag:$0x6], $0x80, v3, vm0, $0xb8;
	[tilespmem:$0x10100] =	vst v63  }
0x117: {  	v3 =	vld [tilespmem:$0xA0];
	_ =	sdelay $0x4  }
0x118: {  	v62 =	vshll.u32 v3, $0x2  }
0x119: {  	v3 =	vand.u32 $0x7, v3;
	v4 =	vand.u32 $0xFFFFFFE0, v62  }
0x11a: {  	v3 =	vor.u32 v3, v4  }
0x11b: {  	v4 =	vperm.xlane v3, v0;
	_ =	sdelay $0x1  }
0x11c: {  	v4 =	vadd.s32 v1, v4;
	_ =	sdelay $0x1  }
0x11d: {  	v3 =	vperm.xlane v3, v2;
	_ =	sdelay $0x1  }
0x11e: {  	s22 =	simm.s32 $0xC100;
	v3 =	vadd.s32 v1, v3  }
0x11f: {  	[hbm4b:s2+s3] =	stream.indirect_vreg.scatter [tilespmem:s22], [sflag:$0x6], $0x80, v4, vm0, $0xb8;
	[tilespmem:$0x10100] =	vst v63  }
0x120: {  	s23 =	simm.s32 $0xC900  }
0x121: {  	[hbm4b:s4+s3] =	stream.indirect_vreg.scatter [tilespmem:s23], [sflag:$0x6], $0x80, v4, vm0, $0xb8;
	[tilespmem:$0x10100] =	vst v63  }
0x122: {  	s1 =	simm.s32 $0xD100  }
0x123: {  	[hbm4b:s2+s3] =	stream.indirect_vreg.scatter [tilespmem:s1], [sflag:$0x6], $0x80, v3, vm0, $0xb8;
	[tilespmem:$0x10100] =	vst v63  }
0x124: {  	s22 =	simm.s32 $0xD900  }
0x125: {  	[hbm4b:s4+s3] =	stream.indirect_vreg.scatter [tilespmem:s22], [sflag:$0x6], $0x80, v3, vm0, $0xb8;
	[tilespmem:$0x10100] =	vst v63  }
0x126: {  	v3 =	vld [tilespmem:$0xB0];
	_ =	sdelay $0x4  }
0x127: {  	v63 =	vshll.u32 v3, $0x2  }
0x128: {  	v3 =	vand.u32 $0x7, v3;
	v4 =	vand.u32 $0xFFFFFFE0, v63  }
0x129: {  	v3 =	vor.u32 v3, v4  }
0x12a: {  	v4 =	vperm.xlane v3, v0;
	_ =	sdelay $0x1  }
0x12b: {  	v4 =	vadd.s32 v1, v4;
	_ =	sdelay $0x1  }
0x12c: {  	v3 =	vperm.xlane v3, v2;
	_ =	sdelay $0x1  }
0x12d: {  	s23 =	simm.s32 $0xE100;
	v3 =	vadd.s32 v1, v3  }
0x12e: {  	[hbm4b:s2+s3] =	stream.indirect_vreg.scatter [tilespmem:s23], [sflag:$0x6], $0x80, v4, vm0, $0xb8;
	[tilespmem:$0x10100] =	vst v63  }
0x12f: {  	s1 =	simm.s32 $0xE900  }
0x130: {  	[hbm4b:s4+s3] =	stream.indirect_vreg.scatter [tilespmem:s1], [sflag:$0x6], $0x80, v4, vm0, $0xb8;
	[tilespmem:$0x10100] =	vst v63  }
0x131: {  	s22 =	simm.s32 $0xF100  }
0x132: {  	[hbm4b:s2+s3] =	stream.indirect_vreg.scatter [tilespmem:s22], [sflag:$0x6], $0x80, v3, vm0, $0xb8;
	[tilespmem:$0x10100] =	vst v63  }
0x133: {  	s23 =	simm.s32 $0xF900  }
0x134: {  	[hbm4b:s4+s3] =	stream.indirect_vreg.scatter [tilespmem:s23], [sflag:$0x6], $0x80, v3, vm0, $0xb8;
	[tilespmem:$0x10100] =	vst v63  }
0x135: {  	p0 =	sne.s32 s5, $0x1;
	_ =	swait.ge [sflag:s20], $0x8000  }
.Ltmp0:
0x136: {  	[sflag:s20] =	ssyncset.done $0x0;
	(pc) =	sbr.rel @p0 .LBB2_1-.Ltmp0, $4  }
0x137: {  	[sflag:s20] =	ssyncadd.s32 $0xFFFF8000  }
0x138: {  	_ =	swait.ge [sflag:s21], $0x8000  }
0x139: {  	[sflag:s21] =	ssyncset.done $0x0  }
0x13a: {  	s5 =	sadd.s32 $0xFFFFFFFF, s5;
	[sflag:s21] =	ssyncadd.s32 $0xFFFF8000  }
0x13b: {  	_ =	sfence.sel $0x180000  }
0x13c: {  	[bflag:$0x0] =	sbarrier.arrive $0xFFFF  }
0x13d: {  	_ =	strace $0x90000047  }
0x13e: {  	s0 =	stileid.u32;
	[bflag:$0x2] =	sbarrier.arrive $0xFFFF  }
0x13f: {  	p0 =	sne.s32 s0, $0x0;
	s0 =	rddreg [dreg:$0x3]  }
0x140: {  	s0 =	sadd.s32 @!p0 $0x100000, s0  }
0x141: {  	[sflag:s0] =	ssyncadd.tile.s32 @!p0 $0x1;
	_ =	shalt  }
.Lfunc_end2:
_tile_overlayer_lowered:
.L_overlay_start_2:
0x142: {  	(tag) =	ssettag $0x2  }
0x143: {  	s0 =	rddreg [dreg:$0x0];
	s2 =	stileid.u32  }
0x144: {  	s1 =	rddreg [dreg:$0x1];
	p0 =	sne.s32 s2, $0x0  }
0x145: {  	s3 =	rddreg [dreg:$0x2];
	[bflag:$0x3] =	sbarrier.arrive $0xFFFF;
	s2 =	simm.s32 @!p0 $0x1C07  }
0x146: {  	[timem:s3], [sflag:s2] =	dma.local @!p0 [hbm:s0], s1  }
0x147: {  	s0 =	simm.s32 @!p0 $0x7  }
0x148: {  	_ =	swait.ge @!p0 [sflag:s0], s1  }
0x149: {  	s1 =	ssub.s32 @!p0 $0x0, s1;
	[sflag:s0] =	ssyncset.done @!p0 $0x0  }
0x14a: {  	[sflag:s0] =	ssyncadd.s32 @!p0 s1  }
0x14b: {  	[bflag:$0x3] =	sbarrier.arrive $0xFFFF  }
0x14c: {  	_ =	shalt  }

// kernel: kernel.9.cloned.1.call-start
scs
__scs_entry_jumppad:
0x0: {  	(pc) =	sbr.rel $0x88, $3  }
0x1: {  	(tag) =	ssettag $0x0;
	lr =	simm.s32 $0x1  }
0x2: {  	[smem:$0x3F97] =	sst lr;
	_ =	strace $0xD0000000  }
0x3: {  	_ = 	snop  }
0x4: {  	_ = 	snop  }
0x5: {  	_ = 	snop  }
0x6: {  	_ = 	snop  }
0x7: {  	_ = 	snop  }
__scs_overlays_trampoline_lowered:
0x8: {  	[smem:$0x3FA6] =	sst s0  }
0x9: {  	[smem:$0x3FA7] =	sst s1  }
0xa: {  	[smem:$0x3FA8] =	sst s2  }
0xb: {  	[smem:$0x3FA9] =	sst s3  }
0xc: {  	[smem:$0x3FAA] =	sst s4  }
0xd: {  	[smem:$0x3FAB] =	sst s5  }
0xe: {  	[smem:$0x3FAC] =	sst s6  }
0xf: {  	[smem:$0x3FAD] =	sst s7  }
0x10: {  	[smem:$0x3FAE] =	sst s8  }
0x11: {  	[smem:$0x3FAF] =	sst s9;
	s0 =	simm.s32 @!p0 $0x0  }
0x12: {  	s1 =	sld [smem:$0x3F95];
	s0 =	simm.s32 @p0 $0x1  }
0x13: {  	[smem:$0x3FB0] =	sst s0;
	s0 =	simm.s32 @!p1 $0x0  }
0x14: {  	s2 =	sld [smem:$0x3F94];
	s0 =	simm.s32 @p1 $0x1  }
0x15: {  	[smem:$0x3FB1] =	sst s0;
	s0 =	simm.s32 @!p2 $0x0  }
0x16: {  	s3 =	sld [smem:$0x3FDB];
	s0 =	simm.s32 @p2 $0x1  }
0x17: {  	s4 =	simm.s32 $0x1BF5;
	[smem:$0x3FB3] =	sst s0  }
0x18: {  	s0 =	sld [smem:$0x3F96];
	_ =	swait.ge [sflag:s4], $0x0  }
0x19: {  	s7 =	sld [smem:$0x3F97]  }
0x1a: {  	s8 =	sadd.s32 $0xFFFFE003, lr  }
0x1b: {  	s9 =	sadd.s32 $0xFFFFFEF7, lr;
	s5 =	simm.s32 $0xFFFFFFFF;
	p2 =	slt.u32 s8, $0xFFFFF086  }
0x1c: {  	p1 =	slt.u32 s9, $0xF7A;
	s5 =	simm.s32 @!p2 $0x0  }
0x1d: {  	s5 =	simm.s32 @p1 $0x1;
	p0 =	seq.s32 s7, s2  }
0x1e: {  	s7 =	smul.u32 @!p0 $0xF7A, s2;
	p2 =	seq.s32 @!p0 s5, $0x0  }
0x1f: {  	s9 =	smul.u32 $0xF7A, s1;
	s8 =	simm.s32 @!p0 $0x1BF5;
	p2 =	por !p2, p0  }
0x20: {  	[sflag:s8] =	ssyncset.s32 @!p0 $0xFFFFF086;
	s6 =	sadd.s32 @!p0 s3, s7;
	s7 =	simm.s32 @!p0 $0x108  }
0x21: {  	s3 =	sadd.s32 s3, s9;
	s6 =	sadd.s32 @!p0 $0x88, s6;
	s7 =	simm.s32 @p2 $0x1082  }
0x22: {  	[simem:s7], [sflag:s8] =	dma.local @!p0 [hbm:s6], $0xF7A  }
0x23: {  	s9 =	sor.u32 $0xD0000000, s2;
	s6 =	simm.s32 $0x108;
	_ =	swait.ge @!p0 [sflag:s8], $0x0  }
0x24: {  	s3 =	sadd.s32 $0x88, s3;
	s6 =	simm.s32 @!p1 $0x1082;
	[sflag:s4] =	ssyncset.s32 $0xFFFFF086  }
0x25: {  	[simem:s6], [sflag:s4] =	dma.local [hbm:s3], $0xF7A  }
0x26: {  	[smem:$0x3F97] =	sst s1;
	(tag) =	ssettag s2;
	_ =	strace s9  }
0x27: {  	s1 =	sld [smem:$0x3FA7]  }
0x28: {  	s2 =	sld [smem:$0x3FA8]  }
0x29: {  	s4 =	sld [smem:$0x3FAA]  }
0x2a: {  	p0 =	seq.s32 s5, $0x0;
	s5 =	sld [smem:$0x3FAB]  }
0x2b: {  	s6 =	sld [smem:$0x3FAC]  }
0x2c: {  	s7 =	sld [smem:$0x3FAD]  }
0x2d: {  	s3 =	simm.s32 $0x108;
	s8 =	sld [smem:$0x3FAE]  }
0x2e: {  	s3 =	simm.s32 @!p0 $0x1082;
	s9 =	sld [smem:$0x3FAF]  }
0x2f: {  	lr =	sadd.s32 s0, s3;
	s0 =	sld [smem:$0x3FA6]  }
0x30: {  	s3 =	sld [smem:$0x3FA9]  }
0x31: {  	[smem:$0x3FB2] =	sst s10  }
0x32: {  	s10 =	sld [smem:$0x3FB0];
	_ =	sdelay $0x3  }
0x33: {  	p0 =	seq.s32 s10, $0x1;
	s10 =	sld [smem:$0x3FB2];
	_ =	sdelay $0x3  }
0x34: {  	[smem:$0x3FB2] =	sst s10  }
0x35: {  	s10 =	sld [smem:$0x3FB1];
	_ =	sdelay $0x3  }
0x36: {  	p1 =	seq.s32 s10, $0x1;
	s10 =	sld [smem:$0x3FB2];
	_ =	sdelay $0x3  }
0x37: {  	[smem:$0x3FB2] =	sst s10  }
0x38: {  	s10 =	sld [smem:$0x3FB3]  }
0x39: {  	_ = 	snop;
	(pc) =	sbr.ind lr, $3  }
0x3a: {  	_ = 	snop  }
0x3b: {  	_ = 	snop  }
0x3c: {  	p2 =	seq.s32 s10, $0x1;
	s10 =	sld [smem:$0x3FB2]  }
0x3d: {  	_ =	shalt  }
0x3e: {  	_ =	shalt  }
0x3f: {  	_ =	shalt  }
0x40: {  	_ =	shalt  }
0x41: {  	_ =	shalt  }
0x42: {  	_ =	shalt  }
0x43: {  	_ =	shalt  }
0x44: {  	_ =	shalt  }
0x45: {  	_ =	shalt  }
0x46: {  	_ =	shalt  }
0x47: {  	_ =	shalt  }
0x48: {  	_ =	shalt  }
0x49: {  	_ =	shalt  }
0x4a: {  	_ =	shalt  }
0x4b: {  	_ =	shalt  }
0x4c: {  	_ =	shalt  }
0x4d: {  	_ =	shalt  }
0x4e: {  	_ =	shalt  }
0x4f: {  	_ =	shalt  }
0x50: {  	_ =	shalt  }
0x51: {  	_ =	shalt  }
0x52: {  	_ =	shalt  }
0x53: {  	_ =	shalt  }
0x54: {  	_ =	shalt  }
0x55: {  	_ =	shalt  }
0x56: {  	_ =	shalt  }
0x57: {  	_ =	shalt  }
0x58: {  	_ =	shalt  }
0x59: {  	_ =	shalt  }
0x5a: {  	_ =	shalt  }
0x5b: {  	_ =	shalt  }
0x5c: {  	_ =	shalt  }
0x5d: {  	_ =	shalt  }
0x5e: {  	_ =	shalt  }
0x5f: {  	_ =	shalt  }
0x60: {  	_ =	shalt  }
0x61: {  	_ =	shalt  }
0x62: {  	_ =	shalt  }
0x63: {  	_ =	shalt  }
0x64: {  	_ =	shalt  }
0x65: {  	_ =	shalt  }
0x66: {  	_ =	shalt  }
0x67: {  	_ =	shalt  }
0x68: {  	_ =	shalt  }
0x69: {  	_ =	shalt  }
0x6a: {  	_ =	shalt  }
0x6b: {  	_ =	shalt  }
0x6c: {  	_ =	shalt  }
0x6d: {  	_ =	shalt  }
0x6e: {  	_ =	shalt  }
0x6f: {  	_ =	shalt  }
0x70: {  	_ =	shalt  }
0x71: {  	_ =	shalt  }
0x72: {  	_ =	shalt  }
0x73: {  	_ =	shalt  }
0x74: {  	_ =	shalt  }
0x75: {  	_ =	shalt  }
0x76: {  	_ =	shalt  }
0x77: {  	_ =	shalt  }
0x78: {  	_ =	shalt  }
0x79: {  	_ =	shalt  }
0x7a: {  	_ =	shalt  }
0x7b: {  	_ =	shalt  }
0x7c: {  	_ =	shalt  }
0x7d: {  	_ =	shalt  }
0x7e: {  	_ =	shalt  }
0x7f: {  	_ =	shalt  }
0x80: {  	_ =	shalt  }
0x81: {  	_ =	shalt  }
0x82: {  	_ =	shalt  }
0x83: {  	_ =	shalt  }
0x84: {  	_ =	shalt  }
0x85: {  	_ =	shalt  }
0x86: {  	_ =	shalt  }
0x87: {  	_ =	shalt  }
.Lfunc_end0:
.L_simem_size_0:
called_computation.1_lowered:
.L_overlay_start_0:
0x88: {  	s2 =	sld [smem:$0x3FD9]  }
0x89: {  	s3 =	sld [smem:$0x3FFE];
	_ =	sdelay $0x1  }
0x8a: {  	s1 =	srdreg.scid  }
0x8b: {  	s0 =	sand.u32 $0x1, s1  }
0x8c: {  	s17 =	sshll.u32 s0, $0xA;
	s2 =	sadd.s32 s3, s2  }
0x8d: {  	s2 =	sadd.s32 s2, s17  }
0x8e: {  	[smem:$0x3FBE] =	sst s2  }
0x8f: {  	_ = 	snop  }
0x90: {  	s2 =	sld [smem:$0x3FD0];
	(tm) =	ssettm $0x1  }
0x91: {  	s18 =	sld [smem:$0x3FFB];
	_ =	sdelay $0x3  }
0x92: {  	_ =	strace s18  }
0x93: {  	s3 =	sld [smem:$0x3FFC];
	_ =	sdelay $0x3  }
0x94: {  	_ =	strace s3  }
0x95: {  	s3 =	sld [smem:$0x3FFD];
	_ =	sdelay $0x3  }
0x96: {  	_ =	strace s3  }
0x97: {  	_ =	strace $0x8FFFFFFF  }
0x98: {  	s19 =	sld [smem:$0x3FDB];
	_ =	sdelay $0x1  }
0x99: {  	s4 =	simm.s32 $_scs_section_size  }
0x9a: {  	s5 =	simm.s32 $_size__tile_overlayer_lowered;
	s6 =	simm.s32 $_tile_overlayer_lowered  }
0x9b: {  	s22 =	simm.s32 $0x1BFF;
	s21 =	sshll.u32 s6, $0x1;
	s3 =	sadd.s32 s4, s19  }
0x9c: {  	s7 =	simm.s32 $0x0;
	s20 =	sshll.u32 s5, $0x1;
	s5 =	sadd.s32 s21, s3  }
0x9d: {  	[timem:s7], [sflag:s22] =	dma.local [hbm:s5], s20  }
0x9e: {  	_ =	swait.ge [sflag:s22], s20  }
0x9f: {  	s4 =	ssub.s32 $0x0, s20;
	[sflag:s22] =	ssyncset.done $0x0  }
0xa0: {  	[sflag:s22] =	ssyncadd.s32 s4;
	_ =	sdelay $0x1  }
0xa1: {  	s23 =	simm.s32 $0x1B8B  }
0xa2: {  	_ =	swait.ge [sflag:s23], $0x1  }
0xa3: {  	[sflag:s23] =	ssyncset.done $0x0  }
0xa4: {  	s25 =	simm.s32 $0x1B8E;
	s24 =	sld [smem:$0x3FFE];
	[sflag:s23] =	ssyncadd.s32 $0xFFFFFFFF  }
0xa5: {  	s26 =	simm.s32 $execute0_lowered;
	[smem:$0x3FD2] =	sst s25  }
0xa6: {  	s5 =	sshll.u32 s26, $0x1;
	_ =	strace $0x80000049;
	[dreg:$0x1] =	wrdreg $0xFFFFFFFF  }
0xa7: {  	s28 =	simm.s32 $_size_execute0_lowered;
	s3 =	sadd.s32 s3, s5;
	[dreg:$0x0] =	wrdreg $0x0  }
0xa8: {  	s5 =	sshll.u32 s28, $0x1;
	[dreg:$0x2] =	wrdreg s3  }
0xa9: {  	[dreg:$0x3] =	wrdreg s5  }
0xaa: {  	[dreg:$0x4] =	wrdreg $0xC0  }
0xab: {  	_ =	task [dreg:s7], $0x5FFFF  }
0xac: {  	[dreg:$0x1] =	wrdreg $0xFFFFFFFF  }
0xad: {  	[dreg:$0x0] =	wrdreg $0x60  }
0xae: {  	[dreg:$0x2] =	wrdreg s24  }
0xaf: {  	[dreg:$0x3] =	wrdreg s2  }
0xb0: {  	[dreg:$0x4] =	wrdreg $0x9  }
0xb1: {  	_ =	task.clear_ibuf [dreg:s7], $0x5FFFF;
	_ =	strace $0x90000049  }
0xb2: {  	s29 =	simm.s32 $0x9;
	_ =	strace $0x8000004B  }
0xb3: {  	_ =	swait.ge [sflag:s29], $0x1  }
0xb4: {  	[sflag:s29] =	ssyncadd.s32 $0xFFFFFFFF  }
0xb5: {  	_ =	strace $0x9000004B  }
0xb6: {  	_ =	sfence  }
0xb7: {  	s30 =	sld [smem:$0x0];
	_ =	sdelay $0x2  }
0xb8: {  	s31 =	sshll.u32 s1, $0xD;
	s1 =	sshrl.u32 s1, $0x2  }
0xb9: {  	s3 =	sand.u32 $0x4000, s31;
	s1 =	sadd.s32 s1, s30  }
0xba: {  	s0 =	sor.u32 s3, s0;
	s1 =	sshll.u32 s1, $0x11  }
0xbb: {  	s0 =	sor.u32 s1, s0  }
0xbc: {  	s0 =	sadd.s32 $0x8F2B, s0  }
0xbd: {  	[sflag:s0] =	ssyncadd.remote.s32 $0x1  }
0xbe: {  	_ =	sfence.sel $0xFFFF  }
0xbf: {  	[dreg:$0x0] =	wrdreg $0xFFFFFFFF;
	(pc) =	sbr.abs _section_cstart, $3  }
0xc0: {  	[dreg:$0x1] =	wrdreg $0xFFFFFFFF  }
0xc1: {  	_ =	task.clear_ibuf [dreg:s7], $0x2FFFF;
	_ =	strace $0x9FFFFFFF  }
0xc2: {  	(tm) =	ssettm $0x7FFFFFFF  }
0xc3: {  	_ =	shalt  }
tec
execute0_lowered:
.L_overlay_start_1:
0x0: {  	(tag) =	ssettag $0x1  }
0x1: {  	s0 =	srdreg.scid  }
0x2: {  	s2 =	stileid.u32;
	s0 =	sand.u32 $0x1, s0  }
0x3: {  	s1 =	rddreg [dreg:$0x0];
	s2 =	sshll.u32 s2, $0x9;
	s3 =	sshll.u32 s0, $0x8  }
0x4: {  	s4 =	rddreg [dreg:$0x1];
	s3 =	sor.u32 s3, s2  }
0x5: {  	s2 =	simm.s32 $0x0;
	s5 =	sshrl.u32 s3, $0x3;
	s3 =	sshll.u32 s3, $0x8  }
0x6: {  	[smem:$0x7FF] =	sst s2;
	s5 =	sadd.s32 s5, s1;
	s12 =	sadd.s32 s4, s3  }
0x7: {  	_ =	strace $0x8000004A;
	s5 =	sadd.s32 $0x2200, s5;
	[dreg:$0x13] =	wrdreg s12  }
0x8: {  	s3 =	sadd.s32 $0x1000, s12;
	[dreg:$0x3] =	wrdreg s5  }
0x9: {  	s15 =	simm.s32 $0x5;
	s16 =	sadd.s32 $0x2000, s12;
	[dreg:$0x4] =	wrdreg s3  }
0xa: {  	s6 =	sadd.s32 $0x2800, s1;
	s17 =	sadd.s32 $0x3000, s12;
	[dreg:$0x5] =	wrdreg s16  }
0xb: {  	s7 =	sadd.s32 $0x2900, s1;
	s18 =	sadd.s32 $0x4000, s12;
	[dreg:$0x6] =	wrdreg s17  }
0xc: {  	s8 =	sadd.s32 $0x2A00, s1;
	s19 =	sadd.s32 $0x5000, s12;
	[dreg:$0x7] =	wrdreg s18  }
0xd: {  	s9 =	sadd.s32 $0x2B00, s1;
	s20 =	sadd.s32 $0x6000, s12;
	[dreg:$0x8] =	wrdreg s19  }
0xe: {  	s10 =	sadd.s32 $0x2C00, s1;
	s22 =	sadd.s32 $0x7000, s12;
	[dreg:$0x9] =	wrdreg s20  }
0xf: {  	s11 =	sadd.s32 $0x2D00, s1;
	s23 =	sadd.s32 $0x8000, s12;
	[dreg:$0xa] =	wrdreg s22  }
0x10: {  	s0 =	ssub.s32 $0x2, s0;
	s24 =	sadd.s32 $0x9000, s12;
	[dreg:$0xb] =	wrdreg s23  }
0x11: {  	s21 =	sshrl.u32 s0, $0x1;
	s25 =	sadd.s32 $0xA000, s12;
	[dreg:$0xc] =	wrdreg s24  }
0x12: {  	s0 =	ssub.s32 s0, s21;
	s26 =	sadd.s32 $0xB000, s12;
	[dreg:$0xd] =	wrdreg s25  }
0x13: {  	s21 =	simm.s32 $0x100;
	s28 =	sadd.s32 $0xC000, s12;
	[dreg:$0xe] =	wrdreg s26  }
0x14: {  	s4 =	sadd.s32 $0x2600, s1;
	s29 =	sadd.s32 $0xD000, s12;
	[dreg:$0xf] =	wrdreg s28  }
0x15: {  	s30 =	sadd.s32 $0xE000, s12;
	s31 =	sadd.s32 $0xF000, s12;
	[dreg:$0x10] =	wrdreg s29  }
0x16: {  	v2 =	vlaneseq.u32;
	s12 =	smax.u32 s0, $0x1;
	s0 =	simm.s32 $0x4;
	[dreg:$0x11] =	wrdreg s30  }
0x17: {  	vm0 =	vmmov $0xffff;
	v1 =	vshrl.u32 v2, $0x3;
	s5 =	sadd.s32 $0x2700, s1;
	[dreg:$0x12] =	wrdreg s31;
	s1 =	simm.s32 $0x1  }
0x18: {  	v0 =	vand.u32 $0x7, v2;
	v2 =	vor.u32 $0x8, v2;
	v1 =	vmul.u32 $0x8, v1;
	s22 =	simm.s32 $0x2;
	s16 =	simm.s32 $0x3;
	s17 =	simm.s32 $0x6  }
.LBB2_1:
0x19: {  	[dreg:$0x14] =	wrdreg s12  }
0x1a: {  	s18 =	rddreg [dreg:$0x3];
	s31 =	simm.s32 $0x7  }
0x1b: {  	[tilespmem:s2], [sflag:$0x7] =	stream.linear.gather [hbm4b:s18+s2], $0x100, $0x38;
	[tilespmem:$0x18100] =	vst v63  }
0x1c: {  	_ =	swait.ge [sflag:s31], $0x100  }
0x1d: {  	[sflag:s31] =	ssyncset.done $0x0  }
0x1e: {  	[sflag:s31] =	ssyncadd.s32 $0xFFFFFF00  }
0x1f: {  	v3 =	vld [tilespmem:$0x0];
	_ =	sdelay $0x4  }
0x20: {  	v4 =	vshll.u32 v3, $0x4  }
0x21: {  	v3 =	vand.u32 $0x7, v3;
	v4 =	vand.u32 $0xFFFFFF80, v4  }
0x22: {  	v3 =	vor.u32 v3, v4  }
0x23: {  	v4 =	vperm.xlane v3, v0;
	_ =	sdelay $0x1  }
0x24: {  	v4 =	vadd.s32 v1, v4;
	_ =	sdelay $0x4  }
0x25: {  	[tilespmem:s21], [sflag:$0x1] =	stream.indirect_vreg.gather [hbm4b:s4+s2], $0x80, v4, vm0, $0xb8;
	[tilespmem:$0x18100] =	vst v63  }
0x26: {  	s3 =	simm.s32 $0x900  }
0x27: {  	[tilespmem:s3], [sflag:$0x1] =	stream.indirect_vreg.gather [hbm4b:s5+s2], $0x80, v4, vm0, $0xb8;
	[tilespmem:$0x18100] =	vst v63  }
0x28: {  	s12 =	simm.s32 $0x1100  }
0x29: {  	[tilespmem:s12], [sflag:$0x1] =	stream.indirect_vreg.gather [hbm4b:s6+s2], $0x80, v4, vm0, $0xb8;
	[tilespmem:$0x18100] =	vst v63  }
0x2a: {  	s13 =	simm.s32 $0x1900  }
0x2b: {  	[tilespmem:s13], [sflag:$0x1] =	stream.indirect_vreg.gather [hbm4b:s7+s2], $0x80, v4, vm0, $0xb8;
	[tilespmem:$0x18100] =	vst v63  }
0x2c: {  	s14 =	simm.s32 $0x2100  }
0x2d: {  	[tilespmem:s14], [sflag:$0x1] =	stream.indirect_vreg.gather [hbm4b:s8+s2], $0x80, v4, vm0, $0xb8;
	[tilespmem:$0x18100] =	vst v63  }
0x2e: {  	s19 =	simm.s32 $0x2900;
	v3 =	vperm.xlane v3, v2  }
0x2f: {  	[tilespmem:s19], [sflag:$0x1] =	stream.indirect_vreg.gather [hbm4b:s9+s2], $0x80, v4, vm0, $0xb8;
	[tilespmem:$0x18100] =	vst v63  }
0x30: {  	s20 =	simm.s32 $0x3100;
	v3 =	vadd.s32 v1, v3  }
0x31: {  	[tilespmem:s20], [sflag:$0x1] =	stream.indirect_vreg.gather [hbm4b:s10+s2], $0x80, v4, vm0, $0xb8;
	[tilespmem:$0x18100] =	vst v63  }
0x32: {  	s23 =	simm.s32 $0x3900  }
0x33: {  	[tilespmem:s23], [sflag:$0x1] =	stream.indirect_vreg.gather [hbm4b:s11+s2], $0x80, v4, vm0, $0xb8;
	[tilespmem:$0x18100] =	vst v63  }
0x34: {  	s24 =	simm.s32 $0x4100  }
0x35: {  	[tilespmem:s24], [sflag:$0x1] =	stream.indirect_vreg.gather [hbm4b:s4+s2], $0x80, v3, vm0, $0xb8;
	[tilespmem:$0x18100] =	vst v63  }
0x36: {  	s25 =	simm.s32 $0x4900  }
0x37: {  	[tilespmem:s25], [sflag:$0x1] =	stream.indirect_vreg.gather [hbm4b:s5+s2], $0x80, v3, vm0, $0xb8;
	[tilespmem:$0x18100] =	vst v63  }
0x38: {  	s26 =	simm.s32 $0x5100  }
0x39: {  	[tilespmem:s26], [sflag:$0x1] =	stream.indirect_vreg.gather [hbm4b:s6+s2], $0x80, v3, vm0, $0xb8;
	[tilespmem:$0x18100] =	vst v63  }
0x3a: {  	s28 =	simm.s32 $0x5900  }
0x3b: {  	[tilespmem:s28], [sflag:$0x1] =	stream.indirect_vreg.gather [hbm4b:s7+s2], $0x80, v3, vm0, $0xb8;
	[tilespmem:$0x18100] =	vst v63  }
0x3c: {  	s29 =	simm.s32 $0x6100  }
0x3d: {  	[tilespmem:s29], [sflag:$0x1] =	stream.indirect_vreg.gather [hbm4b:s8+s2], $0x80, v3, vm0, $0xb8;
	[tilespmem:$0x18100] =	vst v63  }
0x3e: {  	s12 =	simm.s32 $0x6900  }
0x3f: {  	[tilespmem:s12], [sflag:$0x1] =	stream.indirect_vreg.gather [hbm4b:s9+s2], $0x80, v3, vm0, $0xb8;
	[tilespmem:$0x18100] =	vst v63  }
0x40: {  	s13 =	simm.s32 $0x7100  }
0x41: {  	[tilespmem:s13], [sflag:$0x1] =	stream.indirect_vreg.gather [hbm4b:s10+s2], $0x80, v3, vm0, $0xb8;
	[tilespmem:$0x18100] =	vst v63  }
0x42: {  	s14 =	simm.s32 $0x7900  }
0x43: {  	[tilespmem:s14], [sflag:$0x1] =	stream.indirect_vreg.gather [hbm4b:s11+s2], $0x80, v3, vm0, $0xb8;
	[tilespmem:$0x18100] =	vst v63  }
0x44: {  	v3 =	vld [tilespmem:$0x10];
	_ =	sdelay $0x4  }
0x45: {  	v49 =	vshll.u32 v3, $0x4  }
0x46: {  	v3 =	vand.u32 $0x7, v3;
	v4 =	vand.u32 $0xFFFFFF80, v49  }
0x47: {  	v3 =	vor.u32 v3, v4  }
0x48: {  	v4 =	vperm.xlane v3, v0;
	_ =	sdelay $0x1  }
0x49: {  	v4 =	vadd.s32 v1, v4;
	_ =	sdelay $0x3  }
0x4a: {  	s14 =	simm.s32 $0x8100  }
0x4b: {  	[tilespmem:s14], [sflag:$0x2] =	stream.indirect_vreg.gather [hbm4b:s4+s2], $0x80, v4, vm0, $0xb8;
	[tilespmem:$0x18100] =	vst v63  }
0x4c: {  	s20 =	simm.s32 $0x8900  }
0x4d: {  	[tilespmem:s20], [sflag:$0x2] =	stream.indirect_vreg.gather [hbm4b:s5+s2], $0x80, v4, vm0, $0xb8;
	[tilespmem:$0x18100] =	vst v63  }
0x4e: {  	s13 =	simm.s32 $0x9100  }
0x4f: {  	[tilespmem:s13], [sflag:$0x2] =	stream.indirect_vreg.gather [hbm4b:s6+s2], $0x80, v4, vm0, $0xb8;
	[tilespmem:$0x18100] =	vst v63  }
0x50: {  	s18 =	simm.s32 $0x9900  }
0x51: {  	[tilespmem:s18], [sflag:$0x2] =	stream.indirect_vreg.gather [hbm4b:s7+s2], $0x80, v4, vm0, $0xb8;
	[tilespmem:$0x18100] =	vst v63  }
0x52: {  	s20 =	simm.s32 $0xA100  }
0x53: {  	[tilespmem:s20], [sflag:$0x2] =	stream.indirect_vreg.gather [hbm4b:s8+s2], $0x80, v4, vm0, $0xb8;
	[tilespmem:$0x18100] =	vst v63  }
0x54: {  	v3 =	vperm.xlane v3, v2;
	s13 =	simm.s32 $0xA900  }
0x55: {  	[tilespmem:s13], [sflag:$0x2] =	stream.indirect_vreg.gather [hbm4b:s9+s2], $0x80, v4, vm0, $0xb8;
	[tilespmem:$0x18100] =	vst v63  }
0x56: {  	v3 =	vadd.s32 v1, v3;
	s18 =	simm.s32 $0xB100  }
0x57: {  	[tilespmem:s18], [sflag:$0x2] =	stream.indirect_vreg.gather [hbm4b:s10+s2], $0x80, v4, vm0, $0xb8;
	[tilespmem:$0x18100] =	vst v63  }
0x58: {  	s13 =	simm.s32 $0xB900  }
0x59: {  	[tilespmem:s13], [sflag:$0x2] =	stream.indirect_vreg.gather [hbm4b:s11+s2], $0x80, v4, vm0, $0xb8;
	[tilespmem:$0x18100] =	vst v63  }
0x5a: {  	s18 =	simm.s32 $0xC100  }
0x5b: {  	[tilespmem:s18], [sflag:$0x2] =	stream.indirect_vreg.gather [hbm4b:s4+s2], $0x80, v3, vm0, $0xb8;
	[tilespmem:$0x18100] =	vst v63  }
0x5c: {  	s13 =	simm.s32 $0xC900  }
0x5d: {  	[tilespmem:s13], [sflag:$0x2] =	stream.indirect_vreg.gather [hbm4b:s5+s2], $0x80, v3, vm0, $0xb8;
	[tilespmem:$0x18100] =	vst v63  }
0x5e: {  	s18 =	simm.s32 $0xD100  }
0x5f: {  	[tilespmem:s18], [sflag:$0x2] =	stream.indirect_vreg.gather [hbm4b:s6+s2], $0x80, v3, vm0, $0xb8;
	[tilespmem:$0x18100] =	vst v63  }
0x60: {  	s13 =	simm.s32 $0xD900  }
0x61: {  	[tilespmem:s13], [sflag:$0x2] =	stream.indirect_vreg.gather [hbm4b:s7+s2], $0x80, v3, vm0, $0xb8;
	[tilespmem:$0x18100] =	vst v63  }
0x62: {  	s18 =	simm.s32 $0xE100  }
0x63: {  	[tilespmem:s18], [sflag:$0x2] =	stream.indirect_vreg.gather [hbm4b:s8+s2], $0x80, v3, vm0, $0xb8;
	[tilespmem:$0x18100] =	vst v63  }
0x64: {  	s13 =	simm.s32 $0xE900  }
0x65: {  	[tilespmem:s13], [sflag:$0x2] =	stream.indirect_vreg.gather [hbm4b:s9+s2], $0x80, v3, vm0, $0xb8;
	[tilespmem:$0x18100] =	vst v63  }
0x66: {  	s18 =	simm.s32 $0xF100  }
0x67: {  	[tilespmem:s18], [sflag:$0x2] =	stream.indirect_vreg.gather [hbm4b:s10+s2], $0x80, v3, vm0, $0xb8;
	[tilespmem:$0x18100] =	vst v63  }
0x68: {  	s13 =	simm.s32 $0xF900  }
0x69: {  	[tilespmem:s13], [sflag:$0x2] =	stream.indirect_vreg.gather [hbm4b:s11+s2], $0x80, v3, vm0, $0xb8;
	[tilespmem:$0x18100] =	vst v63  }
0x6a: {  	v3 =	vld [tilespmem:$0x20];
	_ =	sdelay $0x4  }
0x6b: {  	v50 =	vshll.u32 v3, $0x4  }
0x6c: {  	v3 =	vand.u32 $0x7, v3;
	v4 =	vand.u32 $0xFFFFFF80, v50  }
0x6d: {  	v3 =	vor.u32 v3, v4  }
0x6e: {  	v4 =	vperm.xlane v3, v0;
	_ =	sdelay $0x1  }
0x6f: {  	v4 =	vadd.s32 v1, v4;
	_ =	sdelay $0x3  }
0x70: {  	s13 =	simm.s32 $0x10100  }
0x71: {  	[tilespmem:s13], [sflag:$0x3] =	stream.indirect_vreg.gather [hbm4b:s4+s2], $0x80, v4, vm0, $0xb8;
	[tilespmem:$0x18100] =	vst v63  }
0x72: {  	s14 =	simm.s32 $0x10900  }
0x73: {  	[tilespmem:s14], [sflag:$0x3] =	stream.indirect_vreg.gather [hbm4b:s5+s2], $0x80, v4, vm0, $0xb8;
	[tilespmem:$0x18100] =	vst v63  }
0x74: {  	s13 =	simm.s32 $0x11100  }
0x75: {  	[tilespmem:s13], [sflag:$0x3] =	stream.indirect_vreg.gather [hbm4b:s6+s2], $0x80, v4, vm0, $0xb8;
	[tilespmem:$0x18100] =	vst v63  }
0x76: {  	s14 =	simm.s32 $0x11900  }
0x77: {  	[tilespmem:s14], [sflag:$0x3] =	stream.indirect_vreg.gather [hbm4b:s7+s2], $0x80, v4, vm0, $0xb8;
	[tilespmem:$0x18100] =	vst v63  }
0x78: {  	s13 =	simm.s32 $0x12100  }
0x79: {  	[tilespmem:s13], [sflag:$0x3] =	stream.indirect_vreg.gather [hbm4b:s8+s2], $0x80, v4, vm0, $0xb8;
	[tilespmem:$0x18100] =	vst v63  }
0x7a: {  	v3 =	vperm.xlane v3, v2;
	s14 =	simm.s32 $0x12900  }
0x7b: {  	[tilespmem:s14], [sflag:$0x3] =	stream.indirect_vreg.gather [hbm4b:s9+s2], $0x80, v4, vm0, $0xb8;
	[tilespmem:$0x18100] =	vst v63  }
0x7c: {  	v3 =	vadd.s32 v1, v3;
	s13 =	simm.s32 $0x13100  }
0x7d: {  	[tilespmem:s13], [sflag:$0x3] =	stream.indirect_vreg.gather [hbm4b:s10+s2], $0x80, v4, vm0, $0xb8;
	[tilespmem:$0x18100] =	vst v63  }
0x7e: {  	s14 =	simm.s32 $0x13900  }
0x7f: {  	[tilespmem:s14], [sflag:$0x3] =	stream.indirect_vreg.gather [hbm4b:s11+s2], $0x80, v4, vm0, $0xb8;
	[tilespmem:$0x18100] =	vst v63  }
0x80: {  	s13 =	simm.s32 $0x14100  }
0x81: {  	[tilespmem:s13], [sflag:$0x3] =	stream.indirect_vreg.gather [hbm4b:s4+s2], $0x80, v3, vm0, $0xb8;
	[tilespmem:$0x18100] =	vst v63  }
0x82: {  	s14 =	simm.s32 $0x14900  }
0x83: {  	[tilespmem:s14], [sflag:$0x3] =	stream.indirect_vreg.gather [hbm4b:s5+s2], $0x80, v3, vm0, $0xb8;
	[tilespmem:$0x18100] =	vst v63  }
0x84: {  	s13 =	simm.s32 $0x15100  }
0x85: {  	[tilespmem:s13], [sflag:$0x3] =	stream.indirect_vreg.gather [hbm4b:s6+s2], $0x80, v3, vm0, $0xb8;
	[tilespmem:$0x18100] =	vst v63  }
0x86: {  	s14 =	simm.s32 $0x15900  }
0x87: {  	[tilespmem:s14], [sflag:$0x3] =	stream.indirect_vreg.gather [hbm4b:s7+s2], $0x80, v3, vm0, $0xb8;
	[tilespmem:$0x18100] =	vst v63  }
0x88: {  	s13 =	simm.s32 $0x16100  }
0x89: {  	[tilespmem:s13], [sflag:$0x3] =	stream.indirect_vreg.gather [hbm4b:s8+s2], $0x80, v3, vm0, $0xb8;
	[tilespmem:$0x18100] =	vst v63  }
0x8a: {  	s14 =	simm.s32 $0x16900  }
0x8b: {  	[tilespmem:s14], [sflag:$0x3] =	stream.indirect_vreg.gather [hbm4b:s9+s2], $0x80, v3, vm0, $0xb8;
	[tilespmem:$0x18100] =	vst v63  }
0x8c: {  	s13 =	simm.s32 $0x17100  }
0x8d: {  	[tilespmem:s13], [sflag:$0x3] =	stream.indirect_vreg.gather [hbm4b:s10+s2], $0x80, v3, vm0, $0xb8;
	[tilespmem:$0x18100] =	vst v63  }
0x8e: {  	s14 =	simm.s32 $0x17900  }
0x8f: {  	[tilespmem:s14], [sflag:$0x3] =	stream.indirect_vreg.gather [hbm4b:s11+s2], $0x80, v3, vm0, $0xb8;
	[tilespmem:$0x18100] =	vst v63  }
0x90: {  	_ =	swait.ge [sflag:s1], $0x8000  }
0x91: {  	[sflag:s1] =	ssyncset.done $0x0  }
0x92: {  	s13 =	rddreg [dreg:$0x13];
	[sflag:s1] =	ssyncadd.s32 $0xFFFF8000  }
0x93: {  	[hbm4b:s13+s2] =	stream.linear.scatter [tilespmem:s21], [sflag:$0x4], $0x8000, $0x38;
	[tilespmem:$0x18100] =	vst v63  }
0x94: {  	_ =	swait.ge [sflag:s0], $0x8000  }
0x95: {  	[sflag:s0] =	ssyncset.done $0x0  }
0x96: {  	[sflag:s0] =	ssyncadd.s32 $0xFFFF8000  }
0x97: {  	v3 =	vld [tilespmem:$0x30];
	_ =	sdelay $0x4  }
0x98: {  	v51 =	vshll.u32 v3, $0x4  }
0x99: {  	v3 =	vand.u32 $0x7, v3;
	v4 =	vand.u32 $0xFFFFFF80, v51  }
0x9a: {  	v3 =	vor.u32 v3, v4  }
0x9b: {  	v4 =	vperm.xlane v3, v0;
	_ =	sdelay $0x1  }
0x9c: {  	v4 =	vadd.s32 v1, v4;
	_ =	sdelay $0x4  }
0x9d: {  	[tilespmem:s21], [sflag:$0x1] =	stream.indirect_vreg.gather [hbm4b:s4+s2], $0x80, v4, vm0, $0xb8;
	[tilespmem:$0x18100] =	vst v63  }
0x9e: {  	s30 =	simm.s32 $0x900  }
0x9f: {  	[tilespmem:s30], [sflag:$0x1] =	stream.indirect_vreg.gather [hbm4b:s5+s2], $0x80, v4, vm0, $0xb8;
	[tilespmem:$0x18100] =	vst v63  }
0xa0: {  	s14 =	simm.s32 $0x1100  }
0xa1: {  	[tilespmem:s14], [sflag:$0x1] =	stream.indirect_vreg.gather [hbm4b:s6+s2], $0x80, v4, vm0, $0xb8;
	[tilespmem:$0x18100] =	vst v63  }
0xa2: {  	s18 =	simm.s32 $0x1900  }
0xa3: {  	[tilespmem:s18], [sflag:$0x1] =	stream.indirect_vreg.gather [hbm4b:s7+s2], $0x80, v4, vm0, $0xb8;
	[tilespmem:$0x18100] =	vst v63  }
0xa4: {  	s31 =	simm.s32 $0x2100  }
0xa5: {  	[tilespmem:s31], [sflag:$0x1] =	stream.indirect_vreg.gather [hbm4b:s8+s2], $0x80, v4, vm0, $0xb8;
	[tilespmem:$0x18100] =	vst v63  }
0xa6: {  	s3 =	simm.s32 $0x2900;
	v3 =	vperm.xlane v3, v2  }
0xa7: {  	[tilespmem:s3], [sflag:$0x1] =	stream.indirect_vreg.gather [hbm4b:s9+s2], $0x80, v4, vm0, $0xb8;
	[tilespmem:$0x18100] =	vst v63  }
0xa8: {  	v3 =	vadd.s32 v1, v3;
	s30 =	simm.s32 $0x3100  }
0xa9: {  	[tilespmem:s30], [sflag:$0x1] =	stream.indirect_vreg.gather [hbm4b:s10+s2], $0x80, v4, vm0, $0xb8;
	[tilespmem:$0x18100] =	vst v63  }
0xaa: {  	s31 =	simm.s32 $0x3900  }
0xab: {  	[tilespmem:s31], [sflag:$0x1] =	stream.indirect_vreg.gather [hbm4b:s11+s2], $0x80, v4, vm0, $0xb8;
	[tilespmem:$0x18100] =	vst v63  }
0xac: {  	s19 =	simm.s32 $0x4100  }
0xad: {  	[tilespmem:s19], [sflag:$0x1] =	stream.indirect_vreg.gather [hbm4b:s4+s2], $0x80, v3, vm0, $0xb8;
	[tilespmem:$0x18100] =	vst v63  }
0xae: {  	s23 =	simm.s32 $0x4900  }
0xaf: {  	[tilespmem:s23], [sflag:$0x1] =	stream.indirect_vreg.gather [hbm4b:s5+s2], $0x80, v3, vm0, $0xb8;
	[tilespmem:$0x18100] =	vst v63  }
0xb0: {  	s24 =	simm.s32 $0x5100  }
0xb1: {  	[tilespmem:s24], [sflag:$0x1] =	stream.indirect_vreg.gather [hbm4b:s6+s2], $0x80, v3, vm0, $0xb8;
	[tilespmem:$0x18100] =	vst v63  }
0xb2: {  	s25 =	simm.s32 $0x5900  }
0xb3: {  	[tilespmem:s25], [sflag:$0x1] =	stream.indirect_vreg.gather [hbm4b:s7+s2], $0x80, v3, vm0, $0xb8;
	[tilespmem:$0x18100] =	vst v63  }
0xb4: {  	s26 =	simm.s32 $0x6100  }
0xb5: {  	[tilespmem:s26], [sflag:$0x1] =	stream.indirect_vreg.gather [hbm4b:s8+s2], $0x80, v3, vm0, $0xb8;
	[tilespmem:$0x18100] =	vst v63  }
0xb6: {  	s28 =	simm.s32 $0x6900  }
0xb7: {  	[tilespmem:s28], [sflag:$0x1] =	stream.indirect_vreg.gather [hbm4b:s9+s2], $0x80, v3, vm0, $0xb8;
	[tilespmem:$0x18100] =	vst v63  }
0xb8: {  	s29 =	simm.s32 $0x7100  }
0xb9: {  	[tilespmem:s29], [sflag:$0x1] =	stream.indirect_vreg.gather [hbm4b:s10+s2], $0x80, v3, vm0, $0xb8;
	[tilespmem:$0x18100] =	vst v63  }
0xba: {  	s12 =	simm.s32 $0x7900  }
0xbb: {  	[tilespmem:s12], [sflag:$0x1] =	stream.indirect_vreg.gather [hbm4b:s11+s2], $0x80, v3, vm0, $0xb8;
	[tilespmem:$0x18100] =	vst v63  }
0xbc: {  	_ =	swait.ge [sflag:s22], $0x8000  }
0xbd: {  	[sflag:s22] =	ssyncset.done $0x0  }
0xbe: {  	s13 =	simm.s32 $0x8100;
	s12 =	rddreg [dreg:$0x4];
	[sflag:s22] =	ssyncadd.s32 $0xFFFF8000  }
0xbf: {  	[hbm4b:s12+s2] =	stream.linear.scatter [tilespmem:s13], [sflag:$0x5], $0x8000, $0x38;
	[tilespmem:$0x18100] =	vst v63  }
0xc0: {  	_ =	swait.ge [sflag:s15], $0x8000  }
0xc1: {  	[sflag:s15] =	ssyncset.done $0x0  }
0xc2: {  	[sflag:s15] =	ssyncadd.s32 $0xFFFF8000  }
0xc3: {  	v3 =	vld [tilespmem:$0x40];
	_ =	sdelay $0x4  }
0xc4: {  	v52 =	vshll.u32 v3, $0x4  }
0xc5: {  	v3 =	vand.u32 $0x7, v3;
	v4 =	vand.u32 $0xFFFFFF80, v52  }
0xc6: {  	v3 =	vor.u32 v3, v4  }
0xc7: {  	v4 =	vperm.xlane v3, v0;
	_ =	sdelay $0x1  }
0xc8: {  	v4 =	vadd.s32 v1, v4;
	_ =	sdelay $0x4  }
0xc9: {  	[tilespmem:s13], [sflag:$0x2] =	stream.indirect_vreg.gather [hbm4b:s4+s2], $0x80, v4, vm0, $0xb8;
	[tilespmem:$0x18100] =	vst v63  }
0xca: {  	s19 =	simm.s32 $0x8900  }
0xcb: {  	[tilespmem:s19], [sflag:$0x2] =	stream.indirect_vreg.gather [hbm4b:s5+s2], $0x80, v4, vm0, $0xb8;
	[tilespmem:$0x18100] =	vst v63  }
0xcc: {  	s23 =	simm.s32 $0x9100  }
0xcd: {  	[tilespmem:s23], [sflag:$0x2] =	stream.indirect_vreg.gather [hbm4b:s6+s2], $0x80, v4, vm0, $0xb8;
	[tilespmem:$0x18100] =	vst v63  }
0xce: {  	s24 =	simm.s32 $0x9900  }
0xcf: {  	[tilespmem:s24], [sflag:$0x2] =	stream.indirect_vreg.gather [hbm4b:s7+s2], $0x80, v4, vm0, $0xb8;
	[tilespmem:$0x18100] =	vst v63  }
0xd0: {  	s20 =	simm.s32 $0xA100  }
0xd1: {  	[tilespmem:s20], [sflag:$0x2] =	stream.indirect_vreg.gather [hbm4b:s8+s2], $0x80, v4, vm0, $0xb8;
	[tilespmem:$0x18100] =	vst v63  }
0xd2: {  	v3 =	vperm.xlane v3, v2;
	s13 =	simm.s32 $0xA900  }
0xd3: {  	[tilespmem:s13], [sflag:$0x2] =	stream.indirect_vreg.gather [hbm4b:s9+s2], $0x80, v4, vm0, $0xb8;
	[tilespmem:$0x18100] =	vst v63  }
0xd4: {  	s25 =	simm.s32 $0xB100;
	v3 =	vadd.s32 v1, v3  }
0xd5: {  	[tilespmem:s25], [sflag:$0x2] =	stream.indirect_vreg.gather [hbm4b:s10+s2], $0x80, v4, vm0, $0xb8;
	[tilespmem:$0x18100] =	vst v63  }
0xd6: {  	s26 =	simm.s32 $0xB900  }
0xd7: {  	[tilespmem:s26], [sflag:$0x2] =	stream.indirect_vreg.gather [hbm4b:s11+s2], $0x80, v4, vm0, $0xb8;
	[tilespmem:$0x18100] =	vst v63  }
0xd8: {  	s28 =	simm.s32 $0xC100  }
0xd9: {  	[tilespmem:s28], [sflag:$0x2] =	stream.indirect_vreg.gather [hbm4b:s4+s2], $0x80, v3, vm0, $0xb8;
	[tilespmem:$0x18100] =	vst v63  }
0xda: {  	s29 =	simm.s32 $0xC900  }
0xdb: {  	[tilespmem:s29], [sflag:$0x2] =	stream.indirect_vreg.gather [hbm4b:s5+s2], $0x80, v3, vm0, $0xb8;
	[tilespmem:$0x18100] =	vst v63  }
0xdc: {  	s30 =	simm.s32 $0xD100  }
0xdd: {  	[tilespmem:s30], [sflag:$0x2] =	stream.indirect_vreg.gather [hbm4b:s6+s2], $0x80, v3, vm0, $0xb8;
	[tilespmem:$0x18100] =	vst v63  }
0xde: {  	s31 =	simm.s32 $0xD900  }
0xdf: {  	[tilespmem:s31], [sflag:$0x2] =	stream.indirect_vreg.gather [hbm4b:s7+s2], $0x80, v3, vm0, $0xb8;
	[tilespmem:$0x18100] =	vst v63  }
0xe0: {  	s14 =	simm.s32 $0xE100  }
0xe1: {  	[tilespmem:s14], [sflag:$0x2] =	stream.indirect_vreg.gather [hbm4b:s8+s2], $0x80, v3, vm0, $0xb8;
	[tilespmem:$0x18100] =	vst v63  }
0xe2: {  	s12 =	simm.s32 $0xE900  }
0xe3: {  	[tilespmem:s12], [sflag:$0x2] =	stream.indirect_vreg.gather [hbm4b:s9+s2], $0x80, v3, vm0, $0xb8;
	[tilespmem:$0x18100] =	vst v63  }
0xe4: {  	s20 =	simm.s32 $0xF100  }
0xe5: {  	[tilespmem:s20], [sflag:$0x2] =	stream.indirect_vreg.gather [hbm4b:s10+s2], $0x80, v3, vm0, $0xb8;
	[tilespmem:$0x18100] =	vst v63  }
0xe6: {  	s14 =	simm.s32 $0xF900  }
0xe7: {  	[tilespmem:s14], [sflag:$0x2] =	stream.indirect_vreg.gather [hbm4b:s11+s2], $0x80, v3, vm0, $0xb8;
	[tilespmem:$0x18100] =	vst v63  }
0xe8: {  	_ =	swait.ge [sflag:s16], $0x8000  }
0xe9: {  	[sflag:s16] =	ssyncset.done $0x0  }
0xea: {  	s3 =	simm.s32 $0x10100;
	s18 =	rddreg [dreg:$0x5];
	[sflag:s16] =	ssyncadd.s32 $0xFFFF8000  }
0xeb: {  	[hbm4b:s18+s2] =	stream.linear.scatter [tilespmem:s3], [sflag:$0x6], $0x8000, $0x38;
	[tilespmem:$0x18100] =	vst v63  }
0xec: {  	_ =	swait.ge [sflag:s17], $0x8000  }
0xed: {  	[sflag:s17] =	ssyncset.done $0x0  }
0xee: {  	[sflag:s17] =	ssyncadd.s32 $0xFFFF8000  }
0xef: {  	v3 =	vld [tilespmem:$0x50];
	_ =	sdelay $0x4  }
0xf0: {  	v53 =	vshll.u32 v3, $0x4  }
0xf1: {  	v3 =	vand.u32 $0x7, v3;
	v4 =	vand.u32 $0xFFFFFF80, v53  }
0xf2: {  	v3 =	vor.u32 v3, v4  }
0xf3: {  	v4 =	vperm.xlane v3, v0;
	_ =	sdelay $0x1  }
0xf4: {  	v4 =	vadd.s32 v1, v4;
	_ =	sdelay $0x4  }
0xf5: {  	[tilespmem:s3], [sflag:$0x3] =	stream.indirect_vreg.gather [hbm4b:s4+s2], $0x80, v4, vm0, $0xb8;
	[tilespmem:$0x18100] =	vst v63  }
0xf6: {  	s18 =	simm.s32 $0x10900  }
0xf7: {  	[tilespmem:s18], [sflag:$0x3] =	stream.indirect_vreg.gather [hbm4b:s5+s2], $0x80, v4, vm0, $0xb8;
	[tilespmem:$0x18100] =	vst v63  }
0xf8: {  	s18 =	simm.s32 $0x11100  }
0xf9: {  	[tilespmem:s18], [sflag:$0x3] =	stream.indirect_vreg.gather [hbm4b:s6+s2], $0x80, v4, vm0, $0xb8;
	[tilespmem:$0x18100] =	vst v63  }
0xfa: {  	s18 =	simm.s32 $0x11900  }
0xfb: {  	[tilespmem:s18], [sflag:$0x3] =	stream.indirect_vreg.gather [hbm4b:s7+s2], $0x80, v4, vm0, $0xb8;
	[tilespmem:$0x18100] =	vst v63  }
0xfc: {  	s18 =	simm.s32 $0x12100  }
0xfd: {  	[tilespmem:s18], [sflag:$0x3] =	stream.indirect_vreg.gather [hbm4b:s8+s2], $0x80, v4, vm0, $0xb8;
	[tilespmem:$0x18100] =	vst v63  }
0xfe: {  	v3 =	vperm.xlane v3, v2;
	s18 =	simm.s32 $0x12900  }
0xff: {  	[tilespmem:s18], [sflag:$0x3] =	stream.indirect_vreg.gather [hbm4b:s9+s2], $0x80, v4, vm0, $0xb8;
	[tilespmem:$0x18100] =	vst v63  }
0x100: {  	v3 =	vadd.s32 v1, v3;
	s18 =	simm.s32 $0x13100  }
0x101: {  	[tilespmem:s18], [sflag:$0x3] =	stream.indirect_vreg.gather [hbm4b:s10+s2], $0x80, v4, vm0, $0xb8;
	[tilespmem:$0x18100] =	vst v63  }
0x102: {  	s18 =	simm.s32 $0x13900  }
0x103: {  	[tilespmem:s18], [sflag:$0x3] =	stream.indirect_vreg.gather [hbm4b:s11+s2], $0x80, v4, vm0, $0xb8;
	[tilespmem:$0x18100] =	vst v63  }
0x104: {  	s18 =	simm.s32 $0x14100  }
0x105: {  	[tilespmem:s18], [sflag:$0x3] =	stream.indirect_vreg.gather [hbm4b:s4+s2], $0x80, v3, vm0, $0xb8;
	[tilespmem:$0x18100] =	vst v63  }
0x106: {  	s18 =	simm.s32 $0x14900  }
0x107: {  	[tilespmem:s18], [sflag:$0x3] =	stream.indirect_vreg.gather [hbm4b:s5+s2], $0x80, v3, vm0, $0xb8;
	[tilespmem:$0x18100] =	vst v63  }
0x108: {  	s18 =	simm.s32 $0x15100  }
0x109: {  	[tilespmem:s18], [sflag:$0x3] =	stream.indirect_vreg.gather [hbm4b:s6+s2], $0x80, v3, vm0, $0xb8;
	[tilespmem:$0x18100] =	vst v63  }
0x10a: {  	s18 =	simm.s32 $0x15900  }
0x10b: {  	[tilespmem:s18], [sflag:$0x3] =	stream.indirect_vreg.gather [hbm4b:s7+s2], $0x80, v3, vm0, $0xb8;
	[tilespmem:$0x18100] =	vst v63  }
0x10c: {  	s18 =	simm.s32 $0x16100  }
0x10d: {  	[tilespmem:s18], [sflag:$0x3] =	stream.indirect_vreg.gather [hbm4b:s8+s2], $0x80, v3, vm0, $0xb8;
	[tilespmem:$0x18100] =	vst v63  }
0x10e: {  	s18 =	simm.s32 $0x16900  }
0x10f: {  	[tilespmem:s18], [sflag:$0x3] =	stream.indirect_vreg.gather [hbm4b:s9+s2], $0x80, v3, vm0, $0xb8;
	[tilespmem:$0x18100] =	vst v63  }
0x110: {  	s18 =	simm.s32 $0x17100  }
0x111: {  	[tilespmem:s18], [sflag:$0x3] =	stream.indirect_vreg.gather [hbm4b:s10+s2], $0x80, v3, vm0, $0xb8;
	[tilespmem:$0x18100] =	vst v63  }
0x112: {  	s18 =	simm.s32 $0x17900  }
0x113: {  	[tilespmem:s18], [sflag:$0x3] =	stream.indirect_vreg.gather [hbm4b:s11+s2], $0x80, v3, vm0, $0xb8;
	[tilespmem:$0x18100] =	vst v63  }
0x114: {  	_ =	swait.ge [sflag:s1], $0x8000  }
0x115: {  	[sflag:s1] =	ssyncset.done $0x0  }
0x116: {  	s3 =	rddreg [dreg:$0x6];
	[sflag:s1] =	ssyncadd.s32 $0xFFFF8000  }
0x117: {  	[hbm4b:s3+s2] =	stream.linear.scatter [tilespmem:s21], [sflag:$0x4], $0x8000, $0x38;
	[tilespmem:$0x18100] =	vst v63  }
0x118: {  	_ =	swait.ge [sflag:s0], $0x8000  }
0x119: {  	[sflag:s0] =	ssyncset.done $0x0  }
0x11a: {  	[sflag:s0] =	ssyncadd.s32 $0xFFFF8000  }
0x11b: {  	v3 =	vld [tilespmem:$0x60];
	_ =	sdelay $0x4  }
0x11c: {  	v54 =	vshll.u32 v3, $0x4  }
0x11d: {  	v3 =	vand.u32 $0x7, v3;
	v4 =	vand.u32 $0xFFFFFF80, v54  }
0x11e: {  	v3 =	vor.u32 v3, v4  }
0x11f: {  	v4 =	vperm.xlane v3, v0;
	_ =	sdelay $0x1  }
0x120: {  	v4 =	vadd.s32 v1, v4;
	_ =	sdelay $0x4  }
0x121: {  	[tilespmem:s21], [sflag:$0x1] =	stream.indirect_vreg.gather [hbm4b:s4+s2], $0x80, v4, vm0, $0xb8;
	[tilespmem:$0x18100] =	vst v63  }
0x122: {  	s18 =	simm.s32 $0x900  }
0x123: {  	[tilespmem:s18], [sflag:$0x1] =	stream.indirect_vreg.gather [hbm4b:s5+s2], $0x80, v4, vm0, $0xb8;
	[tilespmem:$0x18100] =	vst v63  }
0x124: {  	s18 =	simm.s32 $0x1100  }
0x125: {  	[tilespmem:s18], [sflag:$0x1] =	stream.indirect_vreg.gather [hbm4b:s6+s2], $0x80, v4, vm0, $0xb8;
	[tilespmem:$0x18100] =	vst v63  }
0x126: {  	s18 =	simm.s32 $0x1900  }
0x127: {  	[tilespmem:s18], [sflag:$0x1] =	stream.indirect_vreg.gather [hbm4b:s7+s2], $0x80, v4, vm0, $0xb8;
	[tilespmem:$0x18100] =	vst v63  }
0x128: {  	s18 =	simm.s32 $0x2100  }
0x129: {  	[tilespmem:s18], [sflag:$0x1] =	stream.indirect_vreg.gather [hbm4b:s8+s2], $0x80, v4, vm0, $0xb8;
	[tilespmem:$0x18100] =	vst v63  }
0x12a: {  	v3 =	vperm.xlane v3, v2;
	s18 =	simm.s32 $0x2900  }
0x12b: {  	[tilespmem:s18], [sflag:$0x1] =	stream.indirect_vreg.gather [hbm4b:s9+s2], $0x80, v4, vm0, $0xb8;
	[tilespmem:$0x18100] =	vst v63  }
0x12c: {  	v3 =	vadd.s32 v1, v3;
	s18 =	simm.s32 $0x3100  }
0x12d: {  	[tilespmem:s18], [sflag:$0x1] =	stream.indirect_vreg.gather [hbm4b:s10+s2], $0x80, v4, vm0, $0xb8;
	[tilespmem:$0x18100] =	vst v63  }
0x12e: {  	s18 =	simm.s32 $0x3900  }
0x12f: {  	[tilespmem:s18], [sflag:$0x1] =	stream.indirect_vreg.gather [hbm4b:s11+s2], $0x80, v4, vm0, $0xb8;
	[tilespmem:$0x18100] =	vst v63  }
0x130: {  	s18 =	simm.s32 $0x4100  }
0x131: {  	[tilespmem:s18], [sflag:$0x1] =	stream.indirect_vreg.gather [hbm4b:s4+s2], $0x80, v3, vm0, $0xb8;
	[tilespmem:$0x18100] =	vst v63  }
0x132: {  	s18 =	simm.s32 $0x4900  }
0x133: {  	[tilespmem:s18], [sflag:$0x1] =	stream.indirect_vreg.gather [hbm4b:s5+s2], $0x80, v3, vm0, $0xb8;
	[tilespmem:$0x18100] =	vst v63  }
0x134: {  	s18 =	simm.s32 $0x5100  }
0x135: {  	[tilespmem:s18], [sflag:$0x1] =	stream.indirect_vreg.gather [hbm4b:s6+s2], $0x80, v3, vm0, $0xb8;
	[tilespmem:$0x18100] =	vst v63  }
0x136: {  	s18 =	simm.s32 $0x5900  }
0x137: {  	[tilespmem:s18], [sflag:$0x1] =	stream.indirect_vreg.gather [hbm4b:s7+s2], $0x80, v3, vm0, $0xb8;
	[tilespmem:$0x18100] =	vst v63  }
0x138: {  	s18 =	simm.s32 $0x6100  }
0x139: {  	[tilespmem:s18], [sflag:$0x1] =	stream.indirect_vreg.gather [hbm4b:s8+s2], $0x80, v3, vm0, $0xb8;
	[tilespmem:$0x18100] =	vst v63  }
0x13a: {  	s18 =	simm.s32 $0x6900  }
0x13b: {  	[tilespmem:s18], [sflag:$0x1] =	stream.indirect_vreg.gather [hbm4b:s9+s2], $0x80, v3, vm0, $0xb8;
	[tilespmem:$0x18100] =	vst v63  }
0x13c: {  	s18 =	simm.s32 $0x7100  }
0x13d: {  	[tilespmem:s18], [sflag:$0x1] =	stream.indirect_vreg.gather [hbm4b:s10+s2], $0x80, v3, vm0, $0xb8;
	[tilespmem:$0x18100] =	vst v63  }
0x13e: {  	s18 =	simm.s32 $0x7900  }
0x13f: {  	[tilespmem:s18], [sflag:$0x1] =	stream.indirect_vreg.gather [hbm4b:s11+s2], $0x80, v3, vm0, $0xb8;
	[tilespmem:$0x18100] =	vst v63  }
0x140: {  	_ =	swait.ge [sflag:s22], $0x8000  }
0x141: {  	[sflag:s22] =	ssyncset.done $0x0  }
0x142: {  	s3 =	simm.s32 $0x8100;
	s18 =	rddreg [dreg:$0x7];
	[sflag:s22] =	ssyncadd.s32 $0xFFFF8000  }
0x143: {  	[hbm4b:s18+s2] =	stream.linear.scatter [tilespmem:s3], [sflag:$0x5], $0x8000, $0x38;
	[tilespmem:$0x18100] =	vst v63  }
0x144: {  	_ =	swait.ge [sflag:s15], $0x8000  }
0x145: {  	[sflag:s15] =	ssyncset.done $0x0  }
0x146: {  	[sflag:s15] =	ssyncadd.s32 $0xFFFF8000  }
0x147: {  	v3 =	vld [tilespmem:$0x70];
	_ =	sdelay $0x4  }
0x148: {  	v55 =	vshll.u32 v3, $0x4  }
0x149: {  	v3 =	vand.u32 $0x7, v3;
	v4 =	vand.u32 $0xFFFFFF80, v55  }
0x14a: {  	v3 =	vor.u32 v3, v4  }
0x14b: {  	v4 =	vperm.xlane v3, v0;
	_ =	sdelay $0x1  }
0x14c: {  	v4 =	vadd.s32 v1, v4;
	_ =	sdelay $0x4  }
0x14d: {  	[tilespmem:s3], [sflag:$0x2] =	stream.indirect_vreg.gather [hbm4b:s4+s2], $0x80, v4, vm0, $0xb8;
	[tilespmem:$0x18100] =	vst v63  }
0x14e: {  	_ = 	snop  }
0x14f: {  	[tilespmem:s19], [sflag:$0x2] =	stream.indirect_vreg.gather [hbm4b:s5+s2], $0x80, v4, vm0, $0xb8;
	[tilespmem:$0x18100] =	vst v63  }
0x150: {  	_ = 	snop  }
0x151: {  	[tilespmem:s23], [sflag:$0x2] =	stream.indirect_vreg.gather [hbm4b:s6+s2], $0x80, v4, vm0, $0xb8;
	[tilespmem:$0x18100] =	vst v63  }
0x152: {  	_ = 	snop  }
0x153: {  	[tilespmem:s24], [sflag:$0x2] =	stream.indirect_vreg.gather [hbm4b:s7+s2], $0x80, v4, vm0, $0xb8;
	[tilespmem:$0x18100] =	vst v63  }
0x154: {  	s19 =	simm.s32 $0xA100  }
0x155: {  	[tilespmem:s19], [sflag:$0x2] =	stream.indirect_vreg.gather [hbm4b:s8+s2], $0x80, v4, vm0, $0xb8;
	[tilespmem:$0x18100] =	vst v63  }
0x156: {  	v3 =	vperm.xlane v3, v2  }
0x157: {  	[tilespmem:s13], [sflag:$0x2] =	stream.indirect_vreg.gather [hbm4b:s9+s2], $0x80, v4, vm0, $0xb8;
	[tilespmem:$0x18100] =	vst v63  }
0x158: {  	v3 =	vadd.s32 v1, v3  }
0x159: {  	[tilespmem:s25], [sflag:$0x2] =	stream.indirect_vreg.gather [hbm4b:s10+s2], $0x80, v4, vm0, $0xb8;
	[tilespmem:$0x18100] =	vst v63  }
0x15a: {  	_ = 	snop  }
0x15b: {  	[tilespmem:s26], [sflag:$0x2] =	stream.indirect_vreg.gather [hbm4b:s11+s2], $0x80, v4, vm0, $0xb8;
	[tilespmem:$0x18100] =	vst v63  }
0x15c: {  	_ = 	snop  }
0x15d: {  	[tilespmem:s28], [sflag:$0x2] =	stream.indirect_vreg.gather [hbm4b:s4+s2], $0x80, v3, vm0, $0xb8;
	[tilespmem:$0x18100] =	vst v63  }
0x15e: {  	_ = 	snop  }
0x15f: {  	[tilespmem:s29], [sflag:$0x2] =	stream.indirect_vreg.gather [hbm4b:s5+s2], $0x80, v3, vm0, $0xb8;
	[tilespmem:$0x18100] =	vst v63  }
0x160: {  	_ = 	snop  }
0x161: {  	[tilespmem:s30], [sflag:$0x2] =	stream.indirect_vreg.gather [hbm4b:s6+s2], $0x80, v3, vm0, $0xb8;
	[tilespmem:$0x18100] =	vst v63  }
0x162: {  	_ = 	snop  }
0x163: {  	[tilespmem:s31], [sflag:$0x2] =	stream.indirect_vreg.gather [hbm4b:s7+s2], $0x80, v3, vm0, $0xb8;
	[tilespmem:$0x18100] =	vst v63  }
0x164: {  	s28 =	simm.s32 $0xE100  }
0x165: {  	[tilespmem:s28], [sflag:$0x2] =	stream.indirect_vreg.gather [hbm4b:s8+s2], $0x80, v3, vm0, $0xb8;
	[tilespmem:$0x18100] =	vst v63  }
0x166: {  	_ = 	snop  }
0x167: {  	[tilespmem:s12], [sflag:$0x2] =	stream.indirect_vreg.gather [hbm4b:s9+s2], $0x80, v3, vm0, $0xb8;
	[tilespmem:$0x18100] =	vst v63  }
0x168: {  	_ = 	snop  }
0x169: {  	[tilespmem:s20], [sflag:$0x2] =	stream.indirect_vreg.gather [hbm4b:s10+s2], $0x80, v3, vm0, $0xb8;
	[tilespmem:$0x18100] =	vst v63  }
0x16a: {  	_ = 	snop  }
0x16b: {  	[tilespmem:s14], [sflag:$0x2] =	stream.indirect_vreg.gather [hbm4b:s11+s2], $0x80, v3, vm0, $0xb8;
	[tilespmem:$0x18100] =	vst v63  }
0x16c: {  	_ =	swait.ge [sflag:s16], $0x8000  }
0x16d: {  	[sflag:s16] =	ssyncset.done $0x0  }
0x16e: {  	s30 =	simm.s32 $0x10100;
	s29 =	rddreg [dreg:$0x8];
	[sflag:s16] =	ssyncadd.s32 $0xFFFF8000  }
0x16f: {  	[hbm4b:s29+s2] =	stream.linear.scatter [tilespmem:s30], [sflag:$0x6], $0x8000, $0x38;
	[tilespmem:$0x18100] =	vst v63  }
0x170: {  	_ =	swait.ge [sflag:s17], $0x8000  }
0x171: {  	[sflag:s17] =	ssyncset.done $0x0  }
0x172: {  	[sflag:s17] =	ssyncadd.s32 $0xFFFF8000  }
0x173: {  	v3 =	vld [tilespmem:$0x80];
	_ =	sdelay $0x4  }
0x174: {  	v56 =	vshll.u32 v3, $0x4  }
0x175: {  	v3 =	vand.u32 $0x7, v3;
	v4 =	vand.u32 $0xFFFFFF80, v56  }
0x176: {  	v3 =	vor.u32 v3, v4  }
0x177: {  	v4 =	vperm.xlane v3, v0;
	_ =	sdelay $0x1  }
0x178: {  	v4 =	vadd.s32 v1, v4;
	_ =	sdelay $0x4  }
0x179: {  	[tilespmem:s30], [sflag:$0x3] =	stream.indirect_vreg.gather [hbm4b:s4+s2], $0x80, v4, vm0, $0xb8;
	[tilespmem:$0x18100] =	vst v63  }
0x17a: {  	s14 =	simm.s32 $0x10900  }
0x17b: {  	[tilespmem:s14], [sflag:$0x3] =	stream.indirect_vreg.gather [hbm4b:s5+s2], $0x80, v4, vm0, $0xb8;
	[tilespmem:$0x18100] =	vst v63  }
0x17c: {  	s31 =	simm.s32 $0x11100  }
0x17d: {  	[tilespmem:s31], [sflag:$0x3] =	stream.indirect_vreg.gather [hbm4b:s6+s2], $0x80, v4, vm0, $0xb8;
	[tilespmem:$0x18100] =	vst v63  }
0x17e: {  	s18 =	simm.s32 $0x11900  }
0x17f: {  	[tilespmem:s18], [sflag:$0x3] =	stream.indirect_vreg.gather [hbm4b:s7+s2], $0x80, v4, vm0, $0xb8;
	[tilespmem:$0x18100] =	vst v63  }
0x180: {  	s20 =	simm.s32 $0x12100  }
0x181: {  	[tilespmem:s20], [sflag:$0x3] =	stream.indirect_vreg.gather [hbm4b:s8+s2], $0x80, v4, vm0, $0xb8;
	[tilespmem:$0x18100] =	vst v63  }
0x182: {  	s23 =	simm.s32 $0x12900;
	v3 =	vperm.xlane v3, v2  }
0x183: {  	[tilespmem:s23], [sflag:$0x3] =	stream.indirect_vreg.gather [hbm4b:s9+s2], $0x80, v4, vm0, $0xb8;
	[tilespmem:$0x18100] =	vst v63  }
0x184: {  	s24 =	simm.s32 $0x13100;
	v3 =	vadd.s32 v1, v3  }
0x185: {  	[tilespmem:s24], [sflag:$0x3] =	stream.indirect_vreg.gather [hbm4b:s10+s2], $0x80, v4, vm0, $0xb8;
	[tilespmem:$0x18100] =	vst v63  }
0x186: {  	s25 =	simm.s32 $0x13900  }
0x187: {  	[tilespmem:s25], [sflag:$0x3] =	stream.indirect_vreg.gather [hbm4b:s11+s2], $0x80, v4, vm0, $0xb8;
	[tilespmem:$0x18100] =	vst v63  }
0x188: {  	s26 =	simm.s32 $0x14100  }
0x189: {  	[tilespmem:s26], [sflag:$0x3] =	stream.indirect_vreg.gather [hbm4b:s4+s2], $0x80, v3, vm0, $0xb8;
	[tilespmem:$0x18100] =	vst v63  }
0x18a: {  	s28 =	simm.s32 $0x14900  }
0x18b: {  	[tilespmem:s28], [sflag:$0x3] =	stream.indirect_vreg.gather [hbm4b:s5+s2], $0x80, v3, vm0, $0xb8;
	[tilespmem:$0x18100] =	vst v63  }
0x18c: {  	s29 =	simm.s32 $0x15100  }
0x18d: {  	[tilespmem:s29], [sflag:$0x3] =	stream.indirect_vreg.gather [hbm4b:s6+s2], $0x80, v3, vm0, $0xb8;
	[tilespmem:$0x18100] =	vst v63  }
0x18e: {  	s30 =	simm.s32 $0x15900  }
0x18f: {  	[tilespmem:s30], [sflag:$0x3] =	stream.indirect_vreg.gather [hbm4b:s7+s2], $0x80, v3, vm0, $0xb8;
	[tilespmem:$0x18100] =	vst v63  }
0x190: {  	s31 =	simm.s32 $0x16100  }
0x191: {  	[tilespmem:s31], [sflag:$0x3] =	stream.indirect_vreg.gather [hbm4b:s8+s2], $0x80, v3, vm0, $0xb8;
	[tilespmem:$0x18100] =	vst v63  }
0x192: {  	s18 =	simm.s32 $0x16900  }
0x193: {  	[tilespmem:s18], [sflag:$0x3] =	stream.indirect_vreg.gather [hbm4b:s9+s2], $0x80, v3, vm0, $0xb8;
	[tilespmem:$0x18100] =	vst v63  }
0x194: {  	s20 =	simm.s32 $0x17100  }
0x195: {  	[tilespmem:s20], [sflag:$0x3] =	stream.indirect_vreg.gather [hbm4b:s10+s2], $0x80, v3, vm0, $0xb8;
	[tilespmem:$0x18100] =	vst v63  }
0x196: {  	s23 =	simm.s32 $0x17900  }
0x197: {  	[tilespmem:s23], [sflag:$0x3] =	stream.indirect_vreg.gather [hbm4b:s11+s2], $0x80, v3, vm0, $0xb8;
	[tilespmem:$0x18100] =	vst v63  }
0x198: {  	_ =	swait.ge [sflag:s1], $0x8000  }
0x199: {  	[sflag:s1] =	ssyncset.done $0x0  }
0x19a: {  	s24 =	rddreg [dreg:$0x9];
	[sflag:s1] =	ssyncadd.s32 $0xFFFF8000  }
0x19b: {  	[hbm4b:s24+s2] =	stream.linear.scatter [tilespmem:s21], [sflag:$0x4], $0x8000, $0x38;
	[tilespmem:$0x18100] =	vst v63  }
0x19c: {  	_ =	swait.ge [sflag:s0], $0x8000  }
0x19d: {  	[sflag:s0] =	ssyncset.done $0x0  }
0x19e: {  	[sflag:s0] =	ssyncadd.s32 $0xFFFF8000  }
0x19f: {  	v3 =	vld [tilespmem:$0x90];
	_ =	sdelay $0x4  }
0x1a0: {  	v57 =	vshll.u32 v3, $0x4  }
0x1a1: {  	v3 =	vand.u32 $0x7, v3;
	v4 =	vand.u32 $0xFFFFFF80, v57  }
0x1a2: {  	v3 =	vor.u32 v3, v4  }
0x1a3: {  	v4 =	vperm.xlane v3, v0;
	_ =	sdelay $0x1  }
0x1a4: {  	v4 =	vadd.s32 v1, v4;
	_ =	sdelay $0x4  }
0x1a5: {  	[tilespmem:s21], [sflag:$0x1] =	stream.indirect_vreg.gather [hbm4b:s4+s2], $0x80, v4, vm0, $0xb8;
	[tilespmem:$0x18100] =	vst v63  }
0x1a6: {  	s20 =	simm.s32 $0x900  }
0x1a7: {  	[tilespmem:s20], [sflag:$0x1] =	stream.indirect_vreg.gather [hbm4b:s5+s2], $0x80, v4, vm0, $0xb8;
	[tilespmem:$0x18100] =	vst v63  }
0x1a8: {  	s25 =	simm.s32 $0x1100  }
0x1a9: {  	[tilespmem:s25], [sflag:$0x1] =	stream.indirect_vreg.gather [hbm4b:s6+s2], $0x80, v4, vm0, $0xb8;
	[tilespmem:$0x18100] =	vst v63  }
0x1aa: {  	s13 =	simm.s32 $0x1900  }
0x1ab: {  	[tilespmem:s13], [sflag:$0x1] =	stream.indirect_vreg.gather [hbm4b:s7+s2], $0x80, v4, vm0, $0xb8;
	[tilespmem:$0x18100] =	vst v63  }
0x1ac: {  	s30 =	simm.s32 $0x2100  }
0x1ad: {  	[tilespmem:s30], [sflag:$0x1] =	stream.indirect_vreg.gather [hbm4b:s8+s2], $0x80, v4, vm0, $0xb8;
	[tilespmem:$0x18100] =	vst v63  }
0x1ae: {  	s31 =	simm.s32 $0x2900;
	v3 =	vperm.xlane v3, v2  }
0x1af: {  	[tilespmem:s31], [sflag:$0x1] =	stream.indirect_vreg.gather [hbm4b:s9+s2], $0x80, v4, vm0, $0xb8;
	[tilespmem:$0x18100] =	vst v63  }
0x1b0: {  	s26 =	simm.s32 $0x3100;
	v3 =	vadd.s32 v1, v3  }
0x1b1: {  	[tilespmem:s26], [sflag:$0x1] =	stream.indirect_vreg.gather [hbm4b:s10+s2], $0x80, v4, vm0, $0xb8;
	[tilespmem:$0x18100] =	vst v63  }
0x1b2: {  	s28 =	simm.s32 $0x3900  }
0x1b3: {  	[tilespmem:s28], [sflag:$0x1] =	stream.indirect_vreg.gather [hbm4b:s11+s2], $0x80, v4, vm0, $0xb8;
	[tilespmem:$0x18100] =	vst v63  }
0x1b4: {  	s29 =	simm.s32 $0x4100  }
0x1b5: {  	[tilespmem:s29], [sflag:$0x1] =	stream.indirect_vreg.gather [hbm4b:s4+s2], $0x80, v3, vm0, $0xb8;
	[tilespmem:$0x18100] =	vst v63  }
0x1b6: {  	s23 =	simm.s32 $0x4900  }
0x1b7: {  	[tilespmem:s23], [sflag:$0x1] =	stream.indirect_vreg.gather [hbm4b:s5+s2], $0x80, v3, vm0, $0xb8;
	[tilespmem:$0x18100] =	vst v63  }
0x1b8: {  	s24 =	simm.s32 $0x5100  }
0x1b9: {  	[tilespmem:s24], [sflag:$0x1] =	stream.indirect_vreg.gather [hbm4b:s6+s2], $0x80, v3, vm0, $0xb8;
	[tilespmem:$0x18100] =	vst v63  }
0x1ba: {  	s25 =	simm.s32 $0x5900  }
0x1bb: {  	[tilespmem:s25], [sflag:$0x1] =	stream.indirect_vreg.gather [hbm4b:s7+s2], $0x80, v3, vm0, $0xb8;
	[tilespmem:$0x18100] =	vst v63  }
0x1bc: {  	s26 =	simm.s32 $0x6100  }
0x1bd: {  	[tilespmem:s26], [sflag:$0x1] =	stream.indirect_vreg.gather [hbm4b:s8+s2], $0x80, v3, vm0, $0xb8;
	[tilespmem:$0x18100] =	vst v63  }
0x1be: {  	s28 =	simm.s32 $0x6900  }
0x1bf: {  	[tilespmem:s28], [sflag:$0x1] =	stream.indirect_vreg.gather [hbm4b:s9+s2], $0x80, v3, vm0, $0xb8;
	[tilespmem:$0x18100] =	vst v63  }
0x1c0: {  	s29 =	simm.s32 $0x7100  }
0x1c1: {  	[tilespmem:s29], [sflag:$0x1] =	stream.indirect_vreg.gather [hbm4b:s10+s2], $0x80, v3, vm0, $0xb8;
	[tilespmem:$0x18100] =	vst v63  }
0x1c2: {  	s18 =	simm.s32 $0x7900  }
0x1c3: {  	[tilespmem:s18], [sflag:$0x1] =	stream.indirect_vreg.gather [hbm4b:s11+s2], $0x80, v3, vm0, $0xb8;
	[tilespmem:$0x18100] =	vst v63  }
0x1c4: {  	_ =	swait.ge [sflag:s22], $0x8000  }
0x1c5: {  	[sflag:s22] =	ssyncset.done $0x0  }
0x1c6: {  	s3 =	simm.s32 $0x8100;
	s18 =	rddreg [dreg:$0xa];
	[sflag:s22] =	ssyncadd.s32 $0xFFFF8000  }
0x1c7: {  	[hbm4b:s18+s2] =	stream.linear.scatter [tilespmem:s3], [sflag:$0x5], $0x8000, $0x38;
	[tilespmem:$0x18100] =	vst v63  }
0x1c8: {  	_ =	swait.ge [sflag:s15], $0x8000  }
0x1c9: {  	[sflag:s15] =	ssyncset.done $0x0  }
0x1ca: {  	[sflag:s15] =	ssyncadd.s32 $0xFFFF8000  }
0x1cb: {  	v3 =	vld [tilespmem:$0xA0];
	_ =	sdelay $0x4  }
0x1cc: {  	v58 =	vshll.u32 v3, $0x4  }
0x1cd: {  	v3 =	vand.u32 $0x7, v3;
	v4 =	vand.u32 $0xFFFFFF80, v58  }
0x1ce: {  	v3 =	vor.u32 v3, v4  }
0x1cf: {  	v4 =	vperm.xlane v3, v0;
	_ =	sdelay $0x1  }
0x1d0: {  	v4 =	vadd.s32 v1, v4;
	_ =	sdelay $0x4  }
0x1d1: {  	[tilespmem:s3], [sflag:$0x2] =	stream.indirect_vreg.gather [hbm4b:s4+s2], $0x80, v4, vm0, $0xb8;
	[tilespmem:$0x18100] =	vst v63  }
0x1d2: {  	s18 =	simm.s32 $0x8900  }
0x1d3: {  	[tilespmem:s18], [sflag:$0x2] =	stream.indirect_vreg.gather [hbm4b:s5+s2], $0x80, v4, vm0, $0xb8;
	[tilespmem:$0x18100] =	vst v63  }
0x1d4: {  	s18 =	simm.s32 $0x9100  }
0x1d5: {  	[tilespmem:s18], [sflag:$0x2] =	stream.indirect_vreg.gather [hbm4b:s6+s2], $0x80, v4, vm0, $0xb8;
	[tilespmem:$0x18100] =	vst v63  }
0x1d6: {  	s18 =	simm.s32 $0x9900  }
0x1d7: {  	[tilespmem:s18], [sflag:$0x2] =	stream.indirect_vreg.gather [hbm4b:s7+s2], $0x80, v4, vm0, $0xb8;
	[tilespmem:$0x18100] =	vst v63  }
0x1d8: {  	_ = 	snop  }
0x1d9: {  	[tilespmem:s19], [sflag:$0x2] =	stream.indirect_vreg.gather [hbm4b:s8+s2], $0x80, v4, vm0, $0xb8;
	[tilespmem:$0x18100] =	vst v63  }
0x1da: {  	v3 =	vperm.xlane v3, v2;
	s19 =	simm.s32 $0xA900  }
0x1db: {  	[tilespmem:s19], [sflag:$0x2] =	stream.indirect_vreg.gather [hbm4b:s9+s2], $0x80, v4, vm0, $0xb8;
	[tilespmem:$0x18100] =	vst v63  }
0x1dc: {  	v3 =	vadd.s32 v1, v3;
	s18 =	simm.s32 $0xB100  }
0x1dd: {  	[tilespmem:s18], [sflag:$0x2] =	stream.indirect_vreg.gather [hbm4b:s10+s2], $0x80, v4, vm0, $0xb8;
	[tilespmem:$0x18100] =	vst v63  }
0x1de: {  	s19 =	simm.s32 $0xB900  }
0x1df: {  	[tilespmem:s19], [sflag:$0x2] =	stream.indirect_vreg.gather [hbm4b:s11+s2], $0x80, v4, vm0, $0xb8;
	[tilespmem:$0x18100] =	vst v63  }
0x1e0: {  	s18 =	simm.s32 $0xC100  }
0x1e1: {  	[tilespmem:s18], [sflag:$0x2] =	stream.indirect_vreg.gather [hbm4b:s4+s2], $0x80, v3, vm0, $0xb8;
	[tilespmem:$0x18100] =	vst v63  }
0x1e2: {  	s19 =	simm.s32 $0xC900  }
0x1e3: {  	[tilespmem:s19], [sflag:$0x2] =	stream.indirect_vreg.gather [hbm4b:s5+s2], $0x80, v3, vm0, $0xb8;
	[tilespmem:$0x18100] =	vst v63  }
0x1e4: {  	s18 =	simm.s32 $0xD100  }
0x1e5: {  	[tilespmem:s18], [sflag:$0x2] =	stream.indirect_vreg.gather [hbm4b:s6+s2], $0x80, v3, vm0, $0xb8;
	[tilespmem:$0x18100] =	vst v63  }
0x1e6: {  	s19 =	simm.s32 $0xD900  }
0x1e7: {  	[tilespmem:s19], [sflag:$0x2] =	stream.indirect_vreg.gather [hbm4b:s7+s2], $0x80, v3, vm0, $0xb8;
	[tilespmem:$0x18100] =	vst v63  }
0x1e8: {  	s18 =	simm.s32 $0xE100  }
0x1e9: {  	[tilespmem:s18], [sflag:$0x2] =	stream.indirect_vreg.gather [hbm4b:s8+s2], $0x80, v3, vm0, $0xb8;
	[tilespmem:$0x18100] =	vst v63  }
0x1ea: {  	s19 =	simm.s32 $0xE900  }
0x1eb: {  	[tilespmem:s19], [sflag:$0x2] =	stream.indirect_vreg.gather [hbm4b:s9+s2], $0x80, v3, vm0, $0xb8;
	[tilespmem:$0x18100] =	vst v63  }
0x1ec: {  	s18 =	simm.s32 $0xF100  }
0x1ed: {  	[tilespmem:s18], [sflag:$0x2] =	stream.indirect_vreg.gather [hbm4b:s10+s2], $0x80, v3, vm0, $0xb8;
	[tilespmem:$0x18100] =	vst v63  }
0x1ee: {  	s19 =	simm.s32 $0xF900  }
0x1ef: {  	[tilespmem:s19], [sflag:$0x2] =	stream.indirect_vreg.gather [hbm4b:s11+s2], $0x80, v3, vm0, $0xb8;
	[tilespmem:$0x18100] =	vst v63  }
0x1f0: {  	_ =	swait.ge [sflag:s16], $0x8000  }
0x1f1: {  	[sflag:s16] =	ssyncset.done $0x0  }
0x1f2: {  	s12 =	simm.s32 $0x10100;
	s3 =	rddreg [dreg:$0xb];
	[sflag:s16] =	ssyncadd.s32 $0xFFFF8000  }
0x1f3: {  	[hbm4b:s3+s2] =	stream.linear.scatter [tilespmem:s12], [sflag:$0x6], $0x8000, $0x38;
	[tilespmem:$0x18100] =	vst v63  }
0x1f4: {  	_ =	swait.ge [sflag:s17], $0x8000  }
0x1f5: {  	[sflag:s17] =	ssyncset.done $0x0  }
0x1f6: {  	[sflag:s17] =	ssyncadd.s32 $0xFFFF8000  }
0x1f7: {  	v3 =	vld [tilespmem:$0xB0];
	_ =	sdelay $0x4  }
0x1f8: {  	v59 =	vshll.u32 v3, $0x4  }
0x1f9: {  	v3 =	vand.u32 $0x7, v3;
	v4 =	vand.u32 $0xFFFFFF80, v59  }
0x1fa: {  	v3 =	vor.u32 v3, v4  }
0x1fb: {  	v4 =	vperm.xlane v3, v0;
	_ =	sdelay $0x1  }
0x1fc: {  	v4 =	vadd.s32 v1, v4;
	_ =	sdelay $0x4  }
0x1fd: {  	[tilespmem:s12], [sflag:$0x3] =	stream.indirect_vreg.gather [hbm4b:s4+s2], $0x80, v4, vm0, $0xb8;
	[tilespmem:$0x18100] =	vst v63  }
0x1fe: {  	_ = 	snop  }
0x1ff: {  	[tilespmem:s14], [sflag:$0x3] =	stream.indirect_vreg.gather [hbm4b:s5+s2], $0x80, v4, vm0, $0xb8;
	[tilespmem:$0x18100] =	vst v63  }
0x200: {  	s19 =	simm.s32 $0x11100  }
0x201: {  	[tilespmem:s19], [sflag:$0x3] =	stream.indirect_vreg.gather [hbm4b:s6+s2], $0x80, v4, vm0, $0xb8;
	[tilespmem:$0x18100] =	vst v63  }
0x202: {  	s12 =	simm.s32 $0x11900  }
0x203: {  	[tilespmem:s12], [sflag:$0x3] =	stream.indirect_vreg.gather [hbm4b:s7+s2], $0x80, v4, vm0, $0xb8;
	[tilespmem:$0x18100] =	vst v63  }
0x204: {  	s14 =	simm.s32 $0x12100  }
0x205: {  	[tilespmem:s14], [sflag:$0x3] =	stream.indirect_vreg.gather [hbm4b:s8+s2], $0x80, v4, vm0, $0xb8;
	[tilespmem:$0x18100] =	vst v63  }
0x206: {  	s18 =	simm.s32 $0x12900;
	v3 =	vperm.xlane v3, v2  }
0x207: {  	[tilespmem:s18], [sflag:$0x3] =	stream.indirect_vreg.gather [hbm4b:s9+s2], $0x80, v4, vm0, $0xb8;
	[tilespmem:$0x18100] =	vst v63  }
0x208: {  	v3 =	vadd.s32 v1, v3;
	s19 =	simm.s32 $0x13100  }
0x209: {  	[tilespmem:s19], [sflag:$0x3] =	stream.indirect_vreg.gather [hbm4b:s10+s2], $0x80, v4, vm0, $0xb8;
	[tilespmem:$0x18100] =	vst v63  }
0x20a: {  	s12 =	simm.s32 $0x13900  }
0x20b: {  	[tilespmem:s12], [sflag:$0x3] =	stream.indirect_vreg.gather [hbm4b:s11+s2], $0x80, v4, vm0, $0xb8;
	[tilespmem:$0x18100] =	vst v63  }
0x20c: {  	s14 =	simm.s32 $0x14100  }
0x20d: {  	[tilespmem:s14], [sflag:$0x3] =	stream.indirect_vreg.gather [hbm4b:s4+s2], $0x80, v3, vm0, $0xb8;
	[tilespmem:$0x18100] =	vst v63  }
0x20e: {  	s18 =	simm.s32 $0x14900  }
0x20f: {  	[tilespmem:s18], [sflag:$0x3] =	stream.indirect_vreg.gather [hbm4b:s5+s2], $0x80, v3, vm0, $0xb8;
	[tilespmem:$0x18100] =	vst v63  }
0x210: {  	s19 =	simm.s32 $0x15100  }
0x211: {  	[tilespmem:s19], [sflag:$0x3] =	stream.indirect_vreg.gather [hbm4b:s6+s2], $0x80, v3, vm0, $0xb8;
	[tilespmem:$0x18100] =	vst v63  }
0x212: {  	s12 =	simm.s32 $0x15900  }
0x213: {  	[tilespmem:s12], [sflag:$0x3] =	stream.indirect_vreg.gather [hbm4b:s7+s2], $0x80, v3, vm0, $0xb8;
	[tilespmem:$0x18100] =	vst v63  }
0x214: {  	s14 =	simm.s32 $0x16100  }
0x215: {  	[tilespmem:s14], [sflag:$0x3] =	stream.indirect_vreg.gather [hbm4b:s8+s2], $0x80, v3, vm0, $0xb8;
	[tilespmem:$0x18100] =	vst v63  }
0x216: {  	s18 =	simm.s32 $0x16900  }
0x217: {  	[tilespmem:s18], [sflag:$0x3] =	stream.indirect_vreg.gather [hbm4b:s9+s2], $0x80, v3, vm0, $0xb8;
	[tilespmem:$0x18100] =	vst v63  }
0x218: {  	s19 =	simm.s32 $0x17100  }
0x219: {  	[tilespmem:s19], [sflag:$0x3] =	stream.indirect_vreg.gather [hbm4b:s10+s2], $0x80, v3, vm0, $0xb8;
	[tilespmem:$0x18100] =	vst v63  }
0x21a: {  	s12 =	simm.s32 $0x17900  }
0x21b: {  	[tilespmem:s12], [sflag:$0x3] =	stream.indirect_vreg.gather [hbm4b:s11+s2], $0x80, v3, vm0, $0xb8;
	[tilespmem:$0x18100] =	vst v63  }
0x21c: {  	_ =	swait.ge [sflag:s1], $0x8000  }
0x21d: {  	[sflag:s1] =	ssyncset.done $0x0  }
0x21e: {  	s14 =	rddreg [dreg:$0xc];
	[sflag:s1] =	ssyncadd.s32 $0xFFFF8000  }
0x21f: {  	[hbm4b:s14+s2] =	stream.linear.scatter [tilespmem:s21], [sflag:$0x4], $0x8000, $0x38;
	[tilespmem:$0x18100] =	vst v63  }
0x220: {  	_ =	swait.ge [sflag:s0], $0x8000  }
0x221: {  	[sflag:s0] =	ssyncset.done $0x0  }
0x222: {  	[sflag:s0] =	ssyncadd.s32 $0xFFFF8000  }
0x223: {  	v3 =	vld [tilespmem:$0xC0];
	_ =	sdelay $0x4  }
0x224: {  	v60 =	vshll.u32 v3, $0x4  }
0x225: {  	v3 =	vand.u32 $0x7, v3;
	v4 =	vand.u32 $0xFFFFFF80, v60  }
0x226: {  	v3 =	vor.u32 v3, v4  }
0x227: {  	v4 =	vperm.xlane v3, v0;
	_ =	sdelay $0x1  }
0x228: {  	v4 =	vadd.s32 v1, v4;
	_ =	sdelay $0x4  }
0x229: {  	[tilespmem:s21], [sflag:$0x1] =	stream.indirect_vreg.gather [hbm4b:s4+s2], $0x80, v4, vm0, $0xb8;
	[tilespmem:$0x18100] =	vst v63  }
0x22a: {  	_ = 	snop  }
0x22b: {  	[tilespmem:s20], [sflag:$0x1] =	stream.indirect_vreg.gather [hbm4b:s5+s2], $0x80, v4, vm0, $0xb8;
	[tilespmem:$0x18100] =	vst v63  }
0x22c: {  	s19 =	simm.s32 $0x1100  }
0x22d: {  	[tilespmem:s19], [sflag:$0x1] =	stream.indirect_vreg.gather [hbm4b:s6+s2], $0x80, v4, vm0, $0xb8;
	[tilespmem:$0x18100] =	vst v63  }
0x22e: {  	_ = 	snop  }
0x22f: {  	[tilespmem:s13], [sflag:$0x1] =	stream.indirect_vreg.gather [hbm4b:s7+s2], $0x80, v4, vm0, $0xb8;
	[tilespmem:$0x18100] =	vst v63  }
0x230: {  	_ = 	snop  }
0x231: {  	[tilespmem:s30], [sflag:$0x1] =	stream.indirect_vreg.gather [hbm4b:s8+s2], $0x80, v4, vm0, $0xb8;
	[tilespmem:$0x18100] =	vst v63  }
0x232: {  	v3 =	vperm.xlane v3, v2  }
0x233: {  	[tilespmem:s31], [sflag:$0x1] =	stream.indirect_vreg.gather [hbm4b:s9+s2], $0x80, v4, vm0, $0xb8;
	[tilespmem:$0x18100] =	vst v63  }
0x234: {  	v3 =	vadd.s32 v1, v3;
	s20 =	simm.s32 $0x3100  }
0x235: {  	[tilespmem:s20], [sflag:$0x1] =	stream.indirect_vreg.gather [hbm4b:s10+s2], $0x80, v4, vm0, $0xb8;
	[tilespmem:$0x18100] =	vst v63  }
0x236: {  	s12 =	simm.s32 $0x3900  }
0x237: {  	[tilespmem:s12], [sflag:$0x1] =	stream.indirect_vreg.gather [hbm4b:s11+s2], $0x80, v4, vm0, $0xb8;
	[tilespmem:$0x18100] =	vst v63  }
0x238: {  	s18 =	simm.s32 $0x4100  }
0x239: {  	[tilespmem:s18], [sflag:$0x1] =	stream.indirect_vreg.gather [hbm4b:s4+s2], $0x80, v3, vm0, $0xb8;
	[tilespmem:$0x18100] =	vst v63  }
0x23a: {  	_ = 	snop  }
0x23b: {  	[tilespmem:s23], [sflag:$0x1] =	stream.indirect_vreg.gather [hbm4b:s5+s2], $0x80, v3, vm0, $0xb8;
	[tilespmem:$0x18100] =	vst v63  }
0x23c: {  	_ = 	snop  }
0x23d: {  	[tilespmem:s24], [sflag:$0x1] =	stream.indirect_vreg.gather [hbm4b:s6+s2], $0x80, v3, vm0, $0xb8;
	[tilespmem:$0x18100] =	vst v63  }
0x23e: {  	_ = 	snop  }
0x23f: {  	[tilespmem:s25], [sflag:$0x1] =	stream.indirect_vreg.gather [hbm4b:s7+s2], $0x80, v3, vm0, $0xb8;
	[tilespmem:$0x18100] =	vst v63  }
0x240: {  	_ = 	snop  }
0x241: {  	[tilespmem:s26], [sflag:$0x1] =	stream.indirect_vreg.gather [hbm4b:s8+s2], $0x80, v3, vm0, $0xb8;
	[tilespmem:$0x18100] =	vst v63  }
0x242: {  	_ = 	snop  }
0x243: {  	[tilespmem:s28], [sflag:$0x1] =	stream.indirect_vreg.gather [hbm4b:s9+s2], $0x80, v3, vm0, $0xb8;
	[tilespmem:$0x18100] =	vst v63  }
0x244: {  	_ = 	snop  }
0x245: {  	[tilespmem:s29], [sflag:$0x1] =	stream.indirect_vreg.gather [hbm4b:s10+s2], $0x80, v3, vm0, $0xb8;
	[tilespmem:$0x18100] =	vst v63  }
0x246: {  	s20 =	simm.s32 $0x7900  }
0x247: {  	[tilespmem:s20], [sflag:$0x1] =	stream.indirect_vreg.gather [hbm4b:s11+s2], $0x80, v3, vm0, $0xb8;
	[tilespmem:$0x18100] =	vst v63  }
0x248: {  	_ =	swait.ge [sflag:s22], $0x8000  }
0x249: {  	[sflag:s22] =	ssyncset.done $0x0  }
0x24a: {  	s20 =	simm.s32 $0x8100;
	s3 =	rddreg [dreg:$0xd];
	[sflag:s22] =	ssyncadd.s32 $0xFFFF8000  }
0x24b: {  	[hbm4b:s3+s2] =	stream.linear.scatter [tilespmem:s20], [sflag:$0x5], $0x8000, $0x38;
	[tilespmem:$0x18100] =	vst v63  }
0x24c: {  	_ =	swait.ge [sflag:s15], $0x8000  }
0x24d: {  	[sflag:s15] =	ssyncset.done $0x0  }
0x24e: {  	[sflag:s15] =	ssyncadd.s32 $0xFFFF8000  }
0x24f: {  	v3 =	vld [tilespmem:$0xD0];
	_ =	sdelay $0x4  }
0x250: {  	v61 =	vshll.u32 v3, $0x4  }
0x251: {  	v3 =	vand.u32 $0x7, v3;
	v4 =	vand.u32 $0xFFFFFF80, v61  }
0x252: {  	v3 =	vor.u32 v3, v4  }
0x253: {  	v4 =	vperm.xlane v3, v0;
	_ =	sdelay $0x1  }
0x254: {  	v4 =	vadd.s32 v1, v4;
	_ =	sdelay $0x4  }
0x255: {  	[tilespmem:s20], [sflag:$0x2] =	stream.indirect_vreg.gather [hbm4b:s4+s2], $0x80, v4, vm0, $0xb8;
	[tilespmem:$0x18100] =	vst v63  }
0x256: {  	s20 =	simm.s32 $0x8900  }
0x257: {  	[tilespmem:s20], [sflag:$0x2] =	stream.indirect_vreg.gather [hbm4b:s5+s2], $0x80, v4, vm0, $0xb8;
	[tilespmem:$0x18100] =	vst v63  }
0x258: {  	s20 =	simm.s32 $0x9100  }
0x259: {  	[tilespmem:s20], [sflag:$0x2] =	stream.indirect_vreg.gather [hbm4b:s6+s2], $0x80, v4, vm0, $0xb8;
	[tilespmem:$0x18100] =	vst v63  }
0x25a: {  	s20 =	simm.s32 $0x9900  }
0x25b: {  	[tilespmem:s20], [sflag:$0x2] =	stream.indirect_vreg.gather [hbm4b:s7+s2], $0x80, v4, vm0, $0xb8;
	[tilespmem:$0x18100] =	vst v63  }
0x25c: {  	s20 =	simm.s32 $0xA100  }
0x25d: {  	[tilespmem:s20], [sflag:$0x2] =	stream.indirect_vreg.gather [hbm4b:s8+s2], $0x80, v4, vm0, $0xb8;
	[tilespmem:$0x18100] =	vst v63  }
0x25e: {  	v3 =	vperm.xlane v3, v2;
	s20 =	simm.s32 $0xA900  }
0x25f: {  	[tilespmem:s20], [sflag:$0x2] =	stream.indirect_vreg.gather [hbm4b:s9+s2], $0x80, v4, vm0, $0xb8;
	[tilespmem:$0x18100] =	vst v63  }
0x260: {  	v3 =	vadd.s32 v1, v3;
	s20 =	simm.s32 $0xB100  }
0x261: {  	[tilespmem:s20], [sflag:$0x2] =	stream.indirect_vreg.gather [hbm4b:s10+s2], $0x80, v4, vm0, $0xb8;
	[tilespmem:$0x18100] =	vst v63  }
0x262: {  	s20 =	simm.s32 $0xB900  }
0x263: {  	[tilespmem:s20], [sflag:$0x2] =	stream.indirect_vreg.gather [hbm4b:s11+s2], $0x80, v4, vm0, $0xb8;
	[tilespmem:$0x18100] =	vst v63  }
0x264: {  	s20 =	simm.s32 $0xC100  }
0x265: {  	[tilespmem:s20], [sflag:$0x2] =	stream.indirect_vreg.gather [hbm4b:s4+s2], $0x80, v3, vm0, $0xb8;
	[tilespmem:$0x18100] =	vst v63  }
0x266: {  	s20 =	simm.s32 $0xC900  }
0x267: {  	[tilespmem:s20], [sflag:$0x2] =	stream.indirect_vreg.gather [hbm4b:s5+s2], $0x80, v3, vm0, $0xb8;
	[tilespmem:$0x18100] =	vst v63  }
0x268: {  	s20 =	simm.s32 $0xD100  }
0x269: {  	[tilespmem:s20], [sflag:$0x2] =	stream.indirect_vreg.gather [hbm4b:s6+s2], $0x80, v3, vm0, $0xb8;
	[tilespmem:$0x18100] =	vst v63  }
0x26a: {  	s20 =	simm.s32 $0xD900  }
0x26b: {  	[tilespmem:s20], [sflag:$0x2] =	stream.indirect_vreg.gather [hbm4b:s7+s2], $0x80, v3, vm0, $0xb8;
	[tilespmem:$0x18100] =	vst v63  }
0x26c: {  	s20 =	simm.s32 $0xE100  }
0x26d: {  	[tilespmem:s20], [sflag:$0x2] =	stream.indirect_vreg.gather [hbm4b:s8+s2], $0x80, v3, vm0, $0xb8;
	[tilespmem:$0x18100] =	vst v63  }
0x26e: {  	s20 =	simm.s32 $0xE900  }
0x26f: {  	[tilespmem:s20], [sflag:$0x2] =	stream.indirect_vreg.gather [hbm4b:s9+s2], $0x80, v3, vm0, $0xb8;
	[tilespmem:$0x18100] =	vst v63  }
0x270: {  	s20 =	simm.s32 $0xF100  }
0x271: {  	[tilespmem:s20], [sflag:$0x2] =	stream.indirect_vreg.gather [hbm4b:s10+s2], $0x80, v3, vm0, $0xb8;
	[tilespmem:$0x18100] =	vst v63  }
0x272: {  	s20 =	simm.s32 $0xF900  }
0x273: {  	[tilespmem:s20], [sflag:$0x2] =	stream.indirect_vreg.gather [hbm4b:s11+s2], $0x80, v3, vm0, $0xb8;
	[tilespmem:$0x18100] =	vst v63  }
0x274: {  	_ =	swait.ge [sflag:s16], $0x8000  }
0x275: {  	[sflag:s16] =	ssyncset.done $0x0  }
0x276: {  	s20 =	simm.s32 $0x10100;
	s18 =	rddreg [dreg:$0xe];
	[sflag:s16] =	ssyncadd.s32 $0xFFFF8000  }
0x277: {  	[hbm4b:s18+s2] =	stream.linear.scatter [tilespmem:s20], [sflag:$0x6], $0x8000, $0x38;
	[tilespmem:$0x18100] =	vst v63  }
0x278: {  	_ =	swait.ge [sflag:s17], $0x8000  }
0x279: {  	[sflag:s17] =	ssyncset.done $0x0  }
0x27a: {  	[sflag:s17] =	ssyncadd.s32 $0xFFFF8000  }
0x27b: {  	v3 =	vld [tilespmem:$0xE0];
	_ =	sdelay $0x4  }
0x27c: {  	v62 =	vshll.u32 v3, $0x4  }
0x27d: {  	v3 =	vand.u32 $0x7, v3;
	v4 =	vand.u32 $0xFFFFFF80, v62  }
0x27e: {  	v3 =	vor.u32 v3, v4  }
0x27f: {  	v4 =	vperm.xlane v3, v0;
	_ =	sdelay $0x1  }
0x280: {  	v4 =	vadd.s32 v1, v4;
	_ =	sdelay $0x4  }
0x281: {  	[tilespmem:s20], [sflag:$0x3] =	stream.indirect_vreg.gather [hbm4b:s4+s2], $0x80, v4, vm0, $0xb8;
	[tilespmem:$0x18100] =	vst v63  }
0x282: {  	s18 =	simm.s32 $0x10900  }
0x283: {  	[tilespmem:s18], [sflag:$0x3] =	stream.indirect_vreg.gather [hbm4b:s5+s2], $0x80, v4, vm0, $0xb8;
	[tilespmem:$0x18100] =	vst v63  }
0x284: {  	s18 =	simm.s32 $0x11100  }
0x285: {  	[tilespmem:s18], [sflag:$0x3] =	stream.indirect_vreg.gather [hbm4b:s6+s2], $0x80, v4, vm0, $0xb8;
	[tilespmem:$0x18100] =	vst v63  }
0x286: {  	s18 =	simm.s32 $0x11900  }
0x287: {  	[tilespmem:s18], [sflag:$0x3] =	stream.indirect_vreg.gather [hbm4b:s7+s2], $0x80, v4, vm0, $0xb8;
	[tilespmem:$0x18100] =	vst v63  }
0x288: {  	s18 =	simm.s32 $0x12100  }
0x289: {  	[tilespmem:s18], [sflag:$0x3] =	stream.indirect_vreg.gather [hbm4b:s8+s2], $0x80, v4, vm0, $0xb8;
	[tilespmem:$0x18100] =	vst v63  }
0x28a: {  	v3 =	vperm.xlane v3, v2;
	s18 =	simm.s32 $0x12900  }
0x28b: {  	[tilespmem:s18], [sflag:$0x3] =	stream.indirect_vreg.gather [hbm4b:s9+s2], $0x80, v4, vm0, $0xb8;
	[tilespmem:$0x18100] =	vst v63  }
0x28c: {  	v3 =	vadd.s32 v1, v3;
	s18 =	simm.s32 $0x13100  }
0x28d: {  	[tilespmem:s18], [sflag:$0x3] =	stream.indirect_vreg.gather [hbm4b:s10+s2], $0x80, v4, vm0, $0xb8;
	[tilespmem:$0x18100] =	vst v63  }
0x28e: {  	s18 =	simm.s32 $0x13900  }
0x28f: {  	[tilespmem:s18], [sflag:$0x3] =	stream.indirect_vreg.gather [hbm4b:s11+s2], $0x80, v4, vm0, $0xb8;
	[tilespmem:$0x18100] =	vst v63  }
0x290: {  	s18 =	simm.s32 $0x14100  }
0x291: {  	[tilespmem:s18], [sflag:$0x3] =	stream.indirect_vreg.gather [hbm4b:s4+s2], $0x80, v3, vm0, $0xb8;
	[tilespmem:$0x18100] =	vst v63  }
0x292: {  	s18 =	simm.s32 $0x14900  }
0x293: {  	[tilespmem:s18], [sflag:$0x3] =	stream.indirect_vreg.gather [hbm4b:s5+s2], $0x80, v3, vm0, $0xb8;
	[tilespmem:$0x18100] =	vst v63  }
0x294: {  	s18 =	simm.s32 $0x15100  }
0x295: {  	[tilespmem:s18], [sflag:$0x3] =	stream.indirect_vreg.gather [hbm4b:s6+s2], $0x80, v3, vm0, $0xb8;
	[tilespmem:$0x18100] =	vst v63  }
0x296: {  	s18 =	simm.s32 $0x15900  }
0x297: {  	[tilespmem:s18], [sflag:$0x3] =	stream.indirect_vreg.gather [hbm4b:s7+s2], $0x80, v3, vm0, $0xb8;
	[tilespmem:$0x18100] =	vst v63  }
0x298: {  	s18 =	simm.s32 $0x16100  }
0x299: {  	[tilespmem:s18], [sflag:$0x3] =	stream.indirect_vreg.gather [hbm4b:s8+s2], $0x80, v3, vm0, $0xb8;
	[tilespmem:$0x18100] =	vst v63  }
0x29a: {  	s18 =	simm.s32 $0x16900  }
0x29b: {  	[tilespmem:s18], [sflag:$0x3] =	stream.indirect_vreg.gather [hbm4b:s9+s2], $0x80, v3, vm0, $0xb8;
	[tilespmem:$0x18100] =	vst v63  }
0x29c: {  	s18 =	simm.s32 $0x17100  }
0x29d: {  	[tilespmem:s18], [sflag:$0x3] =	stream.indirect_vreg.gather [hbm4b:s10+s2], $0x80, v3, vm0, $0xb8;
	[tilespmem:$0x18100] =	vst v63  }
0x29e: {  	s18 =	simm.s32 $0x17900  }
0x29f: {  	[tilespmem:s18], [sflag:$0x3] =	stream.indirect_vreg.gather [hbm4b:s11+s2], $0x80, v3, vm0, $0xb8;
	[tilespmem:$0x18100] =	vst v63  }
0x2a0: {  	_ =	swait.ge [sflag:s1], $0x8000  }
0x2a1: {  	[sflag:s1] =	ssyncset.done $0x0  }
0x2a2: {  	s18 =	rddreg [dreg:$0xf];
	[sflag:s1] =	ssyncadd.s32 $0xFFFF8000  }
0x2a3: {  	[hbm4b:s18+s2] =	stream.linear.scatter [tilespmem:s21], [sflag:$0x4], $0x8000, $0x38;
	[tilespmem:$0x18100] =	vst v63  }
0x2a4: {  	_ =	swait.ge [sflag:s0], $0x8000  }
0x2a5: {  	[sflag:s0] =	ssyncset.done $0x0  }
0x2a6: {  	[sflag:s0] =	ssyncadd.s32 $0xFFFF8000  }
0x2a7: {  	v3 =	vld [tilespmem:$0xF0];
	_ =	sdelay $0x4  }
0x2a8: {  	v63 =	vshll.u32 v3, $0x4  }
0x2a9: {  	v3 =	vand.u32 $0x7, v3;
	v4 =	vand.u32 $0xFFFFFF80, v63  }
0x2aa: {  	v3 =	vor.u32 v3, v4  }
0x2ab: {  	v4 =	vperm.xlane v3, v0;
	_ =	sdelay $0x1  }
0x2ac: {  	v4 =	vadd.s32 v1, v4;
	_ =	sdelay $0x4  }
0x2ad: {  	[tilespmem:s21], [sflag:$0x1] =	stream.indirect_vreg.gather [hbm4b:s4+s2], $0x80, v4, vm0, $0xb8;
	[tilespmem:$0x18100] =	vst v63  }
0x2ae: {  	s18 =	simm.s32 $0x900  }
0x2af: {  	[tilespmem:s18], [sflag:$0x1] =	stream.indirect_vreg.gather [hbm4b:s5+s2], $0x80, v4, vm0, $0xb8;
	[tilespmem:$0x18100] =	vst v63  }
0x2b0: {  	s18 =	simm.s32 $0x1100  }
0x2b1: {  	[tilespmem:s18], [sflag:$0x1] =	stream.indirect_vreg.gather [hbm4b:s6+s2], $0x80, v4, vm0, $0xb8;
	[tilespmem:$0x18100] =	vst v63  }
0x2b2: {  	s13 =	simm.s32 $0x1900  }
0x2b3: {  	[tilespmem:s13], [sflag:$0x1] =	stream.indirect_vreg.gather [hbm4b:s7+s2], $0x80, v4, vm0, $0xb8;
	[tilespmem:$0x18100] =	vst v63  }
0x2b4: {  	s30 =	simm.s32 $0x2100  }
0x2b5: {  	[tilespmem:s30], [sflag:$0x1] =	stream.indirect_vreg.gather [hbm4b:s8+s2], $0x80, v4, vm0, $0xb8;
	[tilespmem:$0x18100] =	vst v63  }
0x2b6: {  	s31 =	simm.s32 $0x2900;
	v3 =	vperm.xlane v3, v2  }
0x2b7: {  	[tilespmem:s31], [sflag:$0x1] =	stream.indirect_vreg.gather [hbm4b:s9+s2], $0x80, v4, vm0, $0xb8;
	[tilespmem:$0x18100] =	vst v63  }
0x2b8: {  	s14 =	simm.s32 $0x3100;
	v3 =	vadd.s32 v1, v3  }
0x2b9: {  	[tilespmem:s14], [sflag:$0x1] =	stream.indirect_vreg.gather [hbm4b:s10+s2], $0x80, v4, vm0, $0xb8;
	[tilespmem:$0x18100] =	vst v63  }
0x2ba: {  	s19 =	simm.s32 $0x3900  }
0x2bb: {  	[tilespmem:s19], [sflag:$0x1] =	stream.indirect_vreg.gather [hbm4b:s11+s2], $0x80, v4, vm0, $0xb8;
	[tilespmem:$0x18100] =	vst v63  }
0x2bc: {  	s12 =	simm.s32 $0x4100  }
0x2bd: {  	[tilespmem:s12], [sflag:$0x1] =	stream.indirect_vreg.gather [hbm4b:s4+s2], $0x80, v3, vm0, $0xb8;
	[tilespmem:$0x18100] =	vst v63  }
0x2be: {  	s23 =	simm.s32 $0x4900  }
0x2bf: {  	[tilespmem:s23], [sflag:$0x1] =	stream.indirect_vreg.gather [hbm4b:s5+s2], $0x80, v3, vm0, $0xb8;
	[tilespmem:$0x18100] =	vst v63  }
0x2c0: {  	s24 =	simm.s32 $0x5100  }
0x2c1: {  	[tilespmem:s24], [sflag:$0x1] =	stream.indirect_vreg.gather [hbm4b:s6+s2], $0x80, v3, vm0, $0xb8;
	[tilespmem:$0x18100] =	vst v63  }
0x2c2: {  	s25 =	simm.s32 $0x5900  }
0x2c3: {  	[tilespmem:s25], [sflag:$0x1] =	stream.indirect_vreg.gather [hbm4b:s7+s2], $0x80, v3, vm0, $0xb8;
	[tilespmem:$0x18100] =	vst v63  }
0x2c4: {  	s26 =	simm.s32 $0x6100  }
0x2c5: {  	[tilespmem:s26], [sflag:$0x1] =	stream.indirect_vreg.gather [hbm4b:s8+s2], $0x80, v3, vm0, $0xb8;
	[tilespmem:$0x18100] =	vst v63  }
0x2c6: {  	s28 =	simm.s32 $0x6900  }
0x2c7: {  	[tilespmem:s28], [sflag:$0x1] =	stream.indirect_vreg.gather [hbm4b:s9+s2], $0x80, v3, vm0, $0xb8;
	[tilespmem:$0x18100] =	vst v63  }
0x2c8: {  	s29 =	simm.s32 $0x7100  }
0x2c9: {  	[tilespmem:s29], [sflag:$0x1] =	stream.indirect_vreg.gather [hbm4b:s10+s2], $0x80, v3, vm0, $0xb8;
	[tilespmem:$0x18100] =	vst v63  }
0x2ca: {  	s26 =	simm.s32 $0x7900  }
0x2cb: {  	[tilespmem:s26], [sflag:$0x1] =	stream.indirect_vreg.gather [hbm4b:s11+s2], $0x80, v3, vm0, $0xb8;
	[tilespmem:$0x18100] =	vst v63  }
0x2cc: {  	_ =	swait.ge [sflag:s22], $0x8000  }
0x2cd: {  	[sflag:s22] =	ssyncset.done $0x0  }
0x2ce: {  	s3 =	simm.s32 $0x8100;
	s28 =	rddreg [dreg:$0x10];
	[sflag:s22] =	ssyncadd.s32 $0xFFFF8000  }
0x2cf: {  	[hbm4b:s28+s2] =	stream.linear.scatter [tilespmem:s3], [sflag:$0x5], $0x8000, $0x38;
	[tilespmem:$0x18100] =	vst v63  }
0x2d0: {  	_ =	swait.ge [sflag:s16], $0x8000  }
0x2d1: {  	[sflag:s16] =	ssyncset.done $0x0  }
0x2d2: {  	s20 =	simm.s32 $0x10100;
	s29 =	rddreg [dreg:$0x11];
	[sflag:s16] =	ssyncadd.s32 $0xFFFF8000  }
0x2d3: {  	[hbm4b:s29+s2] =	stream.linear.scatter [tilespmem:s20], [sflag:$0x6], $0x8000, $0x38;
	[tilespmem:$0x18100] =	vst v63  }
0x2d4: {  	_ =	swait.ge [sflag:s1], $0x8000  }
0x2d5: {  	[sflag:s1] =	ssyncset.done $0x0  }
0x2d6: {  	s30 =	rddreg [dreg:$0x12];
	[sflag:s1] =	ssyncadd.s32 $0xFFFF8000  }
0x2d7: {  	[hbm4b:s30+s2] =	stream.linear.scatter [tilespmem:s21], [sflag:$0x4], $0x8000, $0x38;
	[tilespmem:$0x18100] =	vst v63  }
0x2d8: {  	s31 =	rddreg [dreg:$0x14];
	_ =	swait.ge [sflag:s0], $0x8000  }
0x2d9: {  	[sflag:s0] =	ssyncset.done $0x0  }
0x2da: {  	[sflag:s0] =	ssyncadd.s32 $0xFFFF8000  }
0x2db: {  	p0 =	sne.s32 s31, $0x1;
	_ =	swait.ge [sflag:s15], $0x8000  }
.Ltmp0:
0x2dc: {  	[sflag:s15] =	ssyncset.done $0x0;
	(pc) =	sbr.rel @p0 .LBB2_1-.Ltmp0, $4  }
0x2dd: {  	[sflag:s15] =	ssyncadd.s32 $0xFFFF8000  }
0x2de: {  	_ =	swait.ge [sflag:s17], $0x8000  }
0x2df: {  	[sflag:s17] =	ssyncset.done $0x0  }
0x2e0: {  	s12 =	sadd.s32 $0xFFFFFFFF, s31;
	[sflag:s17] =	ssyncadd.s32 $0xFFFF8000  }
0x2e1: {  	_ =	sfence.sel $0x180000  }
0x2e2: {  	[bflag:$0x0] =	sbarrier.arrive $0xFFFF  }
0x2e3: {  	_ =	strace $0x9000004A  }
0x2e4: {  	s0 =	stileid.u32;
	[bflag:$0x2] =	sbarrier.arrive $0xFFFF  }
0x2e5: {  	p0 =	sne.s32 s0, $0x0;
	s0 =	rddreg [dreg:$0x2]  }
0x2e6: {  	s0 =	sadd.s32 @!p0 $0x100000, s0  }
0x2e7: {  	[sflag:s0] =	ssyncadd.tile.s32 @!p0 $0x1;
	_ =	shalt  }
.Lfunc_end2:
_tile_overlayer_lowered:
.L_overlay_start_2:
0x2e8: {  	(tag) =	ssettag $0x2  }
0x2e9: {  	s0 =	rddreg [dreg:$0x0];
	s2 =	stileid.u32  }
0x2ea: {  	s1 =	rddreg [dreg:$0x1];
	p0 =	sne.s32 s2, $0x0  }
0x2eb: {  	s3 =	rddreg [dreg:$0x2];
	[bflag:$0x3] =	sbarrier.arrive $0xFFFF;
	s2 =	simm.s32 @!p0 $0x1C07  }
0x2ec: {  	[timem:s3], [sflag:s2] =	dma.local @!p0 [hbm:s0], s1  }
0x2ed: {  	s0 =	simm.s32 @!p0 $0x7  }
0x2ee: {  	_ =	swait.ge @!p0 [sflag:s0], s1  }
0x2ef: {  	s1 =	ssub.s32 @!p0 $0x0, s1;
	[sflag:s0] =	ssyncset.done @!p0 $0x0  }
0x2f0: {  	[sflag:s0] =	ssyncadd.s32 @!p0 s1  }
0x2f1: {  	[bflag:$0x3] =	sbarrier.arrive $0xFFFF  }
0x2f2: {  	_ =	shalt  }

</sc_bundles>
